<compile_context>
chip_gen: v7x
topology: tpu7x:2x2x1
jax: 0.10.2.dev20260603
libtpu: 0.0.44.dev20260713+nightly
codegen_flags: <defaults>
</compile_context>

<pallas_src>
import functools

import jax
import jax.numpy as jnp
from jax import lax
from jax.experimental import pallas as pl
from jax.experimental.pallas import tpu as pltpu
from jax.experimental.pallas import tpu_sc as plsc

_HIDDEN = 1024
_LANES = 16
_NCORES = 2
_NSUB = 16
_NW = _NCORES * _NSUB

_CHUNK = 16


def _emb_body(ids_hbm, pids_hbm, word_hbm, ptab_hbm, out_hbm,
              idx_w, idx_p, w0, w1, p0, p1, o0, o1,
              sw0, sw1, sp0, sp1, so0, so1, *, per_w, nchunk, wpb):
    w = (w0, w1)
    p = (p0, p1)
    o = (o0, o1)
    sw = (sw0, sw1)
    sp = (sp0, sp1)
    so = (so0, so1)

    wid = lax.axis_index("s") * _NCORES + lax.axis_index("c")
    bi = wid // wpb
    co = (wid % wpb) * per_w
    pltpu.sync_copy(ids_hbm.at[bi, pl.ds(co, per_w)], idx_w)
    pltpu.sync_copy(pids_hbm.at[bi, pl.ds(co, per_w)], idx_p)

    def gather_pair(ci, b):
        off = ci * _CHUNK
        pltpu.make_async_copy(word_hbm.at[idx_w.at[pl.ds(off, _CHUNK)]],
                              w[b], sw[b]).start()
        pltpu.make_async_copy(ptab_hbm.at[idx_p.at[pl.ds(off, _CHUNK)]],
                              p[b], sp[b]).start()

    def wait_gather(ci, b):
        off = ci * _CHUNK
        pltpu.make_async_copy(word_hbm.at[idx_w.at[pl.ds(off, _CHUNK)]],
                              w[b], sw[b]).wait()
        pltpu.make_async_copy(ptab_hbm.at[idx_p.at[pl.ds(off, _CHUNK)]],
                              p[b], sp[b]).wait()

    def start_out(ci, b):
        pltpu.make_async_copy(
            o[b], out_hbm.at[bi, pl.ds(co + ci * _CHUNK, _CHUNK)],
            so[b]).start()

    def wait_out(ci, b):
        pltpu.make_async_copy(
            o[b], out_hbm.at[bi, pl.ds(co + ci * _CHUNK, _CHUNK)],
            so[b]).wait()

    gather_pair(0, 0)

    def pair_body(g, carry):
        for b in (0, 1):
            ci = 2 * g + b
            if b == 0:
                gather_pair(ci + 1, 1 - b)
            else:
                @pl.when(g < (nchunk // 2) - 1)
                def _():
                    gather_pair(ci + 1, 1 - b)
            wait_gather(ci, b)

            @pl.when(g > 0)
            def _():
                wait_out(ci - 2, b)

            def add_row(r, c2):
                for j in range(_HIDDEN // _LANES):
                    sl = pl.ds(j * _LANES, _LANES)
                    o[b][r, sl] = w[b][r, sl] + p[b][r, sl]
                return c2

            lax.fori_loop(0, _CHUNK, add_row, 0, unroll=False)
            start_out(ci, b)
        return carry

    lax.fori_loop(0, nchunk // 2, pair_body, 0, unroll=False)
    wait_out(nchunk - 2, 0)
    wait_out(nchunk - 1, 1)


def kernel(input_ids, position_ids, word_table, pos_table):
    b, s = input_ids.shape
    n = b * s
    per_w = n // _NW
    nchunk = per_w // _CHUNK
    wpb = s // per_w
    if input_ids.dtype != jnp.int32:
        input_ids = input_ids.astype(jnp.int32)
    if position_ids.dtype != jnp.int32:
        position_ids = position_ids.astype(jnp.int32)


    mesh = plsc.VectorSubcoreMesh(core_axis_name="c", subcore_axis_name="s")
    scratch = [pltpu.VMEM((per_w,), jnp.int32),
               pltpu.VMEM((per_w,), jnp.int32),
               pltpu.VMEM((_CHUNK, _HIDDEN), jnp.float32),
               pltpu.VMEM((_CHUNK, _HIDDEN), jnp.float32),
               pltpu.VMEM((_CHUNK, _HIDDEN), jnp.float32),
               pltpu.VMEM((_CHUNK, _HIDDEN), jnp.float32),
               pltpu.VMEM((_CHUNK, _HIDDEN), jnp.float32),
               pltpu.VMEM((_CHUNK, _HIDDEN), jnp.float32)]
    scratch += [pltpu.SemaphoreType.DMA for _ in range(6)]
    grid_kernel = pl.kernel(
        functools.partial(_emb_body, per_w=per_w, nchunk=nchunk, wpb=wpb),
        mesh=mesh,
        out_type=jax.ShapeDtypeStruct((b, s, _HIDDEN), jnp.float32),
        scratch_types=scratch,
    )
    return grid_kernel(input_ids, position_ids, word_table, pos_table)

# --- scband reference (transcript-rebuilt; emitter-appended) ---
"""Pipeline reference for scband-splinter-embeddings-66271345377875 (READ-ONLY COPY).

The authoritative reference and input builder live on the scoring server;
editing this copy changes nothing except your own understanding.
"""

import jax, jax.numpy as jnp
import numpy as np

VOCAB = 100000
HIDDEN = 1024
MAX_POS = 2048
B, S = 4, 2048


def setup_inputs(seed: int = 0) -> dict:
    key = jax.random.key(seed)
    k1, k2, k3, k4 = jax.random.split(key, 4)
    input_ids = jax.random.randint(k1, (B, S), 0, VOCAB, dtype=jnp.int64 if jax.config.jax_enable_x64 else jnp.int32)
    position_ids = jax.random.randint(k2, (B, S), 0, MAX_POS, dtype=jnp.int64 if jax.config.jax_enable_x64 else jnp.int32)
    word_table = jax.random.normal(k3, (VOCAB, HIDDEN), dtype=jnp.float32) * 0.02
    pos_table = jax.random.normal(k4, (MAX_POS, HIDDEN), dtype=jnp.float32) * 0.02
    return {"input_ids": input_ids, "position_ids": position_ids, "word_table": word_table, "pos_table": pos_table}


def reference(input_ids, position_ids, word_table, pos_table):
    word_embeddings = jnp.take(word_table, input_ids, axis=0)
    position_embeddings = jnp.take(pos_table, position_ids, axis=0)
    return word_embeddings + position_embeddings

if __name__ == "__main__":
    import jax
    _d = setup_inputs()
    print(jax.jit(kernel)(*tuple(_d.values())))

</pallas_src>

<mosaic_0001>
#map = affine_map<(d0, d1) -> (0, 0)>
#map1 = affine_map<(d0, d1) -> (0, 0, 0)>
module attributes {stable_mosaic.version = 14 : i64} {
  func.func @_emb_body(%arg0: i32, %arg1: i32, %arg2: memref<4x2048xi32, #tpu.memory_space<hbm>>, %arg3: memref<4x2048xi32, #tpu.memory_space<hbm>>, %arg4: memref<100000x1024xf32, #tpu.memory_space<hbm>>, %arg5: memref<2048x1024xf32, #tpu.memory_space<hbm>>, %arg6: memref<4x2048x1024xf32, #tpu.memory_space<hbm>>, %arg7: memref<256xi32, #tpu.memory_space<vmem>>, %arg8: memref<256xi32, #tpu.memory_space<vmem>>, %arg9: memref<16x1024xf32, #tpu.memory_space<vmem>>, %arg10: memref<16x1024xf32, #tpu.memory_space<vmem>>, %arg11: memref<16x1024xf32, #tpu.memory_space<vmem>>, %arg12: memref<16x1024xf32, #tpu.memory_space<vmem>>, %arg13: memref<16x1024xf32, #tpu.memory_space<vmem>>, %arg14: memref<16x1024xf32, #tpu.memory_space<vmem>>, %arg15: memref<!tpu.dma_semaphore, #tpu.memory_space<semaphore_mem>>, %arg16: memref<!tpu.dma_semaphore, #tpu.memory_space<semaphore_mem>>, %arg17: memref<!tpu.dma_semaphore, #tpu.memory_space<semaphore_mem>>, %arg18: memref<!tpu.dma_semaphore, #tpu.memory_space<semaphore_mem>>, %arg19: memref<!tpu.dma_semaphore, #tpu.memory_space<semaphore_mem>>, %arg20: memref<!tpu.dma_semaphore, #tpu.memory_space<semaphore_mem>>) attributes {dimension_semantics = [#tpu.dimension_semantics<core_parallel>, #tpu.dimension_semantics<subcore_parallel>], iteration_bounds = array<i64: 2, 16>, scalar_prefetch = 0 : i64, scratch_operands = 14 : i64, tpu.core_type = #tpu.core_type<sc_vector_subcore>, window_params = [{transform_indices = #map}, {transform_indices = #map}, {transform_indices = #map}, {transform_indices = #map}, {transform_indices = #map1}]} {
    %mul3A = arith.constant 2 : i32
    %mul3A_0 = arith.muli %arg1, %mul3A : i32
    %add3A = arith.addi %mul3A_0, %arg0 : i32
    %jit3A = arith.constant 8 : i32
    %div3A = arith.divsi %add3A, %jit3A : i32
    %sign3A = arith.constant 0 : i32
    %sign3A_1 = arith.cmpi sgt, %add3A, %sign3A : i32
    %sign3A_2 = arith.extui %sign3A_1 : i1 to i32
    %sign3A_3 = arith.constant 0 : i32
    %sign3A_4 = arith.cmpi slt, %add3A, %sign3A_3 : i32
    %sign3A_5 = arith.extui %sign3A_4 : i1 to i32
    %sign3A_6 = arith.subi %sign3A_2, %sign3A_5 : i32
    %sign3A_7 = arith.constant 0 : i32
    %sign3A_8 = arith.cmpi sgt, %jit3A, %sign3A_7 : i32
    %sign3A_9 = arith.extui %sign3A_8 : i1 to i32
    %sign3A_10 = arith.constant 0 : i32
    %sign3A_11 = arith.cmpi slt, %jit3A, %sign3A_10 : i32
    %sign3A_12 = arith.extui %sign3A_11 : i1 to i32
    %sign3A_13 = arith.subi %sign3A_9, %sign3A_12 : i32
    %ne3A = arith.cmpi ne, %sign3A_6, %sign3A_13 : i32
    %rem3A = arith.remsi %add3A, %jit3A : i32
    %ne3A_14 = arith.constant 0 : i32
    %ne3A_15 = arith.cmpi ne, %rem3A, %ne3A_14 : i32
    %and3A = arith.andi %ne3A, %ne3A_15 : i1
    %sub3A = arith.constant 1 : i32
    %sub3A_16 = arith.subi %div3A, %sub3A : i32
    %select_n3A = arith.select %and3A, %sub3A_16, %div3A : i32
    %jit3A_17 = arith.constant 8 : i32
    %eq3A = arith.constant 0 : i32
    %eq3A_18 = arith.cmpi eq, %jit3A_17, %eq3A : i32
    %jit3A_19 = arith.constant 1 : i32
    %select_n3A_20 = arith.select %eq3A_18, %jit3A_19, %jit3A_17 : i32
    %rem3A_21 = arith.remsi %add3A, %select_n3A_20 : i32
    %ne3A_22 = arith.constant 0 : i32
    %ne3A_23 = arith.cmpi ne, %rem3A_21, %ne3A_22 : i32
    %lt3A = arith.constant 0 : i32
    %lt3A_24 = arith.cmpi slt, %rem3A_21, %lt3A : i32
    %lt3A_25 = arith.constant 0 : i32
    %lt3A_26 = arith.cmpi slt, %select_n3A_20, %lt3A_25 : i32
    %ne3A_27 = arith.xori %lt3A_24, %lt3A_26 : i1
    %and3A_28 = arith.andi %ne3A_27, %ne3A_23 : i1
    %add3A_29 = arith.addi %rem3A_21, %select_n3A_20 : i32
    %select_n3A_30 = arith.select %and3A_28, %add3A_29, %rem3A_21 : i32
    %mul3A_31 = arith.constant 256 : i32
    %mul3A_32 = arith.muli %select_n3A_30, %mul3A_31 : i32
    "tpu.region"() ({
      %run_scoped3A = tpu.sem_alloc : memref<!tpu.dma_semaphore, #tpu.memory_space<semaphore_mem>>
      %dma_start3A_62 = tpu.memref_slice %arg2[%select_n3A, %mul3A_32] : memref<4x2048xi32, #tpu.memory_space<hbm>> -> memref<1x256xi32, #tpu.memory_space<hbm>>
      %dma_start3A_63 = tpu.memref_squeeze %dma_start3A_62 : memref<1x256xi32, #tpu.memory_space<hbm>> -> memref<256xi32, #tpu.memory_space<hbm>>
      %dma_start3A_64 = tpu.memref_slice %arg2[%select_n3A, %mul3A_32] : memref<4x2048xi32, #tpu.memory_space<hbm>> -> memref<1x256xi32, #tpu.memory_space<hbm>>
      %dma_start3A_65 = tpu.memref_squeeze %dma_start3A_64 : memref<1x256xi32, #tpu.memory_space<hbm>> -> memref<256xi32, #tpu.memory_space<hbm>>
      tpu.enqueue_dma source(%dma_start3A_65 : memref<256xi32, #tpu.memory_space<hbm>>) target(%arg7 : memref<256xi32, #tpu.memory_space<vmem>>) target_semaphore(%run_scoped3A : memref<!tpu.dma_semaphore, #tpu.memory_space<semaphore_mem>>)
      %dma_wait3A_66 = tpu.memref_slice %arg2[%select_n3A, %mul3A_32] : memref<4x2048xi32, #tpu.memory_space<hbm>> -> memref<1x256xi32, #tpu.memory_space<hbm>>
      %dma_wait3A_67 = tpu.memref_squeeze %dma_wait3A_66 : memref<1x256xi32, #tpu.memory_space<hbm>> -> memref<256xi32, #tpu.memory_space<hbm>>
      %dma_wait3A_68 = tpu.memref_slice %arg2[%select_n3A, %mul3A_32] : memref<4x2048xi32, #tpu.memory_space<hbm>> -> memref<1x256xi32, #tpu.memory_space<hbm>>
      %dma_wait3A_69 = tpu.memref_squeeze %dma_wait3A_68 : memref<1x256xi32, #tpu.memory_space<hbm>> -> memref<256xi32, #tpu.memory_space<hbm>>
      tpu.wait_dma2 semaphore(%run_scoped3A : memref<!tpu.dma_semaphore, #tpu.memory_space<semaphore_mem>>) src(%dma_wait3A_69 : memref<256xi32, #tpu.memory_space<hbm>>) dst(%arg7 : memref<256xi32, #tpu.memory_space<vmem>>)
      tpu.yield
    }) : () -> ()
    "tpu.region"() ({
      %run_scoped3A = tpu.sem_alloc : memref<!tpu.dma_semaphore, #tpu.memory_space<semaphore_mem>>
      %dma_start3A_62 = tpu.memref_slice %arg3[%select_n3A, %mul3A_32] : memref<4x2048xi32, #tpu.memory_space<hbm>> -> memref<1x256xi32, #tpu.memory_space<hbm>>
      %dma_start3A_63 = tpu.memref_squeeze %dma_start3A_62 : memref<1x256xi32, #tpu.memory_space<hbm>> -> memref<256xi32, #tpu.memory_space<hbm>>
      %dma_start3A_64 = tpu.memref_slice %arg3[%select_n3A, %mul3A_32] : memref<4x2048xi32, #tpu.memory_space<hbm>> -> memref<1x256xi32, #tpu.memory_space<hbm>>
      %dma_start3A_65 = tpu.memref_squeeze %dma_start3A_64 : memref<1x256xi32, #tpu.memory_space<hbm>> -> memref<256xi32, #tpu.memory_space<hbm>>
      tpu.enqueue_dma source(%dma_start3A_65 : memref<256xi32, #tpu.memory_space<hbm>>) target(%arg8 : memref<256xi32, #tpu.memory_space<vmem>>) target_semaphore(%run_scoped3A : memref<!tpu.dma_semaphore, #tpu.memory_space<semaphore_mem>>)
      %dma_wait3A_66 = tpu.memref_slice %arg3[%select_n3A, %mul3A_32] : memref<4x2048xi32, #tpu.memory_space<hbm>> -> memref<1x256xi32, #tpu.memory_space<hbm>>
      %dma_wait3A_67 = tpu.memref_squeeze %dma_wait3A_66 : memref<1x256xi32, #tpu.memory_space<hbm>> -> memref<256xi32, #tpu.memory_space<hbm>>
      %dma_wait3A_68 = tpu.memref_slice %arg3[%select_n3A, %mul3A_32] : memref<4x2048xi32, #tpu.memory_space<hbm>> -> memref<1x256xi32, #tpu.memory_space<hbm>>
      %dma_wait3A_69 = tpu.memref_squeeze %dma_wait3A_68 : memref<1x256xi32, #tpu.memory_space<hbm>> -> memref<256xi32, #tpu.memory_space<hbm>>
      tpu.wait_dma2 semaphore(%run_scoped3A : memref<!tpu.dma_semaphore, #tpu.memory_space<semaphore_mem>>) src(%dma_wait3A_69 : memref<256xi32, #tpu.memory_space<hbm>>) dst(%arg8 : memref<256xi32, #tpu.memory_space<vmem>>)
      tpu.yield
    }) : () -> ()
    %dma_start3A = arith.constant 0 : i32
    %dma_start3A_33 = tpu.memref_slice %arg7[%dma_start3A] : memref<256xi32, #tpu.memory_space<vmem>> -> memref<16xi32, #tpu.memory_space<vmem>>
    %dma_start3A_34 = arith.constant 0 : i32
    %dma_start3A_35 = arith.constant 0 : i32
    %dma_start3A_36 = tpu.memref_slice %arg4[%dma_start3A_34, %dma_start3A_35] : memref<100000x1024xf32, #tpu.memory_space<hbm>> -> memref<100000x1024xf32, #tpu.memory_space<hbm>>
    tpu.enqueue_indirect_dma source(%dma_start3A_36 : memref<100000x1024xf32, #tpu.memory_space<hbm>>) target(%arg9 : memref<16x1024xf32, #tpu.memory_space<vmem>>) offsets(%dma_start3A_33 : memref<16xi32, #tpu.memory_space<vmem>>) semaphore(%arg15 : memref<!tpu.dma_semaphore, #tpu.memory_space<semaphore_mem>>)
    %dma_start3A_37 = arith.constant 0 : i32
    %dma_start3A_38 = tpu.memref_slice %arg8[%dma_start3A_37] : memref<256xi32, #tpu.memory_space<vmem>> -> memref<16xi32, #tpu.memory_space<vmem>>
    %dma_start3A_39 = arith.constant 0 : i32
    %dma_start3A_40 = arith.constant 0 : i32
    %dma_start3A_41 = tpu.memref_slice %arg5[%dma_start3A_39, %dma_start3A_40] : memref<2048x1024xf32, #tpu.memory_space<hbm>> -> memref<2048x1024xf32, #tpu.memory_space<hbm>>
    tpu.enqueue_indirect_dma source(%dma_start3A_41 : memref<2048x1024xf32, #tpu.memory_space<hbm>>) target(%arg11 : memref<16x1024xf32, #tpu.memory_space<vmem>>) offsets(%dma_start3A_38 : memref<16xi32, #tpu.memory_space<vmem>>) semaphore(%arg17 : memref<!tpu.dma_semaphore, #tpu.memory_space<semaphore_mem>>)
    %scan3A = arith.constant 0 : i32
    %scan3A_42 = arith.constant 0 : i32
    %scan3A_43 = arith.constant 8 : i32
    %scan3A_44 = arith.addi %scan3A_42, %scan3A_43 : i32
    %scan3A_45 = arith.constant 1 : i32
    scf.for %scan3A_62 = %scan3A_42 to %scan3A_44 step %scan3A_45  : i32 {
      %mul3A_63 = arith.constant 2 : i32
      %mul3A_64 = arith.muli %mul3A_63, %scan3A_62 : i32
      %add3A_65 = arith.constant 0 : i32
      %add3A_66 = arith.addi %mul3A_64, %add3A_65 : i32
      %add3A_67 = arith.constant 1 : i32
      %add3A_68 = arith.addi %add3A_66, %add3A_67 : i32
      %mul3A_69 = arith.constant 16 : i32
      %mul3A_70 = arith.muli %add3A_68, %mul3A_69 : i32
      %dma_start3A_71 = tpu.memref_slice %arg7[%mul3A_70] : memref<256xi32, #tpu.memory_space<vmem>> -> memref<16xi32, #tpu.memory_space<vmem>>
      %dma_start3A_72 = arith.constant 0 : i32
      %dma_start3A_73 = arith.constant 0 : i32
      %dma_start3A_74 = tpu.memref_slice %arg4[%dma_start3A_72, %dma_start3A_73] : memref<100000x1024xf32, #tpu.memory_space<hbm>> -> memref<100000x1024xf32, #tpu.memory_space<hbm>>
      tpu.enqueue_indirect_dma source(%dma_start3A_74 : memref<100000x1024xf32, #tpu.memory_space<hbm>>) target(%arg10 : memref<16x1024xf32, #tpu.memory_space<vmem>>) offsets(%dma_start3A_71 : memref<16xi32, #tpu.memory_space<vmem>>) semaphore(%arg16 : memref<!tpu.dma_semaphore, #tpu.memory_space<semaphore_mem>>)
      %dma_start3A_75 = tpu.memref_slice %arg8[%mul3A_70] : memref<256xi32, #tpu.memory_space<vmem>> -> memref<16xi32, #tpu.memory_space<vmem>>
      %dma_start3A_76 = arith.constant 0 : i32
      %dma_start3A_77 = arith.constant 0 : i32
      %dma_start3A_78 = tpu.memref_slice %arg5[%dma_start3A_76, %dma_start3A_77] : memref<2048x1024xf32, #tpu.memory_space<hbm>> -> memref<2048x1024xf32, #tpu.memory_space<hbm>>
      tpu.enqueue_indirect_dma source(%dma_start3A_78 : memref<2048x1024xf32, #tpu.memory_space<hbm>>) target(%arg12 : memref<16x1024xf32, #tpu.memory_space<vmem>>) offsets(%dma_start3A_75 : memref<16xi32, #tpu.memory_space<vmem>>) semaphore(%arg18 : memref<!tpu.dma_semaphore, #tpu.memory_space<semaphore_mem>>)
      %mul3A_79 = arith.constant 16 : i32
      %mul3A_80 = arith.muli %add3A_66, %mul3A_79 : i32
      %dma_wait3A_81 = tpu.memref_slice %arg7[%mul3A_80] : memref<256xi32, #tpu.memory_space<vmem>> -> memref<16xi32, #tpu.memory_space<vmem>>
      %dma_wait3A_82 = arith.constant 0 : i32
      %dma_wait3A_83 = arith.constant 0 : i32
      %dma_wait3A_84 = tpu.memref_slice %arg4[%dma_wait3A_82, %dma_wait3A_83] : memref<100000x1024xf32, #tpu.memory_space<hbm>> -> memref<100000x1024xf32, #tpu.memory_space<hbm>>
      tpu.wait_indirect_dma semaphore(%arg15 : memref<!tpu.dma_semaphore, #tpu.memory_space<semaphore_mem>>) src(%dma_wait3A_84 : memref<100000x1024xf32, #tpu.memory_space<hbm>>) dst(%arg9 : memref<16x1024xf32, #tpu.memory_space<vmem>>)
      %dma_wait3A_85 = tpu.memref_slice %arg8[%mul3A_80] : memref<256xi32, #tpu.memory_space<vmem>> -> memref<16xi32, #tpu.memory_space<vmem>>
      %dma_wait3A_86 = arith.constant 0 : i32
      %dma_wait3A_87 = arith.constant 0 : i32
      %dma_wait3A_88 = tpu.memref_slice %arg5[%dma_wait3A_86, %dma_wait3A_87] : memref<2048x1024xf32, #tpu.memory_space<hbm>> -> memref<2048x1024xf32, #tpu.memory_space<hbm>>
      tpu.wait_indirect_dma semaphore(%arg17 : memref<!tpu.dma_semaphore, #tpu.memory_space<semaphore_mem>>) src(%dma_wait3A_88 : memref<2048x1024xf32, #tpu.memory_space<hbm>>) dst(%arg11 : memref<16x1024xf32, #tpu.memory_space<vmem>>)
      %gt3A = arith.constant 0 : i32
      %gt3A_89 = arith.cmpi sgt, %scan3A_62, %gt3A : i32
      %convert_element_type3A = arith.extui %gt3A_89 : i1 to i32
      %cond3A = arith.constant 0 : i32
      %cond3A_90 = arith.cmpi ne, %convert_element_type3A, %cond3A : i32
      scf.if %cond3A_90 {
        %sub3A_145 = arith.constant 2 : i32
        %sub3A_146 = arith.subi %add3A_66, %sub3A_145 : i32
        %mul3A_147 = arith.constant 16 : i32
        %mul3A_148 = arith.muli %sub3A_146, %mul3A_147 : i32
        %add3A_149 = arith.addi %mul3A_32, %mul3A_148 : i32
        %dma_wait3A_150 = arith.constant 0 : i32
        %dma_wait3A_151 = tpu.memref_slice %arg6[%select_n3A, %add3A_149, %dma_wait3A_150] : memref<4x2048x1024xf32, #tpu.memory_space<hbm>> -> memref<1x16x1024xf32, #tpu.memory_space<hbm>>
        %dma_wait3A_152 = tpu.memref_squeeze %dma_wait3A_151 : memref<1x16x1024xf32, #tpu.memory_space<hbm>> -> memref<16x1024xf32, #tpu.memory_space<hbm>>
        %dma_wait3A_153 = arith.constant 0 : i32
        %dma_wait3A_154 = tpu.memref_slice %arg6[%select_n3A, %add3A_149, %dma_wait3A_153] : memref<4x2048x1024xf32, #tpu.memory_space<hbm>> -> memref<1x16x1024xf32, #tpu.memory_space<hbm>>
        %dma_wait3A_155 = tpu.memref_squeeze %dma_wait3A_154 : memref<1x16x1024xf32, #tpu.memory_space<hbm>> -> memref<16x1024xf32, #tpu.memory_space<hbm>>
        tpu.wait_dma2 semaphore(%arg19 : memref<!tpu.dma_semaphore, #tpu.memory_space<semaphore_mem>>) src(%arg13 : memref<16x1024xf32, #tpu.memory_space<vmem>>) dst(%dma_wait3A_155 : memref<16x1024xf32, #tpu.memory_space<hbm>>)
      } else {
      }
      %scan3A_91 = arith.constant 0 : i32
      %scan3A_92 = arith.constant 0 : i32
      %scan3A_93 = arith.constant 16 : i32
      %scan3A_94 = arith.addi %scan3A_92, %scan3A_93 : i32
      %scan3A_95 = arith.constant 1 : i32
      scf.for %scan3A_145 = %scan3A_92 to %scan3A_94 step %scan3A_95  : i32 {
        %get3A = arith.index_cast %scan3A_145 : i32 to index
        %get3A_146 = arith.constant 0 : index
        %get3A_147 = tpu.vector_load %arg9[%get3A, %get3A_146] {strides = array<i32>} : memref<16x1024xf32, #tpu.memory_space<vmem>>, vector<1x16xf32>,
        %get3A_148 = vector.shape_cast %get3A_147 : vector<1x16xf32> to vector<16xf32>
        %get3A_149 = arith.index_cast %scan3A_145 : i32 to index
        %get3A_150 = arith.constant 0 : index
        %get3A_151 = tpu.vector_load %arg11[%get3A_149, %get3A_150] {strides = array<i32>} : memref<16x1024xf32, #tpu.memory_space<vmem>>, vector<1x16xf32>,
        %get3A_152 = vector.shape_cast %get3A_151 : vector<1x16xf32> to vector<16xf32>
        %add3A_153 = arith.addf %get3A_148, %get3A_152 : vector<16xf32>
        %swap3A = arith.index_cast %scan3A_145 : i32 to index
        %swap3A_154 = arith.constant 0 : index
        %swap3A_155 = tpu.vector_load %arg13[%swap3A, %swap3A_154] {strides = array<i32>} : memref<16x1024xf32, #tpu.memory_space<vmem>>, vector<1x16xf32>,
        %swap3A_156 = vector.shape_cast %swap3A_155 : vector<1x16xf32> to vector<16xf32>
        %swap3A_157 = vector.shape_cast %add3A_153 : vector<16xf32> to vector<1x16xf32>
        tpu.vector_store %arg13[%swap3A, %swap3A_154], %swap3A_157 {strides = array<i32>} : memref<16x1024xf32, #tpu.memory_space<vmem>>, vector<1x16xf32>,
        %get3A_158 = arith.index_cast %scan3A_145 : i32 to index
        %get3A_159 = arith.constant 16 : index
        %get3A_160 = tpu.vector_load %arg9[%get3A_158, %get3A_159] {strides = array<i32>} : memref<16x1024xf32, #tpu.memory_space<vmem>>, vector<1x16xf32>,
        %get3A_161 = vector.shape_cast %get3A_160 : vector<1x16xf32> to vector<16xf32>
        %get3A_162 = arith.index_cast %scan3A_145 : i32 to index
        %get3A_163 = arith.constant 16 : index
        %get3A_164 = tpu.vector_load %arg11[%get3A_162, %get3A_163] {strides = array<i32>} : memref<16x1024xf32, #tpu.memory_space<vmem>>, vector<1x16xf32>,
        %get3A_165 = vector.shape_cast %get3A_164 : vector<1x16xf32> to vector<16xf32>
        %add3A_166 = arith.addf %get3A_161, %get3A_165 : vector<16xf32>
        %swap3A_167 = arith.index_cast %scan3A_145 : i32 to index
        %swap3A_168 = arith.constant 16 : index
        %swap3A_169 = tpu.vector_load %arg13[%swap3A_167, %swap3A_168] {strides = array<i32>} : memref<16x1024xf32, #tpu.memory_space<vmem>>, vector<1x16xf32>,
        %swap3A_170 = vector.shape_cast %swap3A_169 : vector<1x16xf32> to vector<16xf32>
        %swap3A_171 = vector.shape_cast %add3A_166 : vector<16xf32> to vector<1x16xf32>
        tpu.vector_store %arg13[%swap3A_167, %swap3A_168], %swap3A_171 {strides = array<i32>} : memref<16x1024xf32, #tpu.memory_space<vmem>>, vector<1x16xf32>,
        %get3A_172 = arith.index_cast %scan3A_145 : i32 to index
        %get3A_173 = arith.constant 32 : index
        %get3A_174 = tpu.vector_load %arg9[%get3A_172, %get3A_173] {strides = array<i32>} : memref<16x1024xf32, #tpu.memory_space<vmem>>, vector<1x16xf32>,
        %get3A_175 = vector.shape_cast %get3A_174 : vector<1x16xf32> to vector<16xf32>
        %get3A_176 = arith.index_cast %scan3A_145 : i32 to index
        %get3A_177 = arith.constant 32 : index
        %get3A_178 = tpu.vector_load %arg11[%get3A_176, %get3A_177] {strides = array<i32>} : memref<16x1024xf32, #tpu.memory_space<vmem>>, vector<1x16xf32>,
        %get3A_179 = vector.shape_cast %get3A_178 : vector<1x16xf32> to vector<16xf32>
        %add3A_180 = arith.addf %get3A_175, %get3A_179 : vector<16xf32>
        %swap3A_181 = arith.index_cast %scan3A_145 : i32 to index
        %swap3A_182 = arith.constant 32 : index
        %swap3A_183 = tpu.vector_load %arg13[%swap3A_181, %swap3A_182] {strides = array<i32>} : memref<16x1024xf32, #tpu.memory_space<vmem>>, vector<1x16xf32>,
        %swap3A_184 = vector.shape_cast %swap3A_183 : vector<1x16xf32> to vector<16xf32>
        %swap3A_185 = vector.shape_cast %add3A_180 : vector<16xf32> to vector<1x16xf32>
        tpu.vector_store %arg13[%swap3A_181, %swap3A_182], %swap3A_185 {strides = array<i32>} : memref<16x1024xf32, #tpu.memory_space<vmem>>, vector<1x16xf32>,
        %get3A_186 = arith.index_cast %scan3A_145 : i32 to index
        %get3A_187 = arith.constant 48 : index
        %get3A_188 = tpu.vector_load %arg9[%get3A_186, %get3A_187] {strides = array<i32>} : memref<16x1024xf32, #tpu.memory_space<vmem>>, vector<1x16xf32>,
        %get3A_189 = vector.shape_cast %get3A_188 : vector<1x16xf32> to vector<16xf32>
        %get3A_190 = arith.index_cast %scan3A_145 : i32 to index
        %get3A_191 = arith.constant 48 : index
        %get3A_192 = tpu.vector_load %arg11[%get3A_190, %get3A_191] {strides = array<i32>} : memref<16x1024xf32, #tpu.memory_space<vmem>>, vector<1x16xf32>,
        %get3A_193 = vector.shape_cast %get3A_192 : vector<1x16xf32> to vector<16xf32>
        %add3A_194 = arith.addf %get3A_189, %get3A_193 : vector<16xf32>
        %swap3A_195 = arith.index_cast %scan3A_145 : i32 to index
        %swap3A_196 = arith.constant 48 : index
        %swap3A_197 = tpu.vector_load %arg13[%swap3A_195, %swap3A_196] {strides = array<i32>} : memref<16x1024xf32, #tpu.memory_space<vmem>>, vector<1x16xf32>,
        %swap3A_198 = vector.shape_cast %swap3A_197 : vector<1x16xf32> to vector<16xf32>
        %swap3A_199 = vector.shape_cast %add3A_194 : vector<16xf32> to vector<1x16xf32>
        tpu.vector_store %arg13[%swap3A_195, %swap3A_196], %swap3A_199 {strides = array<i32>} : memref<16x1024xf32, #tpu.memory_space<vmem>>, vector<1x16xf32>,
        %get3A_200 = arith.index_cast %scan3A_145 : i32 to index
        %get3A_201 = arith.constant 64 : index
        %get3A_202 = tpu.vector_load %arg9[%get3A_200, %get3A_201] {strides = array<i32>} : memref<16x1024xf32, #tpu.memory_space<vmem>>, vector<1x16xf32>,
        %get3A_203 = vector.shape_cast %get3A_202 : vector<1x16xf32> to vector<16xf32>
        %get3A_204 = arith.index_cast %scan3A_145 : i32 to index
        %get3A_205 = arith.constant 64 : index
        %get3A_206 = tpu.vector_load %arg11[%get3A_204, %get3A_205] {strides = array<i32>} : memref<16x1024xf32, #tpu.memory_space<vmem>>, vector<1x16xf32>,
        %get3A_207 = vector.shape_cast %get3A_206 : vector<1x16xf32> to vector<16xf32>
        %add3A_208 = arith.addf %get3A_203, %get3A_207 : vector<16xf32>
        %swap3A_209 = arith.index_cast %scan3A_145 : i32 to index
        %swap3A_210 = arith.constant 64 : index
        %swap3A_211 = tpu.vector_load %arg13[%swap3A_209, %swap3A_210] {strides = array<i32>} : memref<16x1024xf32, #tpu.memory_space<vmem>>, vector<1x16xf32>,
        %swap3A_212 = vector.shape_cast %swap3A_211 : vector<1x16xf32> to vector<16xf32>
        %swap3A_213 = vector.shape_cast %add3A_208 : vector<16xf32> to vector<1x16xf32>
        tpu.vector_store %arg13[%swap3A_209, %swap3A_210], %swap3A_213 {strides = array<i32>} : memref<16x1024xf32, #tpu.memory_space<vmem>>, vector<1x16xf32>,
        %get3A_214 = arith.index_cast %scan3A_145 : i32 to index
        %get3A_215 = arith.constant 80 : index
        %get3A_216 = tpu.vector_load %arg9[%get3A_214, %get3A_215] {strides = array<i32>} : memref<16x1024xf32, #tpu.memory_space<vmem>>, vector<1x16xf32>,
        %get3A_217 = vector.shape_cast %get3A_216 : vector<1x16xf32> to vector<16xf32>
        %get3A_218 = arith.index_cast %scan3A_145 : i32 to index
        %get3A_219 = arith.constant 80 : index
        %get3A_220 = tpu.vector_load %arg11[%get3A_218, %get3A_219] {strides = array<i32>} : memref<16x1024xf32, #tpu.memory_space<vmem>>, vector<1x16xf32>,
        %get3A_221 = vector.shape_cast %get3A_220 : vector<1x16xf32> to vector<16xf32>
        %add3A_222 = arith.addf %get3A_217, %get3A_221 : vector<16xf32>
        %swap3A_223 = arith.index_cast %scan3A_145 : i32 to index
        %swap3A_224 = arith.constant 80 : index
        %swap3A_225 = tpu.vector_load %arg13[%swap3A_223, %swap3A_224] {strides = array<i32>} : memref<16x1024xf32, #tpu.memory_space<vmem>>, vector<1x16xf32>,
        %swap3A_226 = vector.shape_cast %swap3A_225 : vector<1x16xf32> to vector<16xf32>
        %swap3A_227 = vector.shape_cast %add3A_222 : vector<16xf32> to vector<1x16xf32>
        tpu.vector_store %arg13[%swap3A_223, %swap3A_224], %swap3A_227 {strides = array<i32>} : memref<16x1024xf32, #tpu.memory_space<vmem>>, vector<1x16xf32>,
        %get3A_228 = arith.index_cast %scan3A_145 : i32 to index
        %get3A_229 = arith.constant 96 : index
        %get3A_230 = tpu.vector_load %arg9[%get3A_228, %get3A_229] {strides = array<i32>} : memref<16x1024xf32, #tpu.memory_space<vmem>>, vector<1x16xf32>,
        %get3A_231 = vector.shape_cast %get3A_230 : vector<1x16xf32> to vector<16xf32>
        %get3A_232 = arith.index_cast %scan3A_145 : i32 to index
        %get3A_233 = arith.constant 96 : index
        %get3A_234 = tpu.vector_load %arg11[%get3A_232, %get3A_233] {strides = array<i32>} : memref<16x1024xf32, #tpu.memory_space<vmem>>, vector<1x16xf32>,
        %get3A_235 = vector.shape_cast %get3A_234 : vector<1x16xf32> to vector<16xf32>
        %add3A_236 = arith.addf %get3A_231, %get3A_235 : vector<16xf32>
        %swap3A_237 = arith.index_cast %scan3A_145 : i32 to index
        %swap3A_238 = arith.constant 96 : index
        %swap3A_239 = tpu.vector_load %arg13[%swap3A_237, %swap3A_238] {strides = array<i32>} : memref<16x1024xf32, #tpu.memory_space<vmem>>, vector<1x16xf32>,
        %swap3A_240 = vector.shape_cast %swap3A_239 : vector<1x16xf32> to vector<16xf32>
        %swap3A_241 = vector.shape_cast %add3A_236 : vector<16xf32> to vector<1x16xf32>
        tpu.vector_store %arg13[%swap3A_237, %swap3A_238], %swap3A_241 {strides = array<i32>} : memref<16x1024xf32, #tpu.memory_space<vmem>>, vector<1x16xf32>,
        %get3A_242 = arith.index_cast %scan3A_145 : i32 to index
        %get3A_243 = arith.constant 112 : index
        %get3A_244 = tpu.vector_load %arg9[%get3A_242, %get3A_243] {strides = array<i32>} : memref<16x1024xf32, #tpu.memory_space<vmem>>, vector<1x16xf32>,
        %get3A_245 = vector.shape_cast %get3A_244 : vector<1x16xf32> to vector<16xf32>
        %get3A_246 = arith.index_cast %scan3A_145 : i32 to index
        %get3A_247 = arith.constant 112 : index
        %get3A_248 = tpu.vector_load %arg11[%get3A_246, %get3A_247] {strides = array<i32>} : memref<16x1024xf32, #tpu.memory_space<vmem>>, vector<1x16xf32>,
        %get3A_249 = vector.shape_cast %get3A_248 : vector<1x16xf32> to vector<16xf32>
        %add3A_250 = arith.addf %get3A_245, %get3A_249 : vector<16xf32>
        %swap3A_251 = arith.index_cast %scan3A_145 : i32 to index
        %swap3A_252 = arith.constant 112 : index
        %swap3A_253 = tpu.vector_load %arg13[%swap3A_251, %swap3A_252] {strides = array<i32>} : memref<16x1024xf32, #tpu.memory_space<vmem>>, vector<1x16xf32>,
        %swap3A_254 = vector.shape_cast %swap3A_253 : vector<1x16xf32> to vector<16xf32>
        %swap3A_255 = vector.shape_cast %add3A_250 : vector<16xf32> to vector<1x16xf32>
        tpu.vector_store %arg13[%swap3A_251, %swap3A_252], %swap3A_255 {strides = array<i32>} : memref<16x1024xf32, #tpu.memory_space<vmem>>, vector<1x16xf32>,
        %get3A_256 = arith.index_cast %scan3A_145 : i32 to index
        %get3A_257 = arith.constant 128 : index
        %get3A_258 = tpu.vector_load %arg9[%get3A_256, %get3A_257] {strides = array<i32>} : memref<16x1024xf32, #tpu.memory_space<vmem>>, vector<1x16xf32>,
        %get3A_259 = vector.shape_cast %get3A_258 : vector<1x16xf32> to vector<16xf32>
        %get3A_260 = arith.index_cast %scan3A_145 : i32 to index
        %get3A_261 = arith.constant 128 : index
        %get3A_262 = tpu.vector_load %arg11[%get3A_260, %get3A_261] {strides = array<i32>} : memref<16x1024xf32, #tpu.memory_space<vmem>>, vector<1x16xf32>,
        %get3A_263 = vector.shape_cast %get3A_262 : vector<1x16xf32> to vector<16xf32>
        %add3A_264 = arith.addf %get3A_259, %get3A_263 : vector<16xf32>
        %swap3A_265 = arith.index_cast %scan3A_145 : i32 to index
        %swap3A_266 = arith.constant 128 : index
        %swap3A_267 = tpu.vector_load %arg13[%swap3A_265, %swap3A_266] {strides = array<i32>} : memref<16x1024xf32, #tpu.memory_space<vmem>>, vector<1x16xf32>,
        %swap3A_268 = vector.shape_cast %swap3A_267 : vector<1x16xf32> to vector<16xf32>
        %swap3A_269 = vector.shape_cast %add3A_264 : vector<16xf32> to vector<1x16xf32>
        tpu.vector_store %arg13[%swap3A_265, %swap3A_266], %swap3A_269 {strides = array<i32>} : memref<16x1024xf32, #tpu.memory_space<vmem>>, vector<1x16xf32>,
        %get3A_270 = arith.index_cast %scan3A_145 : i32 to index
        %get3A_271 = arith.constant 144 : index
        %get3A_272 = tpu.vector_load %arg9[%get3A_270, %get3A_271] {strides = array<i32>} : memref<16x1024xf32, #tpu.memory_space<vmem>>, vector<1x16xf32>,
        %get3A_273 = vector.shape_cast %get3A_272 : vector<1x16xf32> to vector<16xf32>
        %get3A_274 = arith.index_cast %scan3A_145 : i32 to index
        %get3A_275 = arith.constant 144 : index
        %get3A_276 = tpu.vector_load %arg11[%get3A_274, %get3A_275] {strides = array<i32>} : memref<16x1024xf32, #tpu.memory_space<vmem>>, vector<1x16xf32>,
        %get3A_277 = vector.shape_cast %get3A_276 : vector<1x16xf32> to vector<16xf32>
        %add3A_278 = arith.addf %get3A_273, %get3A_277 : vector<16xf32>
        %swap3A_279 = arith.index_cast %scan3A_145 : i32 to index
        %swap3A_280 = arith.constant 144 : index
        %swap3A_281 = tpu.vector_load %arg13[%swap3A_279, %swap3A_280] {strides = array<i32>} : memref<16x1024xf32, #tpu.memory_space<vmem>>, vector<1x16xf32>,
        %swap3A_282 = vector.shape_cast %swap3A_281 : vector<1x16xf32> to vector<16xf32>
        %swap3A_283 = vector.shape_cast %add3A_278 : vector<16xf32> to vector<1x16xf32>
        tpu.vector_store %arg13[%swap3A_279, %swap3A_280], %swap3A_283 {strides = array<i32>} : memref<16x1024xf32, #tpu.memory_space<vmem>>, vector<1x16xf32>,
        %get3A_284 = arith.index_cast %scan3A_145 : i32 to index
        %get3A_285 = arith.constant 160 : index
        %get3A_286 = tpu.vector_load %arg9[%get3A_284, %get3A_285] {strides = array<i32>} : memref<16x1024xf32, #tpu.memory_space<vmem>>, vector<1x16xf32>,
        %get3A_287 = vector.shape_cast %get3A_286 : vector<1x16xf32> to vector<16xf32>
        %get3A_288 = arith.index_cast %scan3A_145 : i32 to index
        %get3A_289 = arith.constant 160 : index
        %get3A_290 = tpu.vector_load %arg11[%get3A_288, %get3A_289] {strides = array<i32>} : memref<16x1024xf32, #tpu.memory_space<vmem>>, vector<1x16xf32>,
        %get3A_291 = vector.shape_cast %get3A_290 : vector<1x16xf32> to vector<16xf32>
        %add3A_292 = arith.addf %get3A_287, %get3A_291 : vector<16xf32>
        %swap3A_293 = arith.index_cast %scan3A_145 : i32 to index
        %swap3A_294 = arith.constant 160 : index
        %swap3A_295 = tpu.vector_load %arg13[%swap3A_293, %swap3A_294] {strides = array<i32>} : memref<16x1024xf32, #tpu.memory_space<vmem>>, vector<1x16xf32>,
        %swap3A_296 = vector.shape_cast %swap3A_295 : vector<1x16xf32> to vector<16xf32>
        %swap3A_297 = vector.shape_cast %add3A_292 : vector<16xf32> to vector<1x16xf32>
        tpu.vector_store %arg13[%swap3A_293, %swap3A_294], %swap3A_297 {strides = array<i32>} : memref<16x1024xf32, #tpu.memory_space<vmem>>, vector<1x16xf32>,
        %get3A_298 = arith.index_cast %scan3A_145 : i32 to index
        %get3A_299 = arith.constant 176 : index
        %get3A_300 = tpu.vector_load %arg9[%get3A_298, %get3A_299] {strides = array<i32>} : memref<16x1024xf32, #tpu.memory_space<vmem>>, vector<1x16xf32>,
        %get3A_301 = vector.shape_cast %get3A_300 : vector<1x16xf32> to vector<16xf32>
        %get3A_302 = arith.index_cast %scan3A_145 : i32 to index
        %get3A_303 = arith.constant 176 : index
        %get3A_304 = tpu.vector_load %arg11[%get3A_302, %get3A_303] {strides = array<i32>} : memref<16x1024xf32, #tpu.memory_space<vmem>>, vector<1x16xf32>,
        %get3A_305 = vector.shape_cast %get3A_304 : vector<1x16xf32> to vector<16xf32>
        %add3A_306 = arith.addf %get3A_301, %get3A_305 : vector<16xf32>
        %swap3A_307 = arith.index_cast %scan3A_145 : i32 to index
        %swap3A_308 = arith.constant 176 : index
        %swap3A_309 = tpu.vector_load %arg13[%swap3A_307, %swap3A_308] {strides = array<i32>} : memref<16x1024xf32, #tpu.memory_space<vmem>>, vector<1x16xf32>,
        %swap3A_310 = vector.shape_cast %swap3A_309 : vector<1x16xf32> to vector<16xf32>
        %swap3A_311 = vector.shape_cast %add3A_306 : vector<16xf32> to vector<1x16xf32>
        tpu.vector_store %arg13[%swap3A_307, %swap3A_308], %swap3A_311 {strides = array<i32>} : memref<16x1024xf32, #tpu.memory_space<vmem>>, vector<1x16xf32>,
        %get3A_312 = arith.index_cast %scan3A_145 : i32 to index
        %get3A_313 = arith.constant 192 : index
        %get3A_314 = tpu.vector_load %arg9[%get3A_312, %get3A_313] {strides = array<i32>} : memref<16x1024xf32, #tpu.memory_space<vmem>>, vector<1x16xf32>,
        %get3A_315 = vector.shape_cast %get3A_314 : vector<1x16xf32> to vector<16xf32>
        %get3A_316 = arith.index_cast %scan3A_145 : i32 to index
        %get3A_317 = arith.constant 192 : index
        %get3A_318 = tpu.vector_load %arg11[%get3A_316, %get3A_317] {strides = array<i32>} : memref<16x1024xf32, #tpu.memory_space<vmem>>, vector<1x16xf32>,
        %get3A_319 = vector.shape_cast %get3A_318 : vector<1x16xf32> to vector<16xf32>
        %add3A_320 = arith.addf %get3A_315, %get3A_319 : vector<16xf32>
        %swap3A_321 = arith.index_cast %scan3A_145 : i32 to index
        %swap3A_322 = arith.constant 192 : index
        %swap3A_323 = tpu.vector_load %arg13[%swap3A_321, %swap3A_322] {strides = array<i32>} : memref<16x1024xf32, #tpu.memory_space<vmem>>, vector<1x16xf32>,
        %swap3A_324 = vector.shape_cast %swap3A_323 : vector<1x16xf32> to vector<16xf32>
        %swap3A_325 = vector.shape_cast %add3A_320 : vector<16xf32> to vector<1x16xf32>
        tpu.vector_store %arg13[%swap3A_321, %swap3A_322], %swap3A_325 {strides = array<i32>} : memref<16x1024xf32, #tpu.memory_space<vmem>>, vector<1x16xf32>,
        %get3A_326 = arith.index_cast %scan3A_145 : i32 to index
        %get3A_327 = arith.constant 208 : index
        %get3A_328 = tpu.vector_load %arg9[%get3A_326, %get3A_327] {strides = array<i32>} : memref<16x1024xf32, #tpu.memory_space<vmem>>, vector<1x16xf32>,
        %get3A_329 = vector.shape_cast %get3A_328 : vector<1x16xf32> to vector<16xf32>
        %get3A_330 = arith.index_cast %scan3A_145 : i32 to index
        %get3A_331 = arith.constant 208 : index
        %get3A_332 = tpu.vector_load %arg11[%get3A_330, %get3A_331] {strides = array<i32>} : memref<16x1024xf32, #tpu.memory_space<vmem>>, vector<1x16xf32>,
        %get3A_333 = vector.shape_cast %get3A_332 : vector<1x16xf32> to vector<16xf32>
        %add3A_334 = arith.addf %get3A_329, %get3A_333 : vector<16xf32>
        %swap3A_335 = arith.index_cast %scan3A_145 : i32 to index
        %swap3A_336 = arith.constant 208 : index
        %swap3A_337 = tpu.vector_load %arg13[%swap3A_335, %swap3A_336] {strides = array<i32>} : memref<16x1024xf32, #tpu.memory_space<vmem>>, vector<1x16xf32>,
        %swap3A_338 = vector.shape_cast %swap3A_337 : vector<1x16xf32> to vector<16xf32>
        %swap3A_339 = vector.shape_cast %add3A_334 : vector<16xf32> to vector<1x16xf32>
        tpu.vector_store %arg13[%swap3A_335, %swap3A_336], %swap3A_339 {strides = array<i32>} : memref<16x1024xf32, #tpu.memory_space<vmem>>, vector<1x16xf32>,
        %get3A_340 = arith.index_cast %scan3A_145 : i32 to index
        %get3A_341 = arith.constant 224 : index
        %get3A_342 = tpu.vector_load %arg9[%get3A_340, %get3A_341] {strides = array<i32>} : memref<16x1024xf32, #tpu.memory_space<vmem>>, vector<1x16xf32>,
        %get3A_343 = vector.shape_cast %get3A_342 : vector<1x16xf32> to vector<16xf32>
        %get3A_344 = arith.index_cast %scan3A_145 : i32 to index
        %get3A_345 = arith.constant 224 : index
        %get3A_346 = tpu.vector_load %arg11[%get3A_344, %get3A_345] {strides = array<i32>} : memref<16x1024xf32, #tpu.memory_space<vmem>>, vector<1x16xf32>,
        %get3A_347 = vector.shape_cast %get3A_346 : vector<1x16xf32> to vector<16xf32>
        %add3A_348 = arith.addf %get3A_343, %get3A_347 : vector<16xf32>
        %swap3A_349 = arith.index_cast %scan3A_145 : i32 to index
        %swap3A_350 = arith.constant 224 : index
        %swap3A_351 = tpu.vector_load %arg13[%swap3A_349, %swap3A_350] {strides = array<i32>} : memref<16x1024xf32, #tpu.memory_space<vmem>>, vector<1x16xf32>,
        %swap3A_352 = vector.shape_cast %swap3A_351 : vector<1x16xf32> to vector<16xf32>
        %swap3A_353 = vector.shape_cast %add3A_348 : vector<16xf32> to vector<1x16xf32>
        tpu.vector_store %arg13[%swap3A_349, %swap3A_350], %swap3A_353 {strides = array<i32>} : memref<16x1024xf32, #tpu.memory_space<vmem>>, vector<1x16xf32>,
        %get3A_354 = arith.index_cast %scan3A_145 : i32 to index
        %get3A_355 = arith.constant 240 : index
        %get3A_356 = tpu.vector_load %arg9[%get3A_354, %get3A_355] {strides = array<i32>} : memref<16x1024xf32, #tpu.memory_space<vmem>>, vector<1x16xf32>,
        %get3A_357 = vector.shape_cast %get3A_356 : vector<1x16xf32> to vector<16xf32>
        %get3A_358 = arith.index_cast %scan3A_145 : i32 to index
        %get3A_359 = arith.constant 240 : index
        %get3A_360 = tpu.vector_load %arg11[%get3A_358, %get3A_359] {strides = array<i32>} : memref<16x1024xf32, #tpu.memory_space<vmem>>, vector<1x16xf32>,
        %get3A_361 = vector.shape_cast %get3A_360 : vector<1x16xf32> to vector<16xf32>
        %add3A_362 = arith.addf %get3A_357, %get3A_361 : vector<16xf32>
        %swap3A_363 = arith.index_cast %scan3A_145 : i32 to index
        %swap3A_364 = arith.constant 240 : index
        %swap3A_365 = tpu.vector_load %arg13[%swap3A_363, %swap3A_364] {strides = array<i32>} : memref<16x1024xf32, #tpu.memory_space<vmem>>, vector<1x16xf32>,
        %swap3A_366 = vector.shape_cast %swap3A_365 : vector<1x16xf32> to vector<16xf32>
        %swap3A_367 = vector.shape_cast %add3A_362 : vector<16xf32> to vector<1x16xf32>
        tpu.vector_store %arg13[%swap3A_363, %swap3A_364], %swap3A_367 {strides = array<i32>} : memref<16x1024xf32, #tpu.memory_space<vmem>>, vector<1x16xf32>,
        %get3A_368 = arith.index_cast %scan3A_145 : i32 to index
        %get3A_369 = arith.constant 256 : index
        %get3A_370 = tpu.vector_load %arg9[%get3A_368, %get3A_369] {strides = array<i32>} : memref<16x1024xf32, #tpu.memory_space<vmem>>, vector<1x16xf32>,
        %get3A_371 = vector.shape_cast %get3A_370 : vector<1x16xf32> to vector<16xf32>
        %get3A_372 = arith.index_cast %scan3A_145 : i32 to index
        %get3A_373 = arith.constant 256 : index
        %get3A_374 = tpu.vector_load %arg11[%get3A_372, %get3A_373] {strides = array<i32>} : memref<16x1024xf32, #tpu.memory_space<vmem>>, vector<1x16xf32>,
        %get3A_375 = vector.shape_cast %get3A_374 : vector<1x16xf32> to vector<16xf32>
        %add3A_376 = arith.addf %get3A_371, %get3A_375 : vector<16xf32>
        %swap3A_377 = arith.index_cast %scan3A_145 : i32 to index
        %swap3A_378 = arith.constant 256 : index
        %swap3A_379 = tpu.vector_load %arg13[%swap3A_377, %swap3A_378] {strides = array<i32>} : memref<16x1024xf32, #tpu.memory_space<vmem>>, vector<1x16xf32>,
        %swap3A_380 = vector.shape_cast %swap3A_379 : vector<1x16xf32> to vector<16xf32>
        %swap3A_381 = vector.shape_cast %add3A_376 : vector<16xf32> to vector<1x16xf32>
        tpu.vector_store %arg13[%swap3A_377, %swap3A_378], %swap3A_381 {strides = array<i32>} : memref<16x1024xf32, #tpu.memory_space<vmem>>, vector<1x16xf32>,
        %get3A_382 = arith.index_cast %scan3A_145 : i32 to index
        %get3A_383 = arith.constant 272 : index
        %get3A_384 = tpu.vector_load %arg9[%get3A_382, %get3A_383] {strides = array<i32>} : memref<16x1024xf32, #tpu.memory_space<vmem>>, vector<1x16xf32>,
        %get3A_385 = vector.shape_cast %get3A_384 : vector<1x16xf32> to vector<16xf32>
        %get3A_386 = arith.index_cast %scan3A_145 : i32 to index
        %get3A_387 = arith.constant 272 : index
        %get3A_388 = tpu.vector_load %arg11[%get3A_386, %get3A_387] {strides = array<i32>} : memref<16x1024xf32, #tpu.memory_space<vmem>>, vector<1x16xf32>,
        %get3A_389 = vector.shape_cast %get3A_388 : vector<1x16xf32> to vector<16xf32>
        %add3A_390 = arith.addf %get3A_385, %get3A_389 : vector<16xf32>
        %swap3A_391 = arith.index_cast %scan3A_145 : i32 to index
        %swap3A_392 = arith.constant 272 : index
        %swap3A_393 = tpu.vector_load %arg13[%swap3A_391, %swap3A_392] {strides = array<i32>} : memref<16x1024xf32, #tpu.memory_space<vmem>>, vector<1x16xf32>,
        %swap3A_394 = vector.shape_cast %swap3A_393 : vector<1x16xf32> to vector<16xf32>
        %swap3A_395 = vector.shape_cast %add3A_390 : vector<16xf32> to vector<1x16xf32>
        tpu.vector_store %arg13[%swap3A_391, %swap3A_392], %swap3A_395 {strides = array<i32>} : memref<16x1024xf32, #tpu.memory_space<vmem>>, vector<1x16xf32>,
        %get3A_396 = arith.index_cast %scan3A_145 : i32 to index
        %get3A_397 = arith.constant 288 : index
        %get3A_398 = tpu.vector_load %arg9[%get3A_396, %get3A_397] {strides = array<i32>} : memref<16x1024xf32, #tpu.memory_space<vmem>>, vector<1x16xf32>,
        %get3A_399 = vector.shape_cast %get3A_398 : vector<1x16xf32> to vector<16xf32>
        %get3A_400 = arith.index_cast %scan3A_145 : i32 to index
        %get3A_401 = arith.constant 288 : index
        %get3A_402 = tpu.vector_load %arg11[%get3A_400, %get3A_401] {strides = array<i32>} : memref<16x1024xf32, #tpu.memory_space<vmem>>, vector<1x16xf32>,
        %get3A_403 = vector.shape_cast %get3A_402 : vector<1x16xf32> to vector<16xf32>
        %add3A_404 = arith.addf %get3A_399, %get3A_403 : vector<16xf32>
        %swap3A_405 = arith.index_cast %scan3A_145 : i32 to index
        %swap3A_406 = arith.constant 288 : index
        %swap3A_407 = tpu.vector_load %arg13[%swap3A_405, %swap3A_406] {strides = array<i32>} : memref<16x1024xf32, #tpu.memory_space<vmem>>, vector<1x16xf32>,
        %swap3A_408 = vector.shape_cast %swap3A_407 : vector<1x16xf32> to vector<16xf32>
        %swap3A_409 = vector.shape_cast %add3A_404 : vector<16xf32> to vector<1x16xf32>
        tpu.vector_store %arg13[%swap3A_405, %swap3A_406], %swap3A_409 {strides = array<i32>} : memref<16x1024xf32, #tpu.memory_space<vmem>>, vector<1x16xf32>,
        %get3A_410 = arith.index_cast %scan3A_145 : i32 to index
        %get3A_411 = arith.constant 304 : index
        %get3A_412 = tpu.vector_load %arg9[%get3A_410, %get3A_411] {strides = array<i32>} : memref<16x1024xf32, #tpu.memory_space<vmem>>, vector<1x16xf32>,
        %get3A_413 = vector.shape_cast %get3A_412 : vector<1x16xf32> to vector<16xf32>
        %get3A_414 = arith.index_cast %scan3A_145 : i32 to index
        %get3A_415 = arith.constant 304 : index
        %get3A_416 = tpu.vector_load %arg11[%get3A_414, %get3A_415] {strides = array<i32>} : memref<16x1024xf32, #tpu.memory_space<vmem>>, vector<1x16xf32>,
        %get3A_417 = vector.shape_cast %get3A_416 : vector<1x16xf32> to vector<16xf32>
        %add3A_418 = arith.addf %get3A_413, %get3A_417 : vector<16xf32>
        %swap3A_419 = arith.index_cast %scan3A_145 : i32 to index
        %swap3A_420 = arith.constant 304 : index
        %swap3A_421 = tpu.vector_load %arg13[%swap3A_419, %swap3A_420] {strides = array<i32>} : memref<16x1024xf32, #tpu.memory_space<vmem>>, vector<1x16xf32>,
        %swap3A_422 = vector.shape_cast %swap3A_421 : vector<1x16xf32> to vector<16xf32>
        %swap3A_423 = vector.shape_cast %add3A_418 : vector<16xf32> to vector<1x16xf32>
        tpu.vector_store %arg13[%swap3A_419, %swap3A_420], %swap3A_423 {strides = array<i32>} : memref<16x1024xf32, #tpu.memory_space<vmem>>, vector<1x16xf32>,
        %get3A_424 = arith.index_cast %scan3A_145 : i32 to index
        %get3A_425 = arith.constant 320 : index
        %get3A_426 = tpu.vector_load %arg9[%get3A_424, %get3A_425] {strides = array<i32>} : memref<16x1024xf32, #tpu.memory_space<vmem>>, vector<1x16xf32>,
        %get3A_427 = vector.shape_cast %get3A_426 : vector<1x16xf32> to vector<16xf32>
        %get3A_428 = arith.index_cast %scan3A_145 : i32 to index
        %get3A_429 = arith.constant 320 : index
        %get3A_430 = tpu.vector_load %arg11[%get3A_428, %get3A_429] {strides = array<i32>} : memref<16x1024xf32, #tpu.memory_space<vmem>>, vector<1x16xf32>,
        %get3A_431 = vector.shape_cast %get3A_430 : vector<1x16xf32> to vector<16xf32>
        %add3A_432 = arith.addf %get3A_427, %get3A_431 : vector<16xf32>
        %swap3A_433 = arith.index_cast %scan3A_145 : i32 to index
        %swap3A_434 = arith.constant 320 : index
        %swap3A_435 = tpu.vector_load %arg13[%swap3A_433, %swap3A_434] {strides = array<i32>} : memref<16x1024xf32, #tpu.memory_space<vmem>>, vector<1x16xf32>,
        %swap3A_436 = vector.shape_cast %swap3A_435 : vector<1x16xf32> to vector<16xf32>
        %swap3A_437 = vector.shape_cast %add3A_432 : vector<16xf32> to vector<1x16xf32>
        tpu.vector_store %arg13[%swap3A_433, %swap3A_434], %swap3A_437 {strides = array<i32>} : memref<16x1024xf32, #tpu.memory_space<vmem>>, vector<1x16xf32>,
        %get3A_438 = arith.index_cast %scan3A_145 : i32 to index
        %get3A_439 = arith.constant 336 : index
        %get3A_440 = tpu.vector_load %arg9[%get3A_438, %get3A_439] {strides = array<i32>} : memref<16x1024xf32, #tpu.memory_space<vmem>>, vector<1x16xf32>,
        %get3A_441 = vector.shape_cast %get3A_440 : vector<1x16xf32> to vector<16xf32>
        %get3A_442 = arith.index_cast %scan3A_145 : i32 to index
        %get3A_443 = arith.constant 336 : index
        %get3A_444 = tpu.vector_load %arg11[%get3A_442, %get3A_443] {strides = array<i32>} : memref<16x1024xf32, #tpu.memory_space<vmem>>, vector<1x16xf32>,
        %get3A_445 = vector.shape_cast %get3A_444 : vector<1x16xf32> to vector<16xf32>
        %add3A_446 = arith.addf %get3A_441, %get3A_445 : vector<16xf32>
        %swap3A_447 = arith.index_cast %scan3A_145 : i32 to index
        %swap3A_448 = arith.constant 336 : index
        %swap3A_449 = tpu.vector_load %arg13[%swap3A_447, %swap3A_448] {strides = array<i32>} : memref<16x1024xf32, #tpu.memory_space<vmem>>, vector<1x16xf32>,
        %swap3A_450 = vector.shape_cast %swap3A_449 : vector<1x16xf32> to vector<16xf32>
        %swap3A_451 = vector.shape_cast %add3A_446 : vector<16xf32> to vector<1x16xf32>
        tpu.vector_store %arg13[%swap3A_447, %swap3A_448], %swap3A_451 {strides = array<i32>} : memref<16x1024xf32, #tpu.memory_space<vmem>>, vector<1x16xf32>,
        %get3A_452 = arith.index_cast %scan3A_145 : i32 to index
        %get3A_453 = arith.constant 352 : index
        %get3A_454 = tpu.vector_load %arg9[%get3A_452, %get3A_453] {strides = array<i32>} : memref<16x1024xf32, #tpu.memory_space<vmem>>, vector<1x16xf32>,
        %get3A_455 = vector.shape_cast %get3A_454 : vector<1x16xf32> to vector<16xf32>
        %get3A_456 = arith.index_cast %scan3A_145 : i32 to index
        %get3A_457 = arith.constant 352 : index
        %get3A_458 = tpu.vector_load %arg11[%get3A_456, %get3A_457] {strides = array<i32>} : memref<16x1024xf32, #tpu.memory_space<vmem>>, vector<1x16xf32>,
        %get3A_459 = vector.shape_cast %get3A_458 : vector<1x16xf32> to vector<16xf32>
        %add3A_460 = arith.addf %get3A_455, %get3A_459 : vector<16xf32>
        %swap3A_461 = arith.index_cast %scan3A_145 : i32 to index
        %swap3A_462 = arith.constant 352 : index
        %swap3A_463 = tpu.vector_load %arg13[%swap3A_461, %swap3A_462] {strides = array<i32>} : memref<16x1024xf32, #tpu.memory_space<vmem>>, vector<1x16xf32>,
        %swap3A_464 = vector.shape_cast %swap3A_463 : vector<1x16xf32> to vector<16xf32>
        %swap3A_465 = vector.shape_cast %add3A_460 : vector<16xf32> to vector<1x16xf32>
        tpu.vector_store %arg13[%swap3A_461, %swap3A_462], %swap3A_465 {strides = array<i32>} : memref<16x1024xf32, #tpu.memory_space<vmem>>, vector<1x16xf32>,
        %get3A_466 = arith.index_cast %scan3A_145 : i32 to index
        %get3A_467 = arith.constant 368 : index
        %get3A_468 = tpu.vector_load %arg9[%get3A_466, %get3A_467] {strides = array<i32>} : memref<16x1024xf32, #tpu.memory_space<vmem>>, vector<1x16xf32>,
        %get3A_469 = vector.shape_cast %get3A_468 : vector<1x16xf32> to vector<16xf32>
        %get3A_470 = arith.index_cast %scan3A_145 : i32 to index
        %get3A_471 = arith.constant 368 : index
        %get3A_472 = tpu.vector_load %arg11[%get3A_470, %get3A_471] {strides = array<i32>} : memref<16x1024xf32, #tpu.memory_space<vmem>>, vector<1x16xf32>,
        %get3A_473 = vector.shape_cast %get3A_472 : vector<1x16xf32> to vector<16xf32>
        %add3A_474 = arith.addf %get3A_469, %get3A_473 : vector<16xf32>
        %swap3A_475 = arith.index_cast %scan3A_145 : i32 to index
        %swap3A_476 = arith.constant 368 : index
        %swap3A_477 = tpu.vector_load %arg13[%swap3A_475, %swap3A_476] {strides = array<i32>} : memref<16x1024xf32, #tpu.memory_space<vmem>>, vector<1x16xf32>,
        %swap3A_478 = vector.shape_cast %swap3A_477 : vector<1x16xf32> to vector<16xf32>
        %swap3A_479 = vector.shape_cast %add3A_474 : vector<16xf32> to vector<1x16xf32>
        tpu.vector_store %arg13[%swap3A_475, %swap3A_476], %swap3A_479 {strides = array<i32>} : memref<16x1024xf32, #tpu.memory_space<vmem>>, vector<1x16xf32>,
        %get3A_480 = arith.index_cast %scan3A_145 : i32 to index
        %get3A_481 = arith.constant 384 : index
        %get3A_482 = tpu.vector_load %arg9[%get3A_480, %get3A_481] {strides = array<i32>} : memref<16x1024xf32, #tpu.memory_space<vmem>>, vector<1x16xf32>,
        %get3A_483 = vector.shape_cast %get3A_482 : vector<1x16xf32> to vector<16xf32>
        %get3A_484 = arith.index_cast %scan3A_145 : i32 to index
        %get3A_485 = arith.constant 384 : index
        %get3A_486 = tpu.vector_load %arg11[%get3A_484, %get3A_485] {strides = array<i32>} : memref<16x1024xf32, #tpu.memory_space<vmem>>, vector<1x16xf32>,
        %get3A_487 = vector.shape_cast %get3A_486 : vector<1x16xf32> to vector<16xf32>
        %add3A_488 = arith.addf %get3A_483, %get3A_487 : vector<16xf32>
        %swap3A_489 = arith.index_cast %scan3A_145 : i32 to index
        %swap3A_490 = arith.constant 384 : index
        %swap3A_491 = tpu.vector_load %arg13[%swap3A_489, %swap3A_490] {strides = array<i32>} : memref<16x1024xf32, #tpu.memory_space<vmem>>, vector<1x16xf32>,
        %swap3A_492 = vector.shape_cast %swap3A_491 : vector<1x16xf32> to vector<16xf32>
        %swap3A_493 = vector.shape_cast %add3A_488 : vector<16xf32> to vector<1x16xf32>
        tpu.vector_store %arg13[%swap3A_489, %swap3A_490], %swap3A_493 {strides = array<i32>} : memref<16x1024xf32, #tpu.memory_space<vmem>>, vector<1x16xf32>,
        %get3A_494 = arith.index_cast %scan3A_145 : i32 to index
        %get3A_495 = arith.constant 400 : index
        %get3A_496 = tpu.vector_load %arg9[%get3A_494, %get3A_495] {strides = array<i32>} : memref<16x1024xf32, #tpu.memory_space<vmem>>, vector<1x16xf32>,
        %get3A_497 = vector.shape_cast %get3A_496 : vector<1x16xf32> to vector<16xf32>
        %get3A_498 = arith.index_cast %scan3A_145 : i32 to index
        %get3A_499 = arith.constant 400 : index
        %get3A_500 = tpu.vector_load %arg11[%get3A_498, %get3A_499] {strides = array<i32>} : memref<16x1024xf32, #tpu.memory_space<vmem>>, vector<1x16xf32>,
        %get3A_501 = vector.shape_cast %get3A_500 : vector<1x16xf32> to vector<16xf32>
        %add3A_502 = arith.addf %get3A_497, %get3A_501 : vector<16xf32>
        %swap3A_503 = arith.index_cast %scan3A_145 : i32 to index
        %swap3A_504 = arith.constant 400 : index
        %swap3A_505 = tpu.vector_load %arg13[%swap3A_503, %swap3A_504] {strides = array<i32>} : memref<16x1024xf32, #tpu.memory_space<vmem>>, vector<1x16xf32>,
        %swap3A_506 = vector.shape_cast %swap3A_505 : vector<1x16xf32> to vector<16xf32>
        %swap3A_507 = vector.shape_cast %add3A_502 : vector<16xf32> to vector<1x16xf32>
        tpu.vector_store %arg13[%swap3A_503, %swap3A_504], %swap3A_507 {strides = array<i32>} : memref<16x1024xf32, #tpu.memory_space<vmem>>, vector<1x16xf32>,
        %get3A_508 = arith.index_cast %scan3A_145 : i32 to index
        %get3A_509 = arith.constant 416 : index
        %get3A_510 = tpu.vector_load %arg9[%get3A_508, %get3A_509] {strides = array<i32>} : memref<16x1024xf32, #tpu.memory_space<vmem>>, vector<1x16xf32>,
        %get3A_511 = vector.shape_cast %get3A_510 : vector<1x16xf32> to vector<16xf32>
        %get3A_512 = arith.index_cast %scan3A_145 : i32 to index
        %get3A_513 = arith.constant 416 : index
        %get3A_514 = tpu.vector_load %arg11[%get3A_512, %get3A_513] {strides = array<i32>} : memref<16x1024xf32, #tpu.memory_space<vmem>>, vector<1x16xf32>,
        %get3A_515 = vector.shape_cast %get3A_514 : vector<1x16xf32> to vector<16xf32>
        %add3A_516 = arith.addf %get3A_511, %get3A_515 : vector<16xf32>
        %swap3A_517 = arith.index_cast %scan3A_145 : i32 to index
        %swap3A_518 = arith.constant 416 : index
        %swap3A_519 = tpu.vector_load %arg13[%swap3A_517, %swap3A_518] {strides = array<i32>} : memref<16x1024xf32, #tpu.memory_space<vmem>>, vector<1x16xf32>,
        %swap3A_520 = vector.shape_cast %swap3A_519 : vector<1x16xf32> to vector<16xf32>
        %swap3A_521 = vector.shape_cast %add3A_516 : vector<16xf32> to vector<1x16xf32>
        tpu.vector_store %arg13[%swap3A_517, %swap3A_518], %swap3A_521 {strides = array<i32>} : memref<16x1024xf32, #tpu.memory_space<vmem>>, vector<1x16xf32>,
        %get3A_522 = arith.index_cast %scan3A_145 : i32 to index
        %get3A_523 = arith.constant 432 : index
        %get3A_524 = tpu.vector_load %arg9[%get3A_522, %get3A_523] {strides = array<i32>} : memref<16x1024xf32, #tpu.memory_space<vmem>>, vector<1x16xf32>,
        %get3A_525 = vector.shape_cast %get3A_524 : vector<1x16xf32> to vector<16xf32>
        %get3A_526 = arith.index_cast %scan3A_145 : i32 to index
        %get3A_527 = arith.constant 432 : index
        %get3A_528 = tpu.vector_load %arg11[%get3A_526, %get3A_527] {strides = array<i32>} : memref<16x1024xf32, #tpu.memory_space<vmem>>, vector<1x16xf32>,
        %get3A_529 = vector.shape_cast %get3A_528 : vector<1x16xf32> to vector<16xf32>
        %add3A_530 = arith.addf %get3A_525, %get3A_529 : vector<16xf32>
        %swap3A_531 = arith.index_cast %scan3A_145 : i32 to index
        %swap3A_532 = arith.constant 432 : index
        %swap3A_533 = tpu.vector_load %arg13[%swap3A_531, %swap3A_532] {strides = array<i32>} : memref<16x1024xf32, #tpu.memory_space<vmem>>, vector<1x16xf32>,
        %swap3A_534 = vector.shape_cast %swap3A_533 : vector<1x16xf32> to vector<16xf32>
        %swap3A_535 = vector.shape_cast %add3A_530 : vector<16xf32> to vector<1x16xf32>
        tpu.vector_store %arg13[%swap3A_531, %swap3A_532], %swap3A_535 {strides = array<i32>} : memref<16x1024xf32, #tpu.memory_space<vmem>>, vector<1x16xf32>,
        %get3A_536 = arith.index_cast %scan3A_145 : i32 to index
        %get3A_537 = arith.constant 448 : index
        %get3A_538 = tpu.vector_load %arg9[%get3A_536, %get3A_537] {strides = array<i32>} : memref<16x1024xf32, #tpu.memory_space<vmem>>, vector<1x16xf32>,
        %get3A_539 = vector.shape_cast %get3A_538 : vector<1x16xf32> to vector<16xf32>
        %get3A_540 = arith.index_cast %scan3A_145 : i32 to index
        %get3A_541 = arith.constant 448 : index
        %get3A_542 = tpu.vector_load %arg11[%get3A_540, %get3A_541] {strides = array<i32>} : memref<16x1024xf32, #tpu.memory_space<vmem>>, vector<1x16xf32>,
        %get3A_543 = vector.shape_cast %get3A_542 : vector<1x16xf32> to vector<16xf32>
        %add3A_544 = arith.addf %get3A_539, %get3A_543 : vector<16xf32>
        %swap3A_545 = arith.index_cast %scan3A_145 : i32 to index
        %swap3A_546 = arith.constant 448 : index
        %swap3A_547 = tpu.vector_load %arg13[%swap3A_545, %swap3A_546] {strides = array<i32>} : memref<16x1024xf32, #tpu.memory_space<vmem>>, vector<1x16xf32>,
        %swap3A_548 = vector.shape_cast %swap3A_547 : vector<1x16xf32> to vector<16xf32>
        %swap3A_549 = vector.shape_cast %add3A_544 : vector<16xf32> to vector<1x16xf32>
        tpu.vector_store %arg13[%swap3A_545, %swap3A_546], %swap3A_549 {strides = array<i32>} : memref<16x1024xf32, #tpu.memory_space<vmem>>, vector<1x16xf32>,
        %get3A_550 = arith.index_cast %scan3A_145 : i32 to index
        %get3A_551 = arith.constant 464 : index
        %get3A_552 = tpu.vector_load %arg9[%get3A_550, %get3A_551] {strides = array<i32>} : memref<16x1024xf32, #tpu.memory_space<vmem>>, vector<1x16xf32>,
        %get3A_553 = vector.shape_cast %get3A_552 : vector<1x16xf32> to vector<16xf32>
        %get3A_554 = arith.index_cast %scan3A_145 : i32 to index
        %get3A_555 = arith.constant 464 : index
        %get3A_556 = tpu.vector_load %arg11[%get3A_554, %get3A_555] {strides = array<i32>} : memref<16x1024xf32, #tpu.memory_space<vmem>>, vector<1x16xf32>,
        %get3A_557 = vector.shape_cast %get3A_556 : vector<1x16xf32> to vector<16xf32>
        %add3A_558 = arith.addf %get3A_553, %get3A_557 : vector<16xf32>
        %swap3A_559 = arith.index_cast %scan3A_145 : i32 to index
        %swap3A_560 = arith.constant 464 : index
        %swap3A_561 = tpu.vector_load %arg13[%swap3A_559, %swap3A_560] {strides = array<i32>} : memref<16x1024xf32, #tpu.memory_space<vmem>>, vector<1x16xf32>,
        %swap3A_562 = vector.shape_cast %swap3A_561 : vector<1x16xf32> to vector<16xf32>
        %swap3A_563 = vector.shape_cast %add3A_558 : vector<16xf32> to vector<1x16xf32>
        tpu.vector_store %arg13[%swap3A_559, %swap3A_560], %swap3A_563 {strides = array<i32>} : memref<16x1024xf32, #tpu.memory_space<vmem>>, vector<1x16xf32>,
        %get3A_564 = arith.index_cast %scan3A_145 : i32 to index
        %get3A_565 = arith.constant 480 : index
        %get3A_566 = tpu.vector_load %arg9[%get3A_564, %get3A_565] {strides = array<i32>} : memref<16x1024xf32, #tpu.memory_space<vmem>>, vector<1x16xf32>,
        %get3A_567 = vector.shape_cast %get3A_566 : vector<1x16xf32> to vector<16xf32>
        %get3A_568 = arith.index_cast %scan3A_145 : i32 to index
        %get3A_569 = arith.constant 480 : index
        %get3A_570 = tpu.vector_load %arg11[%get3A_568, %get3A_569] {strides = array<i32>} : memref<16x1024xf32, #tpu.memory_space<vmem>>, vector<1x16xf32>,
        %get3A_571 = vector.shape_cast %get3A_570 : vector<1x16xf32> to vector<16xf32>
        %add3A_572 = arith.addf %get3A_567, %get3A_571 : vector<16xf32>
        %swap3A_573 = arith.index_cast %scan3A_145 : i32 to index
        %swap3A_574 = arith.constant 480 : index
        %swap3A_575 = tpu.vector_load %arg13[%swap3A_573, %swap3A_574] {strides = array<i32>} : memref<16x1024xf32, #tpu.memory_space<vmem>>, vector<1x16xf32>,
        %swap3A_576 = vector.shape_cast %swap3A_575 : vector<1x16xf32> to vector<16xf32>
        %swap3A_577 = vector.shape_cast %add3A_572 : vector<16xf32> to vector<1x16xf32>
        tpu.vector_store %arg13[%swap3A_573, %swap3A_574], %swap3A_577 {strides = array<i32>} : memref<16x1024xf32, #tpu.memory_space<vmem>>, vector<1x16xf32>,
        %get3A_578 = arith.index_cast %scan3A_145 : i32 to index
        %get3A_579 = arith.constant 496 : index
        %get3A_580 = tpu.vector_load %arg9[%get3A_578, %get3A_579] {strides = array<i32>} : memref<16x1024xf32, #tpu.memory_space<vmem>>, vector<1x16xf32>,
        %get3A_581 = vector.shape_cast %get3A_580 : vector<1x16xf32> to vector<16xf32>
        %get3A_582 = arith.index_cast %scan3A_145 : i32 to index
        %get3A_583 = arith.constant 496 : index
        %get3A_584 = tpu.vector_load %arg11[%get3A_582, %get3A_583] {strides = array<i32>} : memref<16x1024xf32, #tpu.memory_space<vmem>>, vector<1x16xf32>,
        %get3A_585 = vector.shape_cast %get3A_584 : vector<1x16xf32> to vector<16xf32>
        %add3A_586 = arith.addf %get3A_581, %get3A_585 : vector<16xf32>
        %swap3A_587 = arith.index_cast %scan3A_145 : i32 to index
        %swap3A_588 = arith.constant 496 : index
        %swap3A_589 = tpu.vector_load %arg13[%swap3A_587, %swap3A_588] {strides = array<i32>} : memref<16x1024xf32, #tpu.memory_space<vmem>>, vector<1x16xf32>,
        %swap3A_590 = vector.shape_cast %swap3A_589 : vector<1x16xf32> to vector<16xf32>
        %swap3A_591 = vector.shape_cast %add3A_586 : vector<16xf32> to vector<1x16xf32>
        tpu.vector_store %arg13[%swap3A_587, %swap3A_588], %swap3A_591 {strides = array<i32>} : memref<16x1024xf32, #tpu.memory_space<vmem>>, vector<1x16xf32>,
        %get3A_592 = arith.index_cast %scan3A_145 : i32 to index
        %get3A_593 = arith.constant 512 : index
        %get3A_594 = tpu.vector_load %arg9[%get3A_592, %get3A_593] {strides = array<i32>} : memref<16x1024xf32, #tpu.memory_space<vmem>>, vector<1x16xf32>,
        %get3A_595 = vector.shape_cast %get3A_594 : vector<1x16xf32> to vector<16xf32>
        %get3A_596 = arith.index_cast %scan3A_145 : i32 to index
        %get3A_597 = arith.constant 512 : index
        %get3A_598 = tpu.vector_load %arg11[%get3A_596, %get3A_597] {strides = array<i32>} : memref<16x1024xf32, #tpu.memory_space<vmem>>, vector<1x16xf32>,
        %get3A_599 = vector.shape_cast %get3A_598 : vector<1x16xf32> to vector<16xf32>
        %add3A_600 = arith.addf %get3A_595, %get3A_599 : vector<16xf32>
        %swap3A_601 = arith.index_cast %scan3A_145 : i32 to index
        %swap3A_602 = arith.constant 512 : index
        %swap3A_603 = tpu.vector_load %arg13[%swap3A_601, %swap3A_602] {strides = array<i32>} : memref<16x1024xf32, #tpu.memory_space<vmem>>, vector<1x16xf32>,
        %swap3A_604 = vector.shape_cast %swap3A_603 : vector<1x16xf32> to vector<16xf32>
        %swap3A_605 = vector.shape_cast %add3A_600 : vector<16xf32> to vector<1x16xf32>
        tpu.vector_store %arg13[%swap3A_601, %swap3A_602], %swap3A_605 {strides = array<i32>} : memref<16x1024xf32, #tpu.memory_space<vmem>>, vector<1x16xf32>,
        %get3A_606 = arith.index_cast %scan3A_145 : i32 to index
        %get3A_607 = arith.constant 528 : index
        %get3A_608 = tpu.vector_load %arg9[%get3A_606, %get3A_607] {strides = array<i32>} : memref<16x1024xf32, #tpu.memory_space<vmem>>, vector<1x16xf32>,
        %get3A_609 = vector.shape_cast %get3A_608 : vector<1x16xf32> to vector<16xf32>
        %get3A_610 = arith.index_cast %scan3A_145 : i32 to index
        %get3A_611 = arith.constant 528 : index
        %get3A_612 = tpu.vector_load %arg11[%get3A_610, %get3A_611] {strides = array<i32>} : memref<16x1024xf32, #tpu.memory_space<vmem>>, vector<1x16xf32>,
        %get3A_613 = vector.shape_cast %get3A_612 : vector<1x16xf32> to vector<16xf32>
        %add3A_614 = arith.addf %get3A_609, %get3A_613 : vector<16xf32>
        %swap3A_615 = arith.index_cast %scan3A_145 : i32 to index
        %swap3A_616 = arith.constant 528 : index
        %swap3A_617 = tpu.vector_load %arg13[%swap3A_615, %swap3A_616] {strides = array<i32>} : memref<16x1024xf32, #tpu.memory_space<vmem>>, vector<1x16xf32>,
        %swap3A_618 = vector.shape_cast %swap3A_617 : vector<1x16xf32> to vector<16xf32>
        %swap3A_619 = vector.shape_cast %add3A_614 : vector<16xf32> to vector<1x16xf32>
        tpu.vector_store %arg13[%swap3A_615, %swap3A_616], %swap3A_619 {strides = array<i32>} : memref<16x1024xf32, #tpu.memory_space<vmem>>, vector<1x16xf32>,
        %get3A_620 = arith.index_cast %scan3A_145 : i32 to index
        %get3A_621 = arith.constant 544 : index
        %get3A_622 = tpu.vector_load %arg9[%get3A_620, %get3A_621] {strides = array<i32>} : memref<16x1024xf32, #tpu.memory_space<vmem>>, vector<1x16xf32>,
        %get3A_623 = vector.shape_cast %get3A_622 : vector<1x16xf32> to vector<16xf32>
        %get3A_624 = arith.index_cast %scan3A_145 : i32 to index
        %get3A_625 = arith.constant 544 : index
        %get3A_626 = tpu.vector_load %arg11[%get3A_624, %get3A_625] {strides = array<i32>} : memref<16x1024xf32, #tpu.memory_space<vmem>>, vector<1x16xf32>,
        %get3A_627 = vector.shape_cast %get3A_626 : vector<1x16xf32> to vector<16xf32>
        %add3A_628 = arith.addf %get3A_623, %get3A_627 : vector<16xf32>
        %swap3A_629 = arith.index_cast %scan3A_145 : i32 to index
        %swap3A_630 = arith.constant 544 : index
        %swap3A_631 = tpu.vector_load %arg13[%swap3A_629, %swap3A_630] {strides = array<i32>} : memref<16x1024xf32, #tpu.memory_space<vmem>>, vector<1x16xf32>,
        %swap3A_632 = vector.shape_cast %swap3A_631 : vector<1x16xf32> to vector<16xf32>
        %swap3A_633 = vector.shape_cast %add3A_628 : vector<16xf32> to vector<1x16xf32>
        tpu.vector_store %arg13[%swap3A_629, %swap3A_630], %swap3A_633 {strides = array<i32>} : memref<16x1024xf32, #tpu.memory_space<vmem>>, vector<1x16xf32>,
        %get3A_634 = arith.index_cast %scan3A_145 : i32 to index
        %get3A_635 = arith.constant 560 : index
        %get3A_636 = tpu.vector_load %arg9[%get3A_634, %get3A_635] {strides = array<i32>} : memref<16x1024xf32, #tpu.memory_space<vmem>>, vector<1x16xf32>,
        %get3A_637 = vector.shape_cast %get3A_636 : vector<1x16xf32> to vector<16xf32>
        %get3A_638 = arith.index_cast %scan3A_145 : i32 to index
        %get3A_639 = arith.constant 560 : index
        %get3A_640 = tpu.vector_load %arg11[%get3A_638, %get3A_639] {strides = array<i32>} : memref<16x1024xf32, #tpu.memory_space<vmem>>, vector<1x16xf32>,
        %get3A_641 = vector.shape_cast %get3A_640 : vector<1x16xf32> to vector<16xf32>
        %add3A_642 = arith.addf %get3A_637, %get3A_641 : vector<16xf32>
        %swap3A_643 = arith.index_cast %scan3A_145 : i32 to index
        %swap3A_644 = arith.constant 560 : index
        %swap3A_645 = tpu.vector_load %arg13[%swap3A_643, %swap3A_644] {strides = array<i32>} : memref<16x1024xf32, #tpu.memory_space<vmem>>, vector<1x16xf32>,
        %swap3A_646 = vector.shape_cast %swap3A_645 : vector<1x16xf32> to vector<16xf32>
        %swap3A_647 = vector.shape_cast %add3A_642 : vector<16xf32> to vector<1x16xf32>
        tpu.vector_store %arg13[%swap3A_643, %swap3A_644], %swap3A_647 {strides = array<i32>} : memref<16x1024xf32, #tpu.memory_space<vmem>>, vector<1x16xf32>,
        %get3A_648 = arith.index_cast %scan3A_145 : i32 to index
        %get3A_649 = arith.constant 576 : index
        %get3A_650 = tpu.vector_load %arg9[%get3A_648, %get3A_649] {strides = array<i32>} : memref<16x1024xf32, #tpu.memory_space<vmem>>, vector<1x16xf32>,
        %get3A_651 = vector.shape_cast %get3A_650 : vector<1x16xf32> to vector<16xf32>
        %get3A_652 = arith.index_cast %scan3A_145 : i32 to index
        %get3A_653 = arith.constant 576 : index
        %get3A_654 = tpu.vector_load %arg11[%get3A_652, %get3A_653] {strides = array<i32>} : memref<16x1024xf32, #tpu.memory_space<vmem>>, vector<1x16xf32>,
        %get3A_655 = vector.shape_cast %get3A_654 : vector<1x16xf32> to vector<16xf32>
        %add3A_656 = arith.addf %get3A_651, %get3A_655 : vector<16xf32>
        %swap3A_657 = arith.index_cast %scan3A_145 : i32 to index
        %swap3A_658 = arith.constant 576 : index
        %swap3A_659 = tpu.vector_load %arg13[%swap3A_657, %swap3A_658] {strides = array<i32>} : memref<16x1024xf32, #tpu.memory_space<vmem>>, vector<1x16xf32>,
        %swap3A_660 = vector.shape_cast %swap3A_659 : vector<1x16xf32> to vector<16xf32>
        %swap3A_661 = vector.shape_cast %add3A_656 : vector<16xf32> to vector<1x16xf32>
        tpu.vector_store %arg13[%swap3A_657, %swap3A_658], %swap3A_661 {strides = array<i32>} : memref<16x1024xf32, #tpu.memory_space<vmem>>, vector<1x16xf32>,
        %get3A_662 = arith.index_cast %scan3A_145 : i32 to index
        %get3A_663 = arith.constant 592 : index
        %get3A_664 = tpu.vector_load %arg9[%get3A_662, %get3A_663] {strides = array<i32>} : memref<16x1024xf32, #tpu.memory_space<vmem>>, vector<1x16xf32>,
        %get3A_665 = vector.shape_cast %get3A_664 : vector<1x16xf32> to vector<16xf32>
        %get3A_666 = arith.index_cast %scan3A_145 : i32 to index
        %get3A_667 = arith.constant 592 : index
        %get3A_668 = tpu.vector_load %arg11[%get3A_666, %get3A_667] {strides = array<i32>} : memref<16x1024xf32, #tpu.memory_space<vmem>>, vector<1x16xf32>,
        %get3A_669 = vector.shape_cast %get3A_668 : vector<1x16xf32> to vector<16xf32>
        %add3A_670 = arith.addf %get3A_665, %get3A_669 : vector<16xf32>
        %swap3A_671 = arith.index_cast %scan3A_145 : i32 to index
        %swap3A_672 = arith.constant 592 : index
        %swap3A_673 = tpu.vector_load %arg13[%swap3A_671, %swap3A_672] {strides = array<i32>} : memref<16x1024xf32, #tpu.memory_space<vmem>>, vector<1x16xf32>,
        %swap3A_674 = vector.shape_cast %swap3A_673 : vector<1x16xf32> to vector<16xf32>
        %swap3A_675 = vector.shape_cast %add3A_670 : vector<16xf32> to vector<1x16xf32>
        tpu.vector_store %arg13[%swap3A_671, %swap3A_672], %swap3A_675 {strides = array<i32>} : memref<16x1024xf32, #tpu.memory_space<vmem>>, vector<1x16xf32>,
        %get3A_676 = arith.index_cast %scan3A_145 : i32 to index
        %get3A_677 = arith.constant 608 : index
        %get3A_678 = tpu.vector_load %arg9[%get3A_676, %get3A_677] {strides = array<i32>} : memref<16x1024xf32, #tpu.memory_space<vmem>>, vector<1x16xf32>,
        %get3A_679 = vector.shape_cast %get3A_678 : vector<1x16xf32> to vector<16xf32>
        %get3A_680 = arith.index_cast %scan3A_145 : i32 to index
        %get3A_681 = arith.constant 608 : index
        %get3A_682 = tpu.vector_load %arg11[%get3A_680, %get3A_681] {strides = array<i32>} : memref<16x1024xf32, #tpu.memory_space<vmem>>, vector<1x16xf32>,
        %get3A_683 = vector.shape_cast %get3A_682 : vector<1x16xf32> to vector<16xf32>
        %add3A_684 = arith.addf %get3A_679, %get3A_683 : vector<16xf32>
        %swap3A_685 = arith.index_cast %scan3A_145 : i32 to index
        %swap3A_686 = arith.constant 608 : index
        %swap3A_687 = tpu.vector_load %arg13[%swap3A_685, %swap3A_686] {strides = array<i32>} : memref<16x1024xf32, #tpu.memory_space<vmem>>, vector<1x16xf32>,
        %swap3A_688 = vector.shape_cast %swap3A_687 : vector<1x16xf32> to vector<16xf32>
        %swap3A_689 = vector.shape_cast %add3A_684 : vector<16xf32> to vector<1x16xf32>
        tpu.vector_store %arg13[%swap3A_685, %swap3A_686], %swap3A_689 {strides = array<i32>} : memref<16x1024xf32, #tpu.memory_space<vmem>>, vector<1x16xf32>,
        %get3A_690 = arith.index_cast %scan3A_145 : i32 to index
        %get3A_691 = arith.constant 624 : index
        %get3A_692 = tpu.vector_load %arg9[%get3A_690, %get3A_691] {strides = array<i32>} : memref<16x1024xf32, #tpu.memory_space<vmem>>, vector<1x16xf32>,
        %get3A_693 = vector.shape_cast %get3A_692 : vector<1x16xf32> to vector<16xf32>
        %get3A_694 = arith.index_cast %scan3A_145 : i32 to index
        %get3A_695 = arith.constant 624 : index
        %get3A_696 = tpu.vector_load %arg11[%get3A_694, %get3A_695] {strides = array<i32>} : memref<16x1024xf32, #tpu.memory_space<vmem>>, vector<1x16xf32>,
        %get3A_697 = vector.shape_cast %get3A_696 : vector<1x16xf32> to vector<16xf32>
        %add3A_698 = arith.addf %get3A_693, %get3A_697 : vector<16xf32>
        %swap3A_699 = arith.index_cast %scan3A_145 : i32 to index
        %swap3A_700 = arith.constant 624 : index
        %swap3A_701 = tpu.vector_load %arg13[%swap3A_699, %swap3A_700] {strides = array<i32>} : memref<16x1024xf32, #tpu.memory_space<vmem>>, vector<1x16xf32>,
        %swap3A_702 = vector.shape_cast %swap3A_701 : vector<1x16xf32> to vector<16xf32>
        %swap3A_703 = vector.shape_cast %add3A_698 : vector<16xf32> to vector<1x16xf32>
        tpu.vector_store %arg13[%swap3A_699, %swap3A_700], %swap3A_703 {strides = array<i32>} : memref<16x1024xf32, #tpu.memory_space<vmem>>, vector<1x16xf32>,
        %get3A_704 = arith.index_cast %scan3A_145 : i32 to index
        %get3A_705 = arith.constant 640 : index
        %get3A_706 = tpu.vector_load %arg9[%get3A_704, %get3A_705] {strides = array<i32>} : memref<16x1024xf32, #tpu.memory_space<vmem>>, vector<1x16xf32>,
        %get3A_707 = vector.shape_cast %get3A_706 : vector<1x16xf32> to vector<16xf32>
        %get3A_708 = arith.index_cast %scan3A_145 : i32 to index
        %get3A_709 = arith.constant 640 : index
        %get3A_710 = tpu.vector_load %arg11[%get3A_708, %get3A_709] {strides = array<i32>} : memref<16x1024xf32, #tpu.memory_space<vmem>>, vector<1x16xf32>,
        %get3A_711 = vector.shape_cast %get3A_710 : vector<1x16xf32> to vector<16xf32>
        %add3A_712 = arith.addf %get3A_707, %get3A_711 : vector<16xf32>
        %swap3A_713 = arith.index_cast %scan3A_145 : i32 to index
        %swap3A_714 = arith.constant 640 : index
        %swap3A_715 = tpu.vector_load %arg13[%swap3A_713, %swap3A_714] {strides = array<i32>} : memref<16x1024xf32, #tpu.memory_space<vmem>>, vector<1x16xf32>,
        %swap3A_716 = vector.shape_cast %swap3A_715 : vector<1x16xf32> to vector<16xf32>
        %swap3A_717 = vector.shape_cast %add3A_712 : vector<16xf32> to vector<1x16xf32>
        tpu.vector_store %arg13[%swap3A_713, %swap3A_714], %swap3A_717 {strides = array<i32>} : memref<16x1024xf32, #tpu.memory_space<vmem>>, vector<1x16xf32>,
        %get3A_718 = arith.index_cast %scan3A_145 : i32 to index
        %get3A_719 = arith.constant 656 : index
        %get3A_720 = tpu.vector_load %arg9[%get3A_718, %get3A_719] {strides = array<i32>} : memref<16x1024xf32, #tpu.memory_space<vmem>>, vector<1x16xf32>,
        %get3A_721 = vector.shape_cast %get3A_720 : vector<1x16xf32> to vector<16xf32>
        %get3A_722 = arith.index_cast %scan3A_145 : i32 to index
        %get3A_723 = arith.constant 656 : index
        %get3A_724 = tpu.vector_load %arg11[%get3A_722, %get3A_723] {strides = array<i32>} : memref<16x1024xf32, #tpu.memory_space<vmem>>, vector<1x16xf32>,
        %get3A_725 = vector.shape_cast %get3A_724 : vector<1x16xf32> to vector<16xf32>
        %add3A_726 = arith.addf %get3A_721, %get3A_725 : vector<16xf32>
        %swap3A_727 = arith.index_cast %scan3A_145 : i32 to index
        %swap3A_728 = arith.constant 656 : index
        %swap3A_729 = tpu.vector_load %arg13[%swap3A_727, %swap3A_728] {strides = array<i32>} : memref<16x1024xf32, #tpu.memory_space<vmem>>, vector<1x16xf32>,
        %swap3A_730 = vector.shape_cast %swap3A_729 : vector<1x16xf32> to vector<16xf32>
        %swap3A_731 = vector.shape_cast %add3A_726 : vector<16xf32> to vector<1x16xf32>
        tpu.vector_store %arg13[%swap3A_727, %swap3A_728], %swap3A_731 {strides = array<i32>} : memref<16x1024xf32, #tpu.memory_space<vmem>>, vector<1x16xf32>,
        %get3A_732 = arith.index_cast %scan3A_145 : i32 to index
        %get3A_733 = arith.constant 672 : index
        %get3A_734 = tpu.vector_load %arg9[%get3A_732, %get3A_733] {strides = array<i32>} : memref<16x1024xf32, #tpu.memory_space<vmem>>, vector<1x16xf32>,
        %get3A_735 = vector.shape_cast %get3A_734 : vector<1x16xf32> to vector<16xf32>
        %get3A_736 = arith.index_cast %scan3A_145 : i32 to index
        %get3A_737 = arith.constant 672 : index
        %get3A_738 = tpu.vector_load %arg11[%get3A_736, %get3A_737] {strides = array<i32>} : memref<16x1024xf32, #tpu.memory_space<vmem>>, vector<1x16xf32>,
        %get3A_739 = vector.shape_cast %get3A_738 : vector<1x16xf32> to vector<16xf32>
        %add3A_740 = arith.addf %get3A_735, %get3A_739 : vector<16xf32>
        %swap3A_741 = arith.index_cast %scan3A_145 : i32 to index
        %swap3A_742 = arith.constant 672 : index
        %swap3A_743 = tpu.vector_load %arg13[%swap3A_741, %swap3A_742] {strides = array<i32>} : memref<16x1024xf32, #tpu.memory_space<vmem>>, vector<1x16xf32>,
        %swap3A_744 = vector.shape_cast %swap3A_743 : vector<1x16xf32> to vector<16xf32>
        %swap3A_745 = vector.shape_cast %add3A_740 : vector<16xf32> to vector<1x16xf32>
        tpu.vector_store %arg13[%swap3A_741, %swap3A_742], %swap3A_745 {strides = array<i32>} : memref<16x1024xf32, #tpu.memory_space<vmem>>, vector<1x16xf32>,
        %get3A_746 = arith.index_cast %scan3A_145 : i32 to index
        %get3A_747 = arith.constant 688 : index
        %get3A_748 = tpu.vector_load %arg9[%get3A_746, %get3A_747] {strides = array<i32>} : memref<16x1024xf32, #tpu.memory_space<vmem>>, vector<1x16xf32>,
        %get3A_749 = vector.shape_cast %get3A_748 : vector<1x16xf32> to vector<16xf32>
        %get3A_750 = arith.index_cast %scan3A_145 : i32 to index
        %get3A_751 = arith.constant 688 : index
        %get3A_752 = tpu.vector_load %arg11[%get3A_750, %get3A_751] {strides = array<i32>} : memref<16x1024xf32, #tpu.memory_space<vmem>>, vector<1x16xf32>,
        %get3A_753 = vector.shape_cast %get3A_752 : vector<1x16xf32> to vector<16xf32>
        %add3A_754 = arith.addf %get3A_749, %get3A_753 : vector<16xf32>
        %swap3A_755 = arith.index_cast %scan3A_145 : i32 to index
        %swap3A_756 = arith.constant 688 : index
        %swap3A_757 = tpu.vector_load %arg13[%swap3A_755, %swap3A_756] {strides = array<i32>} : memref<16x1024xf32, #tpu.memory_space<vmem>>, vector<1x16xf32>,
        %swap3A_758 = vector.shape_cast %swap3A_757 : vector<1x16xf32> to vector<16xf32>
        %swap3A_759 = vector.shape_cast %add3A_754 : vector<16xf32> to vector<1x16xf32>
        tpu.vector_store %arg13[%swap3A_755, %swap3A_756], %swap3A_759 {strides = array<i32>} : memref<16x1024xf32, #tpu.memory_space<vmem>>, vector<1x16xf32>,
        %get3A_760 = arith.index_cast %scan3A_145 : i32 to index
        %get3A_761 = arith.constant 704 : index
        %get3A_762 = tpu.vector_load %arg9[%get3A_760, %get3A_761] {strides = array<i32>} : memref<16x1024xf32, #tpu.memory_space<vmem>>, vector<1x16xf32>,
        %get3A_763 = vector.shape_cast %get3A_762 : vector<1x16xf32> to vector<16xf32>
        %get3A_764 = arith.index_cast %scan3A_145 : i32 to index
        %get3A_765 = arith.constant 704 : index
        %get3A_766 = tpu.vector_load %arg11[%get3A_764, %get3A_765] {strides = array<i32>} : memref<16x1024xf32, #tpu.memory_space<vmem>>, vector<1x16xf32>,
        %get3A_767 = vector.shape_cast %get3A_766 : vector<1x16xf32> to vector<16xf32>
        %add3A_768 = arith.addf %get3A_763, %get3A_767 : vector<16xf32>
        %swap3A_769 = arith.index_cast %scan3A_145 : i32 to index
        %swap3A_770 = arith.constant 704 : index
        %swap3A_771 = tpu.vector_load %arg13[%swap3A_769, %swap3A_770] {strides = array<i32>} : memref<16x1024xf32, #tpu.memory_space<vmem>>, vector<1x16xf32>,
        %swap3A_772 = vector.shape_cast %swap3A_771 : vector<1x16xf32> to vector<16xf32>
        %swap3A_773 = vector.shape_cast %add3A_768 : vector<16xf32> to vector<1x16xf32>
        tpu.vector_store %arg13[%swap3A_769, %swap3A_770], %swap3A_773 {strides = array<i32>} : memref<16x1024xf32, #tpu.memory_space<vmem>>, vector<1x16xf32>,
        %get3A_774 = arith.index_cast %scan3A_145 : i32 to index
        %get3A_775 = arith.constant 720 : index
        %get3A_776 = tpu.vector_load %arg9[%get3A_774, %get3A_775] {strides = array<i32>} : memref<16x1024xf32, #tpu.memory_space<vmem>>, vector<1x16xf32>,
        %get3A_777 = vector.shape_cast %get3A_776 : vector<1x16xf32> to vector<16xf32>
        %get3A_778 = arith.index_cast %scan3A_145 : i32 to index
        %get3A_779 = arith.constant 720 : index
        %get3A_780 = tpu.vector_load %arg11[%get3A_778, %get3A_779] {strides = array<i32>} : memref<16x1024xf32, #tpu.memory_space<vmem>>, vector<1x16xf32>,
        %get3A_781 = vector.shape_cast %get3A_780 : vector<1x16xf32> to vector<16xf32>
        %add3A_782 = arith.addf %get3A_777, %get3A_781 : vector<16xf32>
        %swap3A_783 = arith.index_cast %scan3A_145 : i32 to index
        %swap3A_784 = arith.constant 720 : index
        %swap3A_785 = tpu.vector_load %arg13[%swap3A_783, %swap3A_784] {strides = array<i32>} : memref<16x1024xf32, #tpu.memory_space<vmem>>, vector<1x16xf32>,
        %swap3A_786 = vector.shape_cast %swap3A_785 : vector<1x16xf32> to vector<16xf32>
        %swap3A_787 = vector.shape_cast %add3A_782 : vector<16xf32> to vector<1x16xf32>
        tpu.vector_store %arg13[%swap3A_783, %swap3A_784], %swap3A_787 {strides = array<i32>} : memref<16x1024xf32, #tpu.memory_space<vmem>>, vector<1x16xf32>,
        %get3A_788 = arith.index_cast %scan3A_145 : i32 to index
        %get3A_789 = arith.constant 736 : index
        %get3A_790 = tpu.vector_load %arg9[%get3A_788, %get3A_789] {strides = array<i32>} : memref<16x1024xf32, #tpu.memory_space<vmem>>, vector<1x16xf32>,
        %get3A_791 = vector.shape_cast %get3A_790 : vector<1x16xf32> to vector<16xf32>
        %get3A_792 = arith.index_cast %scan3A_145 : i32 to index
        %get3A_793 = arith.constant 736 : index
        %get3A_794 = tpu.vector_load %arg11[%get3A_792, %get3A_793] {strides = array<i32>} : memref<16x1024xf32, #tpu.memory_space<vmem>>, vector<1x16xf32>,
        %get3A_795 = vector.shape_cast %get3A_794 : vector<1x16xf32> to vector<16xf32>
        %add3A_796 = arith.addf %get3A_791, %get3A_795 : vector<16xf32>
        %swap3A_797 = arith.index_cast %scan3A_145 : i32 to index
        %swap3A_798 = arith.constant 736 : index
        %swap3A_799 = tpu.vector_load %arg13[%swap3A_797, %swap3A_798] {strides = array<i32>} : memref<16x1024xf32, #tpu.memory_space<vmem>>, vector<1x16xf32>,
        %swap3A_800 = vector.shape_cast %swap3A_799 : vector<1x16xf32> to vector<16xf32>
        %swap3A_801 = vector.shape_cast %add3A_796 : vector<16xf32> to vector<1x16xf32>
        tpu.vector_store %arg13[%swap3A_797, %swap3A_798], %swap3A_801 {strides = array<i32>} : memref<16x1024xf32, #tpu.memory_space<vmem>>, vector<1x16xf32>,
        %get3A_802 = arith.index_cast %scan3A_145 : i32 to index
        %get3A_803 = arith.constant 752 : index
        %get3A_804 = tpu.vector_load %arg9[%get3A_802, %get3A_803] {strides = array<i32>} : memref<16x1024xf32, #tpu.memory_space<vmem>>, vector<1x16xf32>,
        %get3A_805 = vector.shape_cast %get3A_804 : vector<1x16xf32> to vector<16xf32>
        %get3A_806 = arith.index_cast %scan3A_145 : i32 to index
        %get3A_807 = arith.constant 752 : index
        %get3A_808 = tpu.vector_load %arg11[%get3A_806, %get3A_807] {strides = array<i32>} : memref<16x1024xf32, #tpu.memory_space<vmem>>, vector<1x16xf32>,
        %get3A_809 = vector.shape_cast %get3A_808 : vector<1x16xf32> to vector<16xf32>
        %add3A_810 = arith.addf %get3A_805, %get3A_809 : vector<16xf32>
        %swap3A_811 = arith.index_cast %scan3A_145 : i32 to index
        %swap3A_812 = arith.constant 752 : index
        %swap3A_813 = tpu.vector_load %arg13[%swap3A_811, %swap3A_812] {strides = array<i32>} : memref<16x1024xf32, #tpu.memory_space<vmem>>, vector<1x16xf32>,
        %swap3A_814 = vector.shape_cast %swap3A_813 : vector<1x16xf32> to vector<16xf32>
        %swap3A_815 = vector.shape_cast %add3A_810 : vector<16xf32> to vector<1x16xf32>
        tpu.vector_store %arg13[%swap3A_811, %swap3A_812], %swap3A_815 {strides = array<i32>} : memref<16x1024xf32, #tpu.memory_space<vmem>>, vector<1x16xf32>,
        %get3A_816 = arith.index_cast %scan3A_145 : i32 to index
        %get3A_817 = arith.constant 768 : index
        %get3A_818 = tpu.vector_load %arg9[%get3A_816, %get3A_817] {strides = array<i32>} : memref<16x1024xf32, #tpu.memory_space<vmem>>, vector<1x16xf32>,
        %get3A_819 = vector.shape_cast %get3A_818 : vector<1x16xf32> to vector<16xf32>
        %get3A_820 = arith.index_cast %scan3A_145 : i32 to index
        %get3A_821 = arith.constant 768 : index
        %get3A_822 = tpu.vector_load %arg11[%get3A_820, %get3A_821] {strides = array<i32>} : memref<16x1024xf32, #tpu.memory_space<vmem>>, vector<1x16xf32>,
        %get3A_823 = vector.shape_cast %get3A_822 : vector<1x16xf32> to vector<16xf32>
        %add3A_824 = arith.addf %get3A_819, %get3A_823 : vector<16xf32>
        %swap3A_825 = arith.index_cast %scan3A_145 : i32 to index
        %swap3A_826 = arith.constant 768 : index
        %swap3A_827 = tpu.vector_load %arg13[%swap3A_825, %swap3A_826] {strides = array<i32>} : memref<16x1024xf32, #tpu.memory_space<vmem>>, vector<1x16xf32>,
        %swap3A_828 = vector.shape_cast %swap3A_827 : vector<1x16xf32> to vector<16xf32>
        %swap3A_829 = vector.shape_cast %add3A_824 : vector<16xf32> to vector<1x16xf32>
        tpu.vector_store %arg13[%swap3A_825, %swap3A_826], %swap3A_829 {strides = array<i32>} : memref<16x1024xf32, #tpu.memory_space<vmem>>, vector<1x16xf32>,
        %get3A_830 = arith.index_cast %scan3A_145 : i32 to index
        %get3A_831 = arith.constant 784 : index
        %get3A_832 = tpu.vector_load %arg9[%get3A_830, %get3A_831] {strides = array<i32>} : memref<16x1024xf32, #tpu.memory_space<vmem>>, vector<1x16xf32>,
        %get3A_833 = vector.shape_cast %get3A_832 : vector<1x16xf32> to vector<16xf32>
        %get3A_834 = arith.index_cast %scan3A_145 : i32 to index
        %get3A_835 = arith.constant 784 : index
        %get3A_836 = tpu.vector_load %arg11[%get3A_834, %get3A_835] {strides = array<i32>} : memref<16x1024xf32, #tpu.memory_space<vmem>>, vector<1x16xf32>,
        %get3A_837 = vector.shape_cast %get3A_836 : vector<1x16xf32> to vector<16xf32>
        %add3A_838 = arith.addf %get3A_833, %get3A_837 : vector<16xf32>
        %swap3A_839 = arith.index_cast %scan3A_145 : i32 to index
        %swap3A_840 = arith.constant 784 : index
        %swap3A_841 = tpu.vector_load %arg13[%swap3A_839, %swap3A_840] {strides = array<i32>} : memref<16x1024xf32, #tpu.memory_space<vmem>>, vector<1x16xf32>,
        %swap3A_842 = vector.shape_cast %swap3A_841 : vector<1x16xf32> to vector<16xf32>
        %swap3A_843 = vector.shape_cast %add3A_838 : vector<16xf32> to vector<1x16xf32>
        tpu.vector_store %arg13[%swap3A_839, %swap3A_840], %swap3A_843 {strides = array<i32>} : memref<16x1024xf32, #tpu.memory_space<vmem>>, vector<1x16xf32>,
        %get3A_844 = arith.index_cast %scan3A_145 : i32 to index
        %get3A_845 = arith.constant 800 : index
        %get3A_846 = tpu.vector_load %arg9[%get3A_844, %get3A_845] {strides = array<i32>} : memref<16x1024xf32, #tpu.memory_space<vmem>>, vector<1x16xf32>,
        %get3A_847 = vector.shape_cast %get3A_846 : vector<1x16xf32> to vector<16xf32>
        %get3A_848 = arith.index_cast %scan3A_145 : i32 to index
        %get3A_849 = arith.constant 800 : index
        %get3A_850 = tpu.vector_load %arg11[%get3A_848, %get3A_849] {strides = array<i32>} : memref<16x1024xf32, #tpu.memory_space<vmem>>, vector<1x16xf32>,
        %get3A_851 = vector.shape_cast %get3A_850 : vector<1x16xf32> to vector<16xf32>
        %add3A_852 = arith.addf %get3A_847, %get3A_851 : vector<16xf32>
        %swap3A_853 = arith.index_cast %scan3A_145 : i32 to index
        %swap3A_854 = arith.constant 800 : index
        %swap3A_855 = tpu.vector_load %arg13[%swap3A_853, %swap3A_854] {strides = array<i32>} : memref<16x1024xf32, #tpu.memory_space<vmem>>, vector<1x16xf32>,
        %swap3A_856 = vector.shape_cast %swap3A_855 : vector<1x16xf32> to vector<16xf32>
        %swap3A_857 = vector.shape_cast %add3A_852 : vector<16xf32> to vector<1x16xf32>
        tpu.vector_store %arg13[%swap3A_853, %swap3A_854], %swap3A_857 {strides = array<i32>} : memref<16x1024xf32, #tpu.memory_space<vmem>>, vector<1x16xf32>,
        %get3A_858 = arith.index_cast %scan3A_145 : i32 to index
        %get3A_859 = arith.constant 816 : index
        %get3A_860 = tpu.vector_load %arg9[%get3A_858, %get3A_859] {strides = array<i32>} : memref<16x1024xf32, #tpu.memory_space<vmem>>, vector<1x16xf32>,
        %get3A_861 = vector.shape_cast %get3A_860 : vector<1x16xf32> to vector<16xf32>
        %get3A_862 = arith.index_cast %scan3A_145 : i32 to index
        %get3A_863 = arith.constant 816 : index
        %get3A_864 = tpu.vector_load %arg11[%get3A_862, %get3A_863] {strides = array<i32>} : memref<16x1024xf32, #tpu.memory_space<vmem>>, vector<1x16xf32>,
        %get3A_865 = vector.shape_cast %get3A_864 : vector<1x16xf32> to vector<16xf32>
        %add3A_866 = arith.addf %get3A_861, %get3A_865 : vector<16xf32>
        %swap3A_867 = arith.index_cast %scan3A_145 : i32 to index
        %swap3A_868 = arith.constant 816 : index
        %swap3A_869 = tpu.vector_load %arg13[%swap3A_867, %swap3A_868] {strides = array<i32>} : memref<16x1024xf32, #tpu.memory_space<vmem>>, vector<1x16xf32>,
        %swap3A_870 = vector.shape_cast %swap3A_869 : vector<1x16xf32> to vector<16xf32>
        %swap3A_871 = vector.shape_cast %add3A_866 : vector<16xf32> to vector<1x16xf32>
        tpu.vector_store %arg13[%swap3A_867, %swap3A_868], %swap3A_871 {strides = array<i32>} : memref<16x1024xf32, #tpu.memory_space<vmem>>, vector<1x16xf32>,
        %get3A_872 = arith.index_cast %scan3A_145 : i32 to index
        %get3A_873 = arith.constant 832 : index
        %get3A_874 = tpu.vector_load %arg9[%get3A_872, %get3A_873] {strides = array<i32>} : memref<16x1024xf32, #tpu.memory_space<vmem>>, vector<1x16xf32>,
        %get3A_875 = vector.shape_cast %get3A_874 : vector<1x16xf32> to vector<16xf32>
        %get3A_876 = arith.index_cast %scan3A_145 : i32 to index
        %get3A_877 = arith.constant 832 : index
        %get3A_878 = tpu.vector_load %arg11[%get3A_876, %get3A_877] {strides = array<i32>} : memref<16x1024xf32, #tpu.memory_space<vmem>>, vector<1x16xf32>,
        %get3A_879 = vector.shape_cast %get3A_878 : vector<1x16xf32> to vector<16xf32>
        %add3A_880 = arith.addf %get3A_875, %get3A_879 : vector<16xf32>
        %swap3A_881 = arith.index_cast %scan3A_145 : i32 to index
        %swap3A_882 = arith.constant 832 : index
        %swap3A_883 = tpu.vector_load %arg13[%swap3A_881, %swap3A_882] {strides = array<i32>} : memref<16x1024xf32, #tpu.memory_space<vmem>>, vector<1x16xf32>,
        %swap3A_884 = vector.shape_cast %swap3A_883 : vector<1x16xf32> to vector<16xf32>
        %swap3A_885 = vector.shape_cast %add3A_880 : vector<16xf32> to vector<1x16xf32>
        tpu.vector_store %arg13[%swap3A_881, %swap3A_882], %swap3A_885 {strides = array<i32>} : memref<16x1024xf32, #tpu.memory_space<vmem>>, vector<1x16xf32>,
        %get3A_886 = arith.index_cast %scan3A_145 : i32 to index
        %get3A_887 = arith.constant 848 : index
        %get3A_888 = tpu.vector_load %arg9[%get3A_886, %get3A_887] {strides = array<i32>} : memref<16x1024xf32, #tpu.memory_space<vmem>>, vector<1x16xf32>,
        %get3A_889 = vector.shape_cast %get3A_888 : vector<1x16xf32> to vector<16xf32>
        %get3A_890 = arith.index_cast %scan3A_145 : i32 to index
        %get3A_891 = arith.constant 848 : index
        %get3A_892 = tpu.vector_load %arg11[%get3A_890, %get3A_891] {strides = array<i32>} : memref<16x1024xf32, #tpu.memory_space<vmem>>, vector<1x16xf32>,
        %get3A_893 = vector.shape_cast %get3A_892 : vector<1x16xf32> to vector<16xf32>
        %add3A_894 = arith.addf %get3A_889, %get3A_893 : vector<16xf32>
        %swap3A_895 = arith.index_cast %scan3A_145 : i32 to index
        %swap3A_896 = arith.constant 848 : index
        %swap3A_897 = tpu.vector_load %arg13[%swap3A_895, %swap3A_896] {strides = array<i32>} : memref<16x1024xf32, #tpu.memory_space<vmem>>, vector<1x16xf32>,
        %swap3A_898 = vector.shape_cast %swap3A_897 : vector<1x16xf32> to vector<16xf32>
        %swap3A_899 = vector.shape_cast %add3A_894 : vector<16xf32> to vector<1x16xf32>
        tpu.vector_store %arg13[%swap3A_895, %swap3A_896], %swap3A_899 {strides = array<i32>} : memref<16x1024xf32, #tpu.memory_space<vmem>>, vector<1x16xf32>,
        %get3A_900 = arith.index_cast %scan3A_145 : i32 to index
        %get3A_901 = arith.constant 864 : index
        %get3A_902 = tpu.vector_load %arg9[%get3A_900, %get3A_901] {strides = array<i32>} : memref<16x1024xf32, #tpu.memory_space<vmem>>, vector<1x16xf32>,
        %get3A_903 = vector.shape_cast %get3A_902 : vector<1x16xf32> to vector<16xf32>
        %get3A_904 = arith.index_cast %scan3A_145 : i32 to index
        %get3A_905 = arith.constant 864 : index
        %get3A_906 = tpu.vector_load %arg11[%get3A_904, %get3A_905] {strides = array<i32>} : memref<16x1024xf32, #tpu.memory_space<vmem>>, vector<1x16xf32>,
        %get3A_907 = vector.shape_cast %get3A_906 : vector<1x16xf32> to vector<16xf32>
        %add3A_908 = arith.addf %get3A_903, %get3A_907 : vector<16xf32>
        %swap3A_909 = arith.index_cast %scan3A_145 : i32 to index
        %swap3A_910 = arith.constant 864 : index
        %swap3A_911 = tpu.vector_load %arg13[%swap3A_909, %swap3A_910] {strides = array<i32>} : memref<16x1024xf32, #tpu.memory_space<vmem>>, vector<1x16xf32>,
        %swap3A_912 = vector.shape_cast %swap3A_911 : vector<1x16xf32> to vector<16xf32>
        %swap3A_913 = vector.shape_cast %add3A_908 : vector<16xf32> to vector<1x16xf32>
        tpu.vector_store %arg13[%swap3A_909, %swap3A_910], %swap3A_913 {strides = array<i32>} : memref<16x1024xf32, #tpu.memory_space<vmem>>, vector<1x16xf32>,
        %get3A_914 = arith.index_cast %scan3A_145 : i32 to index
        %get3A_915 = arith.constant 880 : index
        %get3A_916 = tpu.vector_load %arg9[%get3A_914, %get3A_915] {strides = array<i32>} : memref<16x1024xf32, #tpu.memory_space<vmem>>, vector<1x16xf32>,
        %get3A_917 = vector.shape_cast %get3A_916 : vector<1x16xf32> to vector<16xf32>
        %get3A_918 = arith.index_cast %scan3A_145 : i32 to index
        %get3A_919 = arith.constant 880 : index
        %get3A_920 = tpu.vector_load %arg11[%get3A_918, %get3A_919] {strides = array<i32>} : memref<16x1024xf32, #tpu.memory_space<vmem>>, vector<1x16xf32>,
        %get3A_921 = vector.shape_cast %get3A_920 : vector<1x16xf32> to vector<16xf32>
        %add3A_922 = arith.addf %get3A_917, %get3A_921 : vector<16xf32>
        %swap3A_923 = arith.index_cast %scan3A_145 : i32 to index
        %swap3A_924 = arith.constant 880 : index
        %swap3A_925 = tpu.vector_load %arg13[%swap3A_923, %swap3A_924] {strides = array<i32>} : memref<16x1024xf32, #tpu.memory_space<vmem>>, vector<1x16xf32>,
        %swap3A_926 = vector.shape_cast %swap3A_925 : vector<1x16xf32> to vector<16xf32>
        %swap3A_927 = vector.shape_cast %add3A_922 : vector<16xf32> to vector<1x16xf32>
        tpu.vector_store %arg13[%swap3A_923, %swap3A_924], %swap3A_927 {strides = array<i32>} : memref<16x1024xf32, #tpu.memory_space<vmem>>, vector<1x16xf32>,
        %get3A_928 = arith.index_cast %scan3A_145 : i32 to index
        %get3A_929 = arith.constant 896 : index
        %get3A_930 = tpu.vector_load %arg9[%get3A_928, %get3A_929] {strides = array<i32>} : memref<16x1024xf32, #tpu.memory_space<vmem>>, vector<1x16xf32>,
        %get3A_931 = vector.shape_cast %get3A_930 : vector<1x16xf32> to vector<16xf32>
        %get3A_932 = arith.index_cast %scan3A_145 : i32 to index
        %get3A_933 = arith.constant 896 : index
        %get3A_934 = tpu.vector_load %arg11[%get3A_932, %get3A_933] {strides = array<i32>} : memref<16x1024xf32, #tpu.memory_space<vmem>>, vector<1x16xf32>,
        %get3A_935 = vector.shape_cast %get3A_934 : vector<1x16xf32> to vector<16xf32>
        %add3A_936 = arith.addf %get3A_931, %get3A_935 : vector<16xf32>
        %swap3A_937 = arith.index_cast %scan3A_145 : i32 to index
        %swap3A_938 = arith.constant 896 : index
        %swap3A_939 = tpu.vector_load %arg13[%swap3A_937, %swap3A_938] {strides = array<i32>} : memref<16x1024xf32, #tpu.memory_space<vmem>>, vector<1x16xf32>,
        %swap3A_940 = vector.shape_cast %swap3A_939 : vector<1x16xf32> to vector<16xf32>
        %swap3A_941 = vector.shape_cast %add3A_936 : vector<16xf32> to vector<1x16xf32>
        tpu.vector_store %arg13[%swap3A_937, %swap3A_938], %swap3A_941 {strides = array<i32>} : memref<16x1024xf32, #tpu.memory_space<vmem>>, vector<1x16xf32>,
        %get3A_942 = arith.index_cast %scan3A_145 : i32 to index
        %get3A_943 = arith.constant 912 : index
        %get3A_944 = tpu.vector_load %arg9[%get3A_942, %get3A_943] {strides = array<i32>} : memref<16x1024xf32, #tpu.memory_space<vmem>>, vector<1x16xf32>,
        %get3A_945 = vector.shape_cast %get3A_944 : vector<1x16xf32> to vector<16xf32>
        %get3A_946 = arith.index_cast %scan3A_145 : i32 to index
        %get3A_947 = arith.constant 912 : index
        %get3A_948 = tpu.vector_load %arg11[%get3A_946, %get3A_947] {strides = array<i32>} : memref<16x1024xf32, #tpu.memory_space<vmem>>, vector<1x16xf32>,
        %get3A_949 = vector.shape_cast %get3A_948 : vector<1x16xf32> to vector<16xf32>
        %add3A_950 = arith.addf %get3A_945, %get3A_949 : vector<16xf32>
        %swap3A_951 = arith.index_cast %scan3A_145 : i32 to index
        %swap3A_952 = arith.constant 912 : index
        %swap3A_953 = tpu.vector_load %arg13[%swap3A_951, %swap3A_952] {strides = array<i32>} : memref<16x1024xf32, #tpu.memory_space<vmem>>, vector<1x16xf32>,
        %swap3A_954 = vector.shape_cast %swap3A_953 : vector<1x16xf32> to vector<16xf32>
        %swap3A_955 = vector.shape_cast %add3A_950 : vector<16xf32> to vector<1x16xf32>
        tpu.vector_store %arg13[%swap3A_951, %swap3A_952], %swap3A_955 {strides = array<i32>} : memref<16x1024xf32, #tpu.memory_space<vmem>>, vector<1x16xf32>,
        %get3A_956 = arith.index_cast %scan3A_145 : i32 to index
        %get3A_957 = arith.constant 928 : index
        %get3A_958 = tpu.vector_load %arg9[%get3A_956, %get3A_957] {strides = array<i32>} : memref<16x1024xf32, #tpu.memory_space<vmem>>, vector<1x16xf32>,
        %get3A_959 = vector.shape_cast %get3A_958 : vector<1x16xf32> to vector<16xf32>
        %get3A_960 = arith.index_cast %scan3A_145 : i32 to index
        %get3A_961 = arith.constant 928 : index
        %get3A_962 = tpu.vector_load %arg11[%get3A_960, %get3A_961] {strides = array<i32>} : memref<16x1024xf32, #tpu.memory_space<vmem>>, vector<1x16xf32>,
        %get3A_963 = vector.shape_cast %get3A_962 : vector<1x16xf32> to vector<16xf32>
        %add3A_964 = arith.addf %get3A_959, %get3A_963 : vector<16xf32>
        %swap3A_965 = arith.index_cast %scan3A_145 : i32 to index
        %swap3A_966 = arith.constant 928 : index
        %swap3A_967 = tpu.vector_load %arg13[%swap3A_965, %swap3A_966] {strides = array<i32>} : memref<16x1024xf32, #tpu.memory_space<vmem>>, vector<1x16xf32>,
        %swap3A_968 = vector.shape_cast %swap3A_967 : vector<1x16xf32> to vector<16xf32>
        %swap3A_969 = vector.shape_cast %add3A_964 : vector<16xf32> to vector<1x16xf32>
        tpu.vector_store %arg13[%swap3A_965, %swap3A_966], %swap3A_969 {strides = array<i32>} : memref<16x1024xf32, #tpu.memory_space<vmem>>, vector<1x16xf32>,
        %get3A_970 = arith.index_cast %scan3A_145 : i32 to index
        %get3A_971 = arith.constant 944 : index
        %get3A_972 = tpu.vector_load %arg9[%get3A_970, %get3A_971] {strides = array<i32>} : memref<16x1024xf32, #tpu.memory_space<vmem>>, vector<1x16xf32>,
        %get3A_973 = vector.shape_cast %get3A_972 : vector<1x16xf32> to vector<16xf32>
        %get3A_974 = arith.index_cast %scan3A_145 : i32 to index
        %get3A_975 = arith.constant 944 : index
        %get3A_976 = tpu.vector_load %arg11[%get3A_974, %get3A_975] {strides = array<i32>} : memref<16x1024xf32, #tpu.memory_space<vmem>>, vector<1x16xf32>,
        %get3A_977 = vector.shape_cast %get3A_976 : vector<1x16xf32> to vector<16xf32>
        %add3A_978 = arith.addf %get3A_973, %get3A_977 : vector<16xf32>
        %swap3A_979 = arith.index_cast %scan3A_145 : i32 to index
        %swap3A_980 = arith.constant 944 : index
        %swap3A_981 = tpu.vector_load %arg13[%swap3A_979, %swap3A_980] {strides = array<i32>} : memref<16x1024xf32, #tpu.memory_space<vmem>>, vector<1x16xf32>,
        %swap3A_982 = vector.shape_cast %swap3A_981 : vector<1x16xf32> to vector<16xf32>
        %swap3A_983 = vector.shape_cast %add3A_978 : vector<16xf32> to vector<1x16xf32>
        tpu.vector_store %arg13[%swap3A_979, %swap3A_980], %swap3A_983 {strides = array<i32>} : memref<16x1024xf32, #tpu.memory_space<vmem>>, vector<1x16xf32>,
        %get3A_984 = arith.index_cast %scan3A_145 : i32 to index
        %get3A_985 = arith.constant 960 : index
        %get3A_986 = tpu.vector_load %arg9[%get3A_984, %get3A_985] {strides = array<i32>} : memref<16x1024xf32, #tpu.memory_space<vmem>>, vector<1x16xf32>,
        %get3A_987 = vector.shape_cast %get3A_986 : vector<1x16xf32> to vector<16xf32>
        %get3A_988 = arith.index_cast %scan3A_145 : i32 to index
        %get3A_989 = arith.constant 960 : index
        %get3A_990 = tpu.vector_load %arg11[%get3A_988, %get3A_989] {strides = array<i32>} : memref<16x1024xf32, #tpu.memory_space<vmem>>, vector<1x16xf32>,
        %get3A_991 = vector.shape_cast %get3A_990 : vector<1x16xf32> to vector<16xf32>
        %add3A_992 = arith.addf %get3A_987, %get3A_991 : vector<16xf32>
        %swap3A_993 = arith.index_cast %scan3A_145 : i32 to index
        %swap3A_994 = arith.constant 960 : index
        %swap3A_995 = tpu.vector_load %arg13[%swap3A_993, %swap3A_994] {strides = array<i32>} : memref<16x1024xf32, #tpu.memory_space<vmem>>, vector<1x16xf32>,
        %swap3A_996 = vector.shape_cast %swap3A_995 : vector<1x16xf32> to vector<16xf32>
        %swap3A_997 = vector.shape_cast %add3A_992 : vector<16xf32> to vector<1x16xf32>
        tpu.vector_store %arg13[%swap3A_993, %swap3A_994], %swap3A_997 {strides = array<i32>} : memref<16x1024xf32, #tpu.memory_space<vmem>>, vector<1x16xf32>,
        %get3A_998 = arith.index_cast %scan3A_145 : i32 to index
        %get3A_999 = arith.constant 976 : index
        %get3A_1000 = tpu.vector_load %arg9[%get3A_998, %get3A_999] {strides = array<i32>} : memref<16x1024xf32, #tpu.memory_space<vmem>>, vector<1x16xf32>,
        %get3A_1001 = vector.shape_cast %get3A_1000 : vector<1x16xf32> to vector<16xf32>
        %get3A_1002 = arith.index_cast %scan3A_145 : i32 to index
        %get3A_1003 = arith.constant 976 : index
        %get3A_1004 = tpu.vector_load %arg11[%get3A_1002, %get3A_1003] {strides = array<i32>} : memref<16x1024xf32, #tpu.memory_space<vmem>>, vector<1x16xf32>,
        %get3A_1005 = vector.shape_cast %get3A_1004 : vector<1x16xf32> to vector<16xf32>
        %add3A_1006 = arith.addf %get3A_1001, %get3A_1005 : vector<16xf32>
        %swap3A_1007 = arith.index_cast %scan3A_145 : i32 to index
        %swap3A_1008 = arith.constant 976 : index
        %swap3A_1009 = tpu.vector_load %arg13[%swap3A_1007, %swap3A_1008] {strides = array<i32>} : memref<16x1024xf32, #tpu.memory_space<vmem>>, vector<1x16xf32>,
        %swap3A_1010 = vector.shape_cast %swap3A_1009 : vector<1x16xf32> to vector<16xf32>
        %swap3A_1011 = vector.shape_cast %add3A_1006 : vector<16xf32> to vector<1x16xf32>
        tpu.vector_store %arg13[%swap3A_1007, %swap3A_1008], %swap3A_1011 {strides = array<i32>} : memref<16x1024xf32, #tpu.memory_space<vmem>>, vector<1x16xf32>,
        %get3A_1012 = arith.index_cast %scan3A_145 : i32 to index
        %get3A_1013 = arith.constant 992 : index
        %get3A_1014 = tpu.vector_load %arg9[%get3A_1012, %get3A_1013] {strides = array<i32>} : memref<16x1024xf32, #tpu.memory_space<vmem>>, vector<1x16xf32>,
        %get3A_1015 = vector.shape_cast %get3A_1014 : vector<1x16xf32> to vector<16xf32>
        %get3A_1016 = arith.index_cast %scan3A_145 : i32 to index
        %get3A_1017 = arith.constant 992 : index
        %get3A_1018 = tpu.vector_load %arg11[%get3A_1016, %get3A_1017] {strides = array<i32>} : memref<16x1024xf32, #tpu.memory_space<vmem>>, vector<1x16xf32>,
        %get3A_1019 = vector.shape_cast %get3A_1018 : vector<1x16xf32> to vector<16xf32>
        %add3A_1020 = arith.addf %get3A_1015, %get3A_1019 : vector<16xf32>
        %swap3A_1021 = arith.index_cast %scan3A_145 : i32 to index
        %swap3A_1022 = arith.constant 992 : index
        %swap3A_1023 = tpu.vector_load %arg13[%swap3A_1021, %swap3A_1022] {strides = array<i32>} : memref<16x1024xf32, #tpu.memory_space<vmem>>, vector<1x16xf32>,
        %swap3A_1024 = vector.shape_cast %swap3A_1023 : vector<1x16xf32> to vector<16xf32>
        %swap3A_1025 = vector.shape_cast %add3A_1020 : vector<16xf32> to vector<1x16xf32>
        tpu.vector_store %arg13[%swap3A_1021, %swap3A_1022], %swap3A_1025 {strides = array<i32>} : memref<16x1024xf32, #tpu.memory_space<vmem>>, vector<1x16xf32>,
        %get3A_1026 = arith.index_cast %scan3A_145 : i32 to index
        %get3A_1027 = arith.constant 1008 : index
        %get3A_1028 = tpu.vector_load %arg9[%get3A_1026, %get3A_1027] {strides = array<i32>} : memref<16x1024xf32, #tpu.memory_space<vmem>>, vector<1x16xf32>,
        %get3A_1029 = vector.shape_cast %get3A_1028 : vector<1x16xf32> to vector<16xf32>
        %get3A_1030 = arith.index_cast %scan3A_145 : i32 to index
        %get3A_1031 = arith.constant 1008 : index
        %get3A_1032 = tpu.vector_load %arg11[%get3A_1030, %get3A_1031] {strides = array<i32>} : memref<16x1024xf32, #tpu.memory_space<vmem>>, vector<1x16xf32>,
        %get3A_1033 = vector.shape_cast %get3A_1032 : vector<1x16xf32> to vector<16xf32>
        %add3A_1034 = arith.addf %get3A_1029, %get3A_1033 : vector<16xf32>
        %swap3A_1035 = arith.index_cast %scan3A_145 : i32 to index
        %swap3A_1036 = arith.constant 1008 : index
        %swap3A_1037 = tpu.vector_load %arg13[%swap3A_1035, %swap3A_1036] {strides = array<i32>} : memref<16x1024xf32, #tpu.memory_space<vmem>>, vector<1x16xf32>,
        %swap3A_1038 = vector.shape_cast %swap3A_1037 : vector<1x16xf32> to vector<16xf32>
        %swap3A_1039 = vector.shape_cast %add3A_1034 : vector<16xf32> to vector<1x16xf32>
        tpu.vector_store %arg13[%swap3A_1035, %swap3A_1036], %swap3A_1039 {strides = array<i32>} : memref<16x1024xf32, #tpu.memory_space<vmem>>, vector<1x16xf32>,
      }
      %scan3A_96 = arith.constant 16 : i32
      %mul3A_97 = arith.constant 16 : i32
      %mul3A_98 = arith.muli %add3A_66, %mul3A_97 : i32
      %add3A_99 = arith.addi %mul3A_32, %mul3A_98 : i32
      %dma_start3A_100 = arith.constant 0 : i32
      %dma_start3A_101 = tpu.memref_slice %arg6[%select_n3A, %add3A_99, %dma_start3A_100] : memref<4x2048x1024xf32, #tpu.memory_space<hbm>> -> memref<1x16x1024xf32, #tpu.memory_space<hbm>>
      %dma_start3A_102 = tpu.memref_squeeze %dma_start3A_101 : memref<1x16x1024xf32, #tpu.memory_space<hbm>> -> memref<16x1024xf32, #tpu.memory_space<hbm>>
      %dma_start3A_103 = arith.constant 0 : i32
      %dma_start3A_104 = tpu.memref_slice %arg6[%select_n3A, %add3A_99, %dma_start3A_103] : memref<4x2048x1024xf32, #tpu.memory_space<hbm>> -> memref<1x16x1024xf32, #tpu.memory_space<hbm>>
      %dma_start3A_105 = tpu.memref_squeeze %dma_start3A_104 : memref<1x16x1024xf32, #tpu.memory_space<hbm>> -> memref<16x1024xf32, #tpu.memory_space<hbm>>
      tpu.enqueue_dma source(%arg13 : memref<16x1024xf32, #tpu.memory_space<vmem>>) target(%dma_start3A_105 : memref<16x1024xf32, #tpu.memory_space<hbm>>) target_semaphore(%arg19 : memref<!tpu.dma_semaphore, #tpu.memory_space<semaphore_mem>>)
      %mul3A_106 = arith.constant 2 : i32
      %mul3A_107 = arith.muli %mul3A_106, %scan3A_62 : i32
      %add3A_108 = arith.constant 1 : i32
      %add3A_109 = arith.addi %mul3A_107, %add3A_108 : i32
      %lt3A_110 = arith.constant 7 : i32
      %lt3A_111 = arith.cmpi slt, %scan3A_62, %lt3A_110 : i32
      %convert_element_type3A_112 = arith.extui %lt3A_111 : i1 to i32
      %cond3A_113 = arith.constant 0 : i32
      %cond3A_114 = arith.cmpi ne, %convert_element_type3A_112, %cond3A_113 : i32
      scf.if %cond3A_114 {
        %add3A_145 = arith.constant 1 : i32
        %add3A_146 = arith.addi %add3A_109, %add3A_145 : i32
        %mul3A_147 = arith.constant 16 : i32
        %mul3A_148 = arith.muli %add3A_146, %mul3A_147 : i32
        %dma_start3A_149 = tpu.memref_slice %arg7[%mul3A_148] : memref<256xi32, #tpu.memory_space<vmem>> -> memref<16xi32, #tpu.memory_space<vmem>>
        %dma_start3A_150 = arith.constant 0 : i32
        %dma_start3A_151 = arith.constant 0 : i32
        %dma_start3A_152 = tpu.memref_slice %arg4[%dma_start3A_150, %dma_start3A_151] : memref<100000x1024xf32, #tpu.memory_space<hbm>> -> memref<100000x1024xf32, #tpu.memory_space<hbm>>
        tpu.enqueue_indirect_dma source(%dma_start3A_152 : memref<100000x1024xf32, #tpu.memory_space<hbm>>) target(%arg9 : memref<16x1024xf32, #tpu.memory_space<vmem>>) offsets(%dma_start3A_149 : memref<16xi32, #tpu.memory_space<vmem>>) semaphore(%arg15 : memref<!tpu.dma_semaphore, #tpu.memory_space<semaphore_mem>>)
        %dma_start3A_153 = tpu.memref_slice %arg8[%mul3A_148] : memref<256xi32, #tpu.memory_space<vmem>> -> memref<16xi32, #tpu.memory_space<vmem>>
        %dma_start3A_154 = arith.constant 0 : i32
        %dma_start3A_155 = arith.constant 0 : i32
        %dma_start3A_156 = tpu.memref_slice %arg5[%dma_start3A_154, %dma_start3A_155] : memref<2048x1024xf32, #tpu.memory_space<hbm>> -> memref<2048x1024xf32, #tpu.memory_space<hbm>>
        tpu.enqueue_indirect_dma source(%dma_start3A_156 : memref<2048x1024xf32, #tpu.memory_space<hbm>>) target(%arg11 : memref<16x1024xf32, #tpu.memory_space<vmem>>) offsets(%dma_start3A_153 : memref<16xi32, #tpu.memory_space<vmem>>) semaphore(%arg17 : memref<!tpu.dma_semaphore, #tpu.memory_space<semaphore_mem>>)
      } else {
      }
      %mul3A_115 = arith.constant 16 : i32
      %mul3A_116 = arith.muli %add3A_109, %mul3A_115 : i32
      %dma_wait3A_117 = tpu.memref_slice %arg7[%mul3A_116] : memref<256xi32, #tpu.memory_space<vmem>> -> memref<16xi32, #tpu.memory_space<vmem>>
      %dma_wait3A_118 = arith.constant 0 : i32
      %dma_wait3A_119 = arith.constant 0 : i32
      %dma_wait3A_120 = tpu.memref_slice %arg4[%dma_wait3A_118, %dma_wait3A_119] : memref<100000x1024xf32, #tpu.memory_space<hbm>> -> memref<100000x1024xf32, #tpu.memory_space<hbm>>
      tpu.wait_indirect_dma semaphore(%arg16 : memref<!tpu.dma_semaphore, #tpu.memory_space<semaphore_mem>>) src(%dma_wait3A_120 : memref<100000x1024xf32, #tpu.memory_space<hbm>>) dst(%arg10 : memref<16x1024xf32, #tpu.memory_space<vmem>>)
      %dma_wait3A_121 = tpu.memref_slice %arg8[%mul3A_116] : memref<256xi32, #tpu.memory_space<vmem>> -> memref<16xi32, #tpu.memory_space<vmem>>
      %dma_wait3A_122 = arith.constant 0 : i32
      %dma_wait3A_123 = arith.constant 0 : i32
      %dma_wait3A_124 = tpu.memref_slice %arg5[%dma_wait3A_122, %dma_wait3A_123] : memref<2048x1024xf32, #tpu.memory_space<hbm>> -> memref<2048x1024xf32, #tpu.memory_space<hbm>>
      tpu.wait_indirect_dma semaphore(%arg18 : memref<!tpu.dma_semaphore, #tpu.memory_space<semaphore_mem>>) src(%dma_wait3A_124 : memref<2048x1024xf32, #tpu.memory_space<hbm>>) dst(%arg12 : memref<16x1024xf32, #tpu.memory_space<vmem>>)
      %gt3A_125 = arith.constant 0 : i32
      %gt3A_126 = arith.cmpi sgt, %scan3A_62, %gt3A_125 : i32
      %convert_element_type3A_127 = arith.extui %gt3A_126 : i1 to i32
      %cond3A_128 = arith.constant 0 : i32
      %cond3A_129 = arith.cmpi ne, %convert_element_type3A_127, %cond3A_128 : i32
      scf.if %cond3A_129 {
        %sub3A_145 = arith.constant 2 : i32
        %sub3A_146 = arith.subi %add3A_109, %sub3A_145 : i32
        %mul3A_147 = arith.constant 16 : i32
        %mul3A_148 = arith.muli %sub3A_146, %mul3A_147 : i32
        %add3A_149 = arith.addi %mul3A_32, %mul3A_148 : i32
        %dma_wait3A_150 = arith.constant 0 : i32
        %dma_wait3A_151 = tpu.memref_slice %arg6[%select_n3A, %add3A_149, %dma_wait3A_150] : memref<4x2048x1024xf32, #tpu.memory_space<hbm>> -> memref<1x16x1024xf32, #tpu.memory_space<hbm>>
        %dma_wait3A_152 = tpu.memref_squeeze %dma_wait3A_151 : memref<1x16x1024xf32, #tpu.memory_space<hbm>> -> memref<16x1024xf32, #tpu.memory_space<hbm>>
        %dma_wait3A_153 = arith.constant 0 : i32
        %dma_wait3A_154 = tpu.memref_slice %arg6[%select_n3A, %add3A_149, %dma_wait3A_153] : memref<4x2048x1024xf32, #tpu.memory_space<hbm>> -> memref<1x16x1024xf32, #tpu.memory_space<hbm>>
        %dma_wait3A_155 = tpu.memref_squeeze %dma_wait3A_154 : memref<1x16x1024xf32, #tpu.memory_space<hbm>> -> memref<16x1024xf32, #tpu.memory_space<hbm>>
        tpu.wait_dma2 semaphore(%arg20 : memref<!tpu.dma_semaphore, #tpu.memory_space<semaphore_mem>>) src(%arg14 : memref<16x1024xf32, #tpu.memory_space<vmem>>) dst(%dma_wait3A_155 : memref<16x1024xf32, #tpu.memory_space<hbm>>)
      } else {
      }
      %scan3A_130 = arith.constant 0 : i32
      %scan3A_131 = arith.constant 0 : i32
      %scan3A_132 = arith.constant 16 : i32
      %scan3A_133 = arith.addi %scan3A_131, %scan3A_132 : i32
      %scan3A_134 = arith.constant 1 : i32
      scf.for %scan3A_145 = %scan3A_131 to %scan3A_133 step %scan3A_134  : i32 {
        %get3A = arith.index_cast %scan3A_145 : i32 to index
        %get3A_146 = arith.constant 0 : index
        %get3A_147 = tpu.vector_load %arg10[%get3A, %get3A_146] {strides = array<i32>} : memref<16x1024xf32, #tpu.memory_space<vmem>>, vector<1x16xf32>,
        %get3A_148 = vector.shape_cast %get3A_147 : vector<1x16xf32> to vector<16xf32>
        %get3A_149 = arith.index_cast %scan3A_145 : i32 to index
        %get3A_150 = arith.constant 0 : index
        %get3A_151 = tpu.vector_load %arg12[%get3A_149, %get3A_150] {strides = array<i32>} : memref<16x1024xf32, #tpu.memory_space<vmem>>, vector<1x16xf32>,
        %get3A_152 = vector.shape_cast %get3A_151 : vector<1x16xf32> to vector<16xf32>
        %add3A_153 = arith.addf %get3A_148, %get3A_152 : vector<16xf32>
        %swap3A = arith.index_cast %scan3A_145 : i32 to index
        %swap3A_154 = arith.constant 0 : index
        %swap3A_155 = tpu.vector_load %arg14[%swap3A, %swap3A_154] {strides = array<i32>} : memref<16x1024xf32, #tpu.memory_space<vmem>>, vector<1x16xf32>,
        %swap3A_156 = vector.shape_cast %swap3A_155 : vector<1x16xf32> to vector<16xf32>
        %swap3A_157 = vector.shape_cast %add3A_153 : vector<16xf32> to vector<1x16xf32>
        tpu.vector_store %arg14[%swap3A, %swap3A_154], %swap3A_157 {strides = array<i32>} : memref<16x1024xf32, #tpu.memory_space<vmem>>, vector<1x16xf32>,
        %get3A_158 = arith.index_cast %scan3A_145 : i32 to index
        %get3A_159 = arith.constant 16 : index
        %get3A_160 = tpu.vector_load %arg10[%get3A_158, %get3A_159] {strides = array<i32>} : memref<16x1024xf32, #tpu.memory_space<vmem>>, vector<1x16xf32>,
        %get3A_161 = vector.shape_cast %get3A_160 : vector<1x16xf32> to vector<16xf32>
        %get3A_162 = arith.index_cast %scan3A_145 : i32 to index
        %get3A_163 = arith.constant 16 : index
        %get3A_164 = tpu.vector_load %arg12[%get3A_162, %get3A_163] {strides = array<i32>} : memref<16x1024xf32, #tpu.memory_space<vmem>>, vector<1x16xf32>,
        %get3A_165 = vector.shape_cast %get3A_164 : vector<1x16xf32> to vector<16xf32>
        %add3A_166 = arith.addf %get3A_161, %get3A_165 : vector<16xf32>
        %swap3A_167 = arith.index_cast %scan3A_145 : i32 to index
        %swap3A_168 = arith.constant 16 : index
        %swap3A_169 = tpu.vector_load %arg14[%swap3A_167, %swap3A_168] {strides = array<i32>} : memref<16x1024xf32, #tpu.memory_space<vmem>>, vector<1x16xf32>,
        %swap3A_170 = vector.shape_cast %swap3A_169 : vector<1x16xf32> to vector<16xf32>
        %swap3A_171 = vector.shape_cast %add3A_166 : vector<16xf32> to vector<1x16xf32>
        tpu.vector_store %arg14[%swap3A_167, %swap3A_168], %swap3A_171 {strides = array<i32>} : memref<16x1024xf32, #tpu.memory_space<vmem>>, vector<1x16xf32>,
        %get3A_172 = arith.index_cast %scan3A_145 : i32 to index
        %get3A_173 = arith.constant 32 : index
        %get3A_174 = tpu.vector_load %arg10[%get3A_172, %get3A_173] {strides = array<i32>} : memref<16x1024xf32, #tpu.memory_space<vmem>>, vector<1x16xf32>,
        %get3A_175 = vector.shape_cast %get3A_174 : vector<1x16xf32> to vector<16xf32>
        %get3A_176 = arith.index_cast %scan3A_145 : i32 to index
        %get3A_177 = arith.constant 32 : index
        %get3A_178 = tpu.vector_load %arg12[%get3A_176, %get3A_177] {strides = array<i32>} : memref<16x1024xf32, #tpu.memory_space<vmem>>, vector<1x16xf32>,
        %get3A_179 = vector.shape_cast %get3A_178 : vector<1x16xf32> to vector<16xf32>
        %add3A_180 = arith.addf %get3A_175, %get3A_179 : vector<16xf32>
        %swap3A_181 = arith.index_cast %scan3A_145 : i32 to index
        %swap3A_182 = arith.constant 32 : index
        %swap3A_183 = tpu.vector_load %arg14[%swap3A_181, %swap3A_182] {strides = array<i32>} : memref<16x1024xf32, #tpu.memory_space<vmem>>, vector<1x16xf32>,
        %swap3A_184 = vector.shape_cast %swap3A_183 : vector<1x16xf32> to vector<16xf32>
        %swap3A_185 = vector.shape_cast %add3A_180 : vector<16xf32> to vector<1x16xf32>
        tpu.vector_store %arg14[%swap3A_181, %swap3A_182], %swap3A_185 {strides = array<i32>} : memref<16x1024xf32, #tpu.memory_space<vmem>>, vector<1x16xf32>,
        %get3A_186 = arith.index_cast %scan3A_145 : i32 to index
        %get3A_187 = arith.constant 48 : index
        %get3A_188 = tpu.vector_load %arg10[%get3A_186, %get3A_187] {strides = array<i32>} : memref<16x1024xf32, #tpu.memory_space<vmem>>, vector<1x16xf32>,
        %get3A_189 = vector.shape_cast %get3A_188 : vector<1x16xf32> to vector<16xf32>
        %get3A_190 = arith.index_cast %scan3A_145 : i32 to index
        %get3A_191 = arith.constant 48 : index
        %get3A_192 = tpu.vector_load %arg12[%get3A_190, %get3A_191] {strides = array<i32>} : memref<16x1024xf32, #tpu.memory_space<vmem>>, vector<1x16xf32>,
        %get3A_193 = vector.shape_cast %get3A_192 : vector<1x16xf32> to vector<16xf32>
        %add3A_194 = arith.addf %get3A_189, %get3A_193 : vector<16xf32>
        %swap3A_195 = arith.index_cast %scan3A_145 : i32 to index
        %swap3A_196 = arith.constant 48 : index
        %swap3A_197 = tpu.vector_load %arg14[%swap3A_195, %swap3A_196] {strides = array<i32>} : memref<16x1024xf32, #tpu.memory_space<vmem>>, vector<1x16xf32>,
        %swap3A_198 = vector.shape_cast %swap3A_197 : vector<1x16xf32> to vector<16xf32>
        %swap3A_199 = vector.shape_cast %add3A_194 : vector<16xf32> to vector<1x16xf32>
        tpu.vector_store %arg14[%swap3A_195, %swap3A_196], %swap3A_199 {strides = array<i32>} : memref<16x1024xf32, #tpu.memory_space<vmem>>, vector<1x16xf32>,
        %get3A_200 = arith.index_cast %scan3A_145 : i32 to index
        %get3A_201 = arith.constant 64 : index
        %get3A_202 = tpu.vector_load %arg10[%get3A_200, %get3A_201] {strides = array<i32>} : memref<16x1024xf32, #tpu.memory_space<vmem>>, vector<1x16xf32>,
        %get3A_203 = vector.shape_cast %get3A_202 : vector<1x16xf32> to vector<16xf32>
        %get3A_204 = arith.index_cast %scan3A_145 : i32 to index
        %get3A_205 = arith.constant 64 : index
        %get3A_206 = tpu.vector_load %arg12[%get3A_204, %get3A_205] {strides = array<i32>} : memref<16x1024xf32, #tpu.memory_space<vmem>>, vector<1x16xf32>,
        %get3A_207 = vector.shape_cast %get3A_206 : vector<1x16xf32> to vector<16xf32>
        %add3A_208 = arith.addf %get3A_203, %get3A_207 : vector<16xf32>
        %swap3A_209 = arith.index_cast %scan3A_145 : i32 to index
        %swap3A_210 = arith.constant 64 : index
        %swap3A_211 = tpu.vector_load %arg14[%swap3A_209, %swap3A_210] {strides = array<i32>} : memref<16x1024xf32, #tpu.memory_space<vmem>>, vector<1x16xf32>,
        %swap3A_212 = vector.shape_cast %swap3A_211 : vector<1x16xf32> to vector<16xf32>
        %swap3A_213 = vector.shape_cast %add3A_208 : vector<16xf32> to vector<1x16xf32>
        tpu.vector_store %arg14[%swap3A_209, %swap3A_210], %swap3A_213 {strides = array<i32>} : memref<16x1024xf32, #tpu.memory_space<vmem>>, vector<1x16xf32>,
        %get3A_214 = arith.index_cast %scan3A_145 : i32 to index
        %get3A_215 = arith.constant 80 : index
        %get3A_216 = tpu.vector_load %arg10[%get3A_214, %get3A_215] {strides = array<i32>} : memref<16x1024xf32, #tpu.memory_space<vmem>>, vector<1x16xf32>,
        %get3A_217 = vector.shape_cast %get3A_216 : vector<1x16xf32> to vector<16xf32>
        %get3A_218 = arith.index_cast %scan3A_145 : i32 to index
        %get3A_219 = arith.constant 80 : index
        %get3A_220 = tpu.vector_load %arg12[%get3A_218, %get3A_219] {strides = array<i32>} : memref<16x1024xf32, #tpu.memory_space<vmem>>, vector<1x16xf32>,
        %get3A_221 = vector.shape_cast %get3A_220 : vector<1x16xf32> to vector<16xf32>
        %add3A_222 = arith.addf %get3A_217, %get3A_221 : vector<16xf32>
        %swap3A_223 = arith.index_cast %scan3A_145 : i32 to index
        %swap3A_224 = arith.constant 80 : index
        %swap3A_225 = tpu.vector_load %arg14[%swap3A_223, %swap3A_224] {strides = array<i32>} : memref<16x1024xf32, #tpu.memory_space<vmem>>, vector<1x16xf32>,
        %swap3A_226 = vector.shape_cast %swap3A_225 : vector<1x16xf32> to vector<16xf32>
        %swap3A_227 = vector.shape_cast %add3A_222 : vector<16xf32> to vector<1x16xf32>
        tpu.vector_store %arg14[%swap3A_223, %swap3A_224], %swap3A_227 {strides = array<i32>} : memref<16x1024xf32, #tpu.memory_space<vmem>>, vector<1x16xf32>,
        %get3A_228 = arith.index_cast %scan3A_145 : i32 to index
        %get3A_229 = arith.constant 96 : index
        %get3A_230 = tpu.vector_load %arg10[%get3A_228, %get3A_229] {strides = array<i32>} : memref<16x1024xf32, #tpu.memory_space<vmem>>, vector<1x16xf32>,
        %get3A_231 = vector.shape_cast %get3A_230 : vector<1x16xf32> to vector<16xf32>
        %get3A_232 = arith.index_cast %scan3A_145 : i32 to index
        %get3A_233 = arith.constant 96 : index
        %get3A_234 = tpu.vector_load %arg12[%get3A_232, %get3A_233] {strides = array<i32>} : memref<16x1024xf32, #tpu.memory_space<vmem>>, vector<1x16xf32>,
        %get3A_235 = vector.shape_cast %get3A_234 : vector<1x16xf32> to vector<16xf32>
        %add3A_236 = arith.addf %get3A_231, %get3A_235 : vector<16xf32>
        %swap3A_237 = arith.index_cast %scan3A_145 : i32 to index
        %swap3A_238 = arith.constant 96 : index
        %swap3A_239 = tpu.vector_load %arg14[%swap3A_237, %swap3A_238] {strides = array<i32>} : memref<16x1024xf32, #tpu.memory_space<vmem>>, vector<1x16xf32>,
        %swap3A_240 = vector.shape_cast %swap3A_239 : vector<1x16xf32> to vector<16xf32>
        %swap3A_241 = vector.shape_cast %add3A_236 : vector<16xf32> to vector<1x16xf32>
        tpu.vector_store %arg14[%swap3A_237, %swap3A_238], %swap3A_241 {strides = array<i32>} : memref<16x1024xf32, #tpu.memory_space<vmem>>, vector<1x16xf32>,
        %get3A_242 = arith.index_cast %scan3A_145 : i32 to index
        %get3A_243 = arith.constant 112 : index
        %get3A_244 = tpu.vector_load %arg10[%get3A_242, %get3A_243] {strides = array<i32>} : memref<16x1024xf32, #tpu.memory_space<vmem>>, vector<1x16xf32>,
        %get3A_245 = vector.shape_cast %get3A_244 : vector<1x16xf32> to vector<16xf32>
        %get3A_246 = arith.index_cast %scan3A_145 : i32 to index
        %get3A_247 = arith.constant 112 : index
        %get3A_248 = tpu.vector_load %arg12[%get3A_246, %get3A_247] {strides = array<i32>} : memref<16x1024xf32, #tpu.memory_space<vmem>>, vector<1x16xf32>,
        %get3A_249 = vector.shape_cast %get3A_248 : vector<1x16xf32> to vector<16xf32>
        %add3A_250 = arith.addf %get3A_245, %get3A_249 : vector<16xf32>
        %swap3A_251 = arith.index_cast %scan3A_145 : i32 to index
        %swap3A_252 = arith.constant 112 : index
        %swap3A_253 = tpu.vector_load %arg14[%swap3A_251, %swap3A_252] {strides = array<i32>} : memref<16x1024xf32, #tpu.memory_space<vmem>>, vector<1x16xf32>,
        %swap3A_254 = vector.shape_cast %swap3A_253 : vector<1x16xf32> to vector<16xf32>
        %swap3A_255 = vector.shape_cast %add3A_250 : vector<16xf32> to vector<1x16xf32>
        tpu.vector_store %arg14[%swap3A_251, %swap3A_252], %swap3A_255 {strides = array<i32>} : memref<16x1024xf32, #tpu.memory_space<vmem>>, vector<1x16xf32>,
        %get3A_256 = arith.index_cast %scan3A_145 : i32 to index
        %get3A_257 = arith.constant 128 : index
        %get3A_258 = tpu.vector_load %arg10[%get3A_256, %get3A_257] {strides = array<i32>} : memref<16x1024xf32, #tpu.memory_space<vmem>>, vector<1x16xf32>,
        %get3A_259 = vector.shape_cast %get3A_258 : vector<1x16xf32> to vector<16xf32>
        %get3A_260 = arith.index_cast %scan3A_145 : i32 to index
        %get3A_261 = arith.constant 128 : index
        %get3A_262 = tpu.vector_load %arg12[%get3A_260, %get3A_261] {strides = array<i32>} : memref<16x1024xf32, #tpu.memory_space<vmem>>, vector<1x16xf32>,
        %get3A_263 = vector.shape_cast %get3A_262 : vector<1x16xf32> to vector<16xf32>
        %add3A_264 = arith.addf %get3A_259, %get3A_263 : vector<16xf32>
        %swap3A_265 = arith.index_cast %scan3A_145 : i32 to index
        %swap3A_266 = arith.constant 128 : index
        %swap3A_267 = tpu.vector_load %arg14[%swap3A_265, %swap3A_266] {strides = array<i32>} : memref<16x1024xf32, #tpu.memory_space<vmem>>, vector<1x16xf32>,
        %swap3A_268 = vector.shape_cast %swap3A_267 : vector<1x16xf32> to vector<16xf32>
        %swap3A_269 = vector.shape_cast %add3A_264 : vector<16xf32> to vector<1x16xf32>
        tpu.vector_store %arg14[%swap3A_265, %swap3A_266], %swap3A_269 {strides = array<i32>} : memref<16x1024xf32, #tpu.memory_space<vmem>>, vector<1x16xf32>,
        %get3A_270 = arith.index_cast %scan3A_145 : i32 to index
        %get3A_271 = arith.constant 144 : index
        %get3A_272 = tpu.vector_load %arg10[%get3A_270, %get3A_271] {strides = array<i32>} : memref<16x1024xf32, #tpu.memory_space<vmem>>, vector<1x16xf32>,
        %get3A_273 = vector.shape_cast %get3A_272 : vector<1x16xf32> to vector<16xf32>
        %get3A_274 = arith.index_cast %scan3A_145 : i32 to index
        %get3A_275 = arith.constant 144 : index
        %get3A_276 = tpu.vector_load %arg12[%get3A_274, %get3A_275] {strides = array<i32>} : memref<16x1024xf32, #tpu.memory_space<vmem>>, vector<1x16xf32>,
        %get3A_277 = vector.shape_cast %get3A_276 : vector<1x16xf32> to vector<16xf32>
        %add3A_278 = arith.addf %get3A_273, %get3A_277 : vector<16xf32>
        %swap3A_279 = arith.index_cast %scan3A_145 : i32 to index
        %swap3A_280 = arith.constant 144 : index
        %swap3A_281 = tpu.vector_load %arg14[%swap3A_279, %swap3A_280] {strides = array<i32>} : memref<16x1024xf32, #tpu.memory_space<vmem>>, vector<1x16xf32>,
        %swap3A_282 = vector.shape_cast %swap3A_281 : vector<1x16xf32> to vector<16xf32>
        %swap3A_283 = vector.shape_cast %add3A_278 : vector<16xf32> to vector<1x16xf32>
        tpu.vector_store %arg14[%swap3A_279, %swap3A_280], %swap3A_283 {strides = array<i32>} : memref<16x1024xf32, #tpu.memory_space<vmem>>, vector<1x16xf32>,
        %get3A_284 = arith.index_cast %scan3A_145 : i32 to index
        %get3A_285 = arith.constant 160 : index
        %get3A_286 = tpu.vector_load %arg10[%get3A_284, %get3A_285] {strides = array<i32>} : memref<16x1024xf32, #tpu.memory_space<vmem>>, vector<1x16xf32>,
        %get3A_287 = vector.shape_cast %get3A_286 : vector<1x16xf32> to vector<16xf32>
        %get3A_288 = arith.index_cast %scan3A_145 : i32 to index
        %get3A_289 = arith.constant 160 : index
        %get3A_290 = tpu.vector_load %arg12[%get3A_288, %get3A_289] {strides = array<i32>} : memref<16x1024xf32, #tpu.memory_space<vmem>>, vector<1x16xf32>,
        %get3A_291 = vector.shape_cast %get3A_290 : vector<1x16xf32> to vector<16xf32>
        %add3A_292 = arith.addf %get3A_287, %get3A_291 : vector<16xf32>
        %swap3A_293 = arith.index_cast %scan3A_145 : i32 to index
        %swap3A_294 = arith.constant 160 : index
        %swap3A_295 = tpu.vector_load %arg14[%swap3A_293, %swap3A_294] {strides = array<i32>} : memref<16x1024xf32, #tpu.memory_space<vmem>>, vector<1x16xf32>,
        %swap3A_296 = vector.shape_cast %swap3A_295 : vector<1x16xf32> to vector<16xf32>
        %swap3A_297 = vector.shape_cast %add3A_292 : vector<16xf32> to vector<1x16xf32>
        tpu.vector_store %arg14[%swap3A_293, %swap3A_294], %swap3A_297 {strides = array<i32>} : memref<16x1024xf32, #tpu.memory_space<vmem>>, vector<1x16xf32>,
        %get3A_298 = arith.index_cast %scan3A_145 : i32 to index
        %get3A_299 = arith.constant 176 : index
        %get3A_300 = tpu.vector_load %arg10[%get3A_298, %get3A_299] {strides = array<i32>} : memref<16x1024xf32, #tpu.memory_space<vmem>>, vector<1x16xf32>,
        %get3A_301 = vector.shape_cast %get3A_300 : vector<1x16xf32> to vector<16xf32>
        %get3A_302 = arith.index_cast %scan3A_145 : i32 to index
        %get3A_303 = arith.constant 176 : index
        %get3A_304 = tpu.vector_load %arg12[%get3A_302, %get3A_303] {strides = array<i32>} : memref<16x1024xf32, #tpu.memory_space<vmem>>, vector<1x16xf32>,
        %get3A_305 = vector.shape_cast %get3A_304 : vector<1x16xf32> to vector<16xf32>
        %add3A_306 = arith.addf %get3A_301, %get3A_305 : vector<16xf32>
        %swap3A_307 = arith.index_cast %scan3A_145 : i32 to index
        %swap3A_308 = arith.constant 176 : index
        %swap3A_309 = tpu.vector_load %arg14[%swap3A_307, %swap3A_308] {strides = array<i32>} : memref<16x1024xf32, #tpu.memory_space<vmem>>, vector<1x16xf32>,
        %swap3A_310 = vector.shape_cast %swap3A_309 : vector<1x16xf32> to vector<16xf32>
        %swap3A_311 = vector.shape_cast %add3A_306 : vector<16xf32> to vector<1x16xf32>
        tpu.vector_store %arg14[%swap3A_307, %swap3A_308], %swap3A_311 {strides = array<i32>} : memref<16x1024xf32, #tpu.memory_space<vmem>>, vector<1x16xf32>,
        %get3A_312 = arith.index_cast %scan3A_145 : i32 to index
        %get3A_313 = arith.constant 192 : index
        %get3A_314 = tpu.vector_load %arg10[%get3A_312, %get3A_313] {strides = array<i32>} : memref<16x1024xf32, #tpu.memory_space<vmem>>, vector<1x16xf32>,
        %get3A_315 = vector.shape_cast %get3A_314 : vector<1x16xf32> to vector<16xf32>
        %get3A_316 = arith.index_cast %scan3A_145 : i32 to index
        %get3A_317 = arith.constant 192 : index
        %get3A_318 = tpu.vector_load %arg12[%get3A_316, %get3A_317] {strides = array<i32>} : memref<16x1024xf32, #tpu.memory_space<vmem>>, vector<1x16xf32>,
        %get3A_319 = vector.shape_cast %get3A_318 : vector<1x16xf32> to vector<16xf32>
        %add3A_320 = arith.addf %get3A_315, %get3A_319 : vector<16xf32>
        %swap3A_321 = arith.index_cast %scan3A_145 : i32 to index
        %swap3A_322 = arith.constant 192 : index
        %swap3A_323 = tpu.vector_load %arg14[%swap3A_321, %swap3A_322] {strides = array<i32>} : memref<16x1024xf32, #tpu.memory_space<vmem>>, vector<1x16xf32>,
        %swap3A_324 = vector.shape_cast %swap3A_323 : vector<1x16xf32> to vector<16xf32>
        %swap3A_325 = vector.shape_cast %add3A_320 : vector<16xf32> to vector<1x16xf32>
        tpu.vector_store %arg14[%swap3A_321, %swap3A_322], %swap3A_325 {strides = array<i32>} : memref<16x1024xf32, #tpu.memory_space<vmem>>, vector<1x16xf32>,
        %get3A_326 = arith.index_cast %scan3A_145 : i32 to index
        %get3A_327 = arith.constant 208 : index
        %get3A_328 = tpu.vector_load %arg10[%get3A_326, %get3A_327] {strides = array<i32>} : memref<16x1024xf32, #tpu.memory_space<vmem>>, vector<1x16xf32>,
        %get3A_329 = vector.shape_cast %get3A_328 : vector<1x16xf32> to vector<16xf32>
        %get3A_330 = arith.index_cast %scan3A_145 : i32 to index
        %get3A_331 = arith.constant 208 : index
        %get3A_332 = tpu.vector_load %arg12[%get3A_330, %get3A_331] {strides = array<i32>} : memref<16x1024xf32, #tpu.memory_space<vmem>>, vector<1x16xf32>,
        %get3A_333 = vector.shape_cast %get3A_332 : vector<1x16xf32> to vector<16xf32>
        %add3A_334 = arith.addf %get3A_329, %get3A_333 : vector<16xf32>
        %swap3A_335 = arith.index_cast %scan3A_145 : i32 to index
        %swap3A_336 = arith.constant 208 : index
        %swap3A_337 = tpu.vector_load %arg14[%swap3A_335, %swap3A_336] {strides = array<i32>} : memref<16x1024xf32, #tpu.memory_space<vmem>>, vector<1x16xf32>,
        %swap3A_338 = vector.shape_cast %swap3A_337 : vector<1x16xf32> to vector<16xf32>
        %swap3A_339 = vector.shape_cast %add3A_334 : vector<16xf32> to vector<1x16xf32>
        tpu.vector_store %arg14[%swap3A_335, %swap3A_336], %swap3A_339 {strides = array<i32>} : memref<16x1024xf32, #tpu.memory_space<vmem>>, vector<1x16xf32>,
        %get3A_340 = arith.index_cast %scan3A_145 : i32 to index
        %get3A_341 = arith.constant 224 : index
        %get3A_342 = tpu.vector_load %arg10[%get3A_340, %get3A_341] {strides = array<i32>} : memref<16x1024xf32, #tpu.memory_space<vmem>>, vector<1x16xf32>,
        %get3A_343 = vector.shape_cast %get3A_342 : vector<1x16xf32> to vector<16xf32>
        %get3A_344 = arith.index_cast %scan3A_145 : i32 to index
        %get3A_345 = arith.constant 224 : index
        %get3A_346 = tpu.vector_load %arg12[%get3A_344, %get3A_345] {strides = array<i32>} : memref<16x1024xf32, #tpu.memory_space<vmem>>, vector<1x16xf32>,
        %get3A_347 = vector.shape_cast %get3A_346 : vector<1x16xf32> to vector<16xf32>
        %add3A_348 = arith.addf %get3A_343, %get3A_347 : vector<16xf32>
        %swap3A_349 = arith.index_cast %scan3A_145 : i32 to index
        %swap3A_350 = arith.constant 224 : index
        %swap3A_351 = tpu.vector_load %arg14[%swap3A_349, %swap3A_350] {strides = array<i32>} : memref<16x1024xf32, #tpu.memory_space<vmem>>, vector<1x16xf32>,
        %swap3A_352 = vector.shape_cast %swap3A_351 : vector<1x16xf32> to vector<16xf32>
        %swap3A_353 = vector.shape_cast %add3A_348 : vector<16xf32> to vector<1x16xf32>
        tpu.vector_store %arg14[%swap3A_349, %swap3A_350], %swap3A_353 {strides = array<i32>} : memref<16x1024xf32, #tpu.memory_space<vmem>>, vector<1x16xf32>,
        %get3A_354 = arith.index_cast %scan3A_145 : i32 to index
        %get3A_355 = arith.constant 240 : index
        %get3A_356 = tpu.vector_load %arg10[%get3A_354, %get3A_355] {strides = array<i32>} : memref<16x1024xf32, #tpu.memory_space<vmem>>, vector<1x16xf32>,
        %get3A_357 = vector.shape_cast %get3A_356 : vector<1x16xf32> to vector<16xf32>
        %get3A_358 = arith.index_cast %scan3A_145 : i32 to index
        %get3A_359 = arith.constant 240 : index
        %get3A_360 = tpu.vector_load %arg12[%get3A_358, %get3A_359] {strides = array<i32>} : memref<16x1024xf32, #tpu.memory_space<vmem>>, vector<1x16xf32>,
        %get3A_361 = vector.shape_cast %get3A_360 : vector<1x16xf32> to vector<16xf32>
        %add3A_362 = arith.addf %get3A_357, %get3A_361 : vector<16xf32>
        %swap3A_363 = arith.index_cast %scan3A_145 : i32 to index
        %swap3A_364 = arith.constant 240 : index
        %swap3A_365 = tpu.vector_load %arg14[%swap3A_363, %swap3A_364] {strides = array<i32>} : memref<16x1024xf32, #tpu.memory_space<vmem>>, vector<1x16xf32>,
        %swap3A_366 = vector.shape_cast %swap3A_365 : vector<1x16xf32> to vector<16xf32>
        %swap3A_367 = vector.shape_cast %add3A_362 : vector<16xf32> to vector<1x16xf32>
        tpu.vector_store %arg14[%swap3A_363, %swap3A_364], %swap3A_367 {strides = array<i32>} : memref<16x1024xf32, #tpu.memory_space<vmem>>, vector<1x16xf32>,
        %get3A_368 = arith.index_cast %scan3A_145 : i32 to index
        %get3A_369 = arith.constant 256 : index
        %get3A_370 = tpu.vector_load %arg10[%get3A_368, %get3A_369] {strides = array<i32>} : memref<16x1024xf32, #tpu.memory_space<vmem>>, vector<1x16xf32>,
        %get3A_371 = vector.shape_cast %get3A_370 : vector<1x16xf32> to vector<16xf32>
        %get3A_372 = arith.index_cast %scan3A_145 : i32 to index
        %get3A_373 = arith.constant 256 : index
        %get3A_374 = tpu.vector_load %arg12[%get3A_372, %get3A_373] {strides = array<i32>} : memref<16x1024xf32, #tpu.memory_space<vmem>>, vector<1x16xf32>,
        %get3A_375 = vector.shape_cast %get3A_374 : vector<1x16xf32> to vector<16xf32>
        %add3A_376 = arith.addf %get3A_371, %get3A_375 : vector<16xf32>
        %swap3A_377 = arith.index_cast %scan3A_145 : i32 to index
        %swap3A_378 = arith.constant 256 : index
        %swap3A_379 = tpu.vector_load %arg14[%swap3A_377, %swap3A_378] {strides = array<i32>} : memref<16x1024xf32, #tpu.memory_space<vmem>>, vector<1x16xf32>,
        %swap3A_380 = vector.shape_cast %swap3A_379 : vector<1x16xf32> to vector<16xf32>
        %swap3A_381 = vector.shape_cast %add3A_376 : vector<16xf32> to vector<1x16xf32>
        tpu.vector_store %arg14[%swap3A_377, %swap3A_378], %swap3A_381 {strides = array<i32>} : memref<16x1024xf32, #tpu.memory_space<vmem>>, vector<1x16xf32>,
        %get3A_382 = arith.index_cast %scan3A_145 : i32 to index
        %get3A_383 = arith.constant 272 : index
        %get3A_384 = tpu.vector_load %arg10[%get3A_382, %get3A_383] {strides = array<i32>} : memref<16x1024xf32, #tpu.memory_space<vmem>>, vector<1x16xf32>,
        %get3A_385 = vector.shape_cast %get3A_384 : vector<1x16xf32> to vector<16xf32>
        %get3A_386 = arith.index_cast %scan3A_145 : i32 to index
        %get3A_387 = arith.constant 272 : index
        %get3A_388 = tpu.vector_load %arg12[%get3A_386, %get3A_387] {strides = array<i32>} : memref<16x1024xf32, #tpu.memory_space<vmem>>, vector<1x16xf32>,
        %get3A_389 = vector.shape_cast %get3A_388 : vector<1x16xf32> to vector<16xf32>
        %add3A_390 = arith.addf %get3A_385, %get3A_389 : vector<16xf32>
        %swap3A_391 = arith.index_cast %scan3A_145 : i32 to index
        %swap3A_392 = arith.constant 272 : index
        %swap3A_393 = tpu.vector_load %arg14[%swap3A_391, %swap3A_392] {strides = array<i32>} : memref<16x1024xf32, #tpu.memory_space<vmem>>, vector<1x16xf32>,
        %swap3A_394 = vector.shape_cast %swap3A_393 : vector<1x16xf32> to vector<16xf32>
        %swap3A_395 = vector.shape_cast %add3A_390 : vector<16xf32> to vector<1x16xf32>
        tpu.vector_store %arg14[%swap3A_391, %swap3A_392], %swap3A_395 {strides = array<i32>} : memref<16x1024xf32, #tpu.memory_space<vmem>>, vector<1x16xf32>,
        %get3A_396 = arith.index_cast %scan3A_145 : i32 to index
        %get3A_397 = arith.constant 288 : index
        %get3A_398 = tpu.vector_load %arg10[%get3A_396, %get3A_397] {strides = array<i32>} : memref<16x1024xf32, #tpu.memory_space<vmem>>, vector<1x16xf32>,
        %get3A_399 = vector.shape_cast %get3A_398 : vector<1x16xf32> to vector<16xf32>
        %get3A_400 = arith.index_cast %scan3A_145 : i32 to index
        %get3A_401 = arith.constant 288 : index
        %get3A_402 = tpu.vector_load %arg12[%get3A_400, %get3A_401] {strides = array<i32>} : memref<16x1024xf32, #tpu.memory_space<vmem>>, vector<1x16xf32>,
        %get3A_403 = vector.shape_cast %get3A_402 : vector<1x16xf32> to vector<16xf32>
        %add3A_404 = arith.addf %get3A_399, %get3A_403 : vector<16xf32>
        %swap3A_405 = arith.index_cast %scan3A_145 : i32 to index
        %swap3A_406 = arith.constant 288 : index
        %swap3A_407 = tpu.vector_load %arg14[%swap3A_405, %swap3A_406] {strides = array<i32>} : memref<16x1024xf32, #tpu.memory_space<vmem>>, vector<1x16xf32>,
        %swap3A_408 = vector.shape_cast %swap3A_407 : vector<1x16xf32> to vector<16xf32>
        %swap3A_409 = vector.shape_cast %add3A_404 : vector<16xf32> to vector<1x16xf32>
        tpu.vector_store %arg14[%swap3A_405, %swap3A_406], %swap3A_409 {strides = array<i32>} : memref<16x1024xf32, #tpu.memory_space<vmem>>, vector<1x16xf32>,
        %get3A_410 = arith.index_cast %scan3A_145 : i32 to index
        %get3A_411 = arith.constant 304 : index
        %get3A_412 = tpu.vector_load %arg10[%get3A_410, %get3A_411] {strides = array<i32>} : memref<16x1024xf32, #tpu.memory_space<vmem>>, vector<1x16xf32>,
        %get3A_413 = vector.shape_cast %get3A_412 : vector<1x16xf32> to vector<16xf32>
        %get3A_414 = arith.index_cast %scan3A_145 : i32 to index
        %get3A_415 = arith.constant 304 : index
        %get3A_416 = tpu.vector_load %arg12[%get3A_414, %get3A_415] {strides = array<i32>} : memref<16x1024xf32, #tpu.memory_space<vmem>>, vector<1x16xf32>,
        %get3A_417 = vector.shape_cast %get3A_416 : vector<1x16xf32> to vector<16xf32>
        %add3A_418 = arith.addf %get3A_413, %get3A_417 : vector<16xf32>
        %swap3A_419 = arith.index_cast %scan3A_145 : i32 to index
        %swap3A_420 = arith.constant 304 : index
        %swap3A_421 = tpu.vector_load %arg14[%swap3A_419, %swap3A_420] {strides = array<i32>} : memref<16x1024xf32, #tpu.memory_space<vmem>>, vector<1x16xf32>,
        %swap3A_422 = vector.shape_cast %swap3A_421 : vector<1x16xf32> to vector<16xf32>
        %swap3A_423 = vector.shape_cast %add3A_418 : vector<16xf32> to vector<1x16xf32>
        tpu.vector_store %arg14[%swap3A_419, %swap3A_420], %swap3A_423 {strides = array<i32>} : memref<16x1024xf32, #tpu.memory_space<vmem>>, vector<1x16xf32>,
        %get3A_424 = arith.index_cast %scan3A_145 : i32 to index
        %get3A_425 = arith.constant 320 : index
        %get3A_426 = tpu.vector_load %arg10[%get3A_424, %get3A_425] {strides = array<i32>} : memref<16x1024xf32, #tpu.memory_space<vmem>>, vector<1x16xf32>,
        %get3A_427 = vector.shape_cast %get3A_426 : vector<1x16xf32> to vector<16xf32>
        %get3A_428 = arith.index_cast %scan3A_145 : i32 to index
        %get3A_429 = arith.constant 320 : index
        %get3A_430 = tpu.vector_load %arg12[%get3A_428, %get3A_429] {strides = array<i32>} : memref<16x1024xf32, #tpu.memory_space<vmem>>, vector<1x16xf32>,
        %get3A_431 = vector.shape_cast %get3A_430 : vector<1x16xf32> to vector<16xf32>
        %add3A_432 = arith.addf %get3A_427, %get3A_431 : vector<16xf32>
        %swap3A_433 = arith.index_cast %scan3A_145 : i32 to index
        %swap3A_434 = arith.constant 320 : index
        %swap3A_435 = tpu.vector_load %arg14[%swap3A_433, %swap3A_434] {strides = array<i32>} : memref<16x1024xf32, #tpu.memory_space<vmem>>, vector<1x16xf32>,
        %swap3A_436 = vector.shape_cast %swap3A_435 : vector<1x16xf32> to vector<16xf32>
        %swap3A_437 = vector.shape_cast %add3A_432 : vector<16xf32> to vector<1x16xf32>
        tpu.vector_store %arg14[%swap3A_433, %swap3A_434], %swap3A_437 {strides = array<i32>} : memref<16x1024xf32, #tpu.memory_space<vmem>>, vector<1x16xf32>,
        %get3A_438 = arith.index_cast %scan3A_145 : i32 to index
        %get3A_439 = arith.constant 336 : index
        %get3A_440 = tpu.vector_load %arg10[%get3A_438, %get3A_439] {strides = array<i32>} : memref<16x1024xf32, #tpu.memory_space<vmem>>, vector<1x16xf32>,
        %get3A_441 = vector.shape_cast %get3A_440 : vector<1x16xf32> to vector<16xf32>
        %get3A_442 = arith.index_cast %scan3A_145 : i32 to index
        %get3A_443 = arith.constant 336 : index
        %get3A_444 = tpu.vector_load %arg12[%get3A_442, %get3A_443] {strides = array<i32>} : memref<16x1024xf32, #tpu.memory_space<vmem>>, vector<1x16xf32>,
        %get3A_445 = vector.shape_cast %get3A_444 : vector<1x16xf32> to vector<16xf32>
        %add3A_446 = arith.addf %get3A_441, %get3A_445 : vector<16xf32>
        %swap3A_447 = arith.index_cast %scan3A_145 : i32 to index
        %swap3A_448 = arith.constant 336 : index
        %swap3A_449 = tpu.vector_load %arg14[%swap3A_447, %swap3A_448] {strides = array<i32>} : memref<16x1024xf32, #tpu.memory_space<vmem>>, vector<1x16xf32>,
        %swap3A_450 = vector.shape_cast %swap3A_449 : vector<1x16xf32> to vector<16xf32>
        %swap3A_451 = vector.shape_cast %add3A_446 : vector<16xf32> to vector<1x16xf32>
        tpu.vector_store %arg14[%swap3A_447, %swap3A_448], %swap3A_451 {strides = array<i32>} : memref<16x1024xf32, #tpu.memory_space<vmem>>, vector<1x16xf32>,
        %get3A_452 = arith.index_cast %scan3A_145 : i32 to index
        %get3A_453 = arith.constant 352 : index
        %get3A_454 = tpu.vector_load %arg10[%get3A_452, %get3A_453] {strides = array<i32>} : memref<16x1024xf32, #tpu.memory_space<vmem>>, vector<1x16xf32>,
        %get3A_455 = vector.shape_cast %get3A_454 : vector<1x16xf32> to vector<16xf32>
        %get3A_456 = arith.index_cast %scan3A_145 : i32 to index
        %get3A_457 = arith.constant 352 : index
        %get3A_458 = tpu.vector_load %arg12[%get3A_456, %get3A_457] {strides = array<i32>} : memref<16x1024xf32, #tpu.memory_space<vmem>>, vector<1x16xf32>,
        %get3A_459 = vector.shape_cast %get3A_458 : vector<1x16xf32> to vector<16xf32>
        %add3A_460 = arith.addf %get3A_455, %get3A_459 : vector<16xf32>
        %swap3A_461 = arith.index_cast %scan3A_145 : i32 to index
        %swap3A_462 = arith.constant 352 : index
        %swap3A_463 = tpu.vector_load %arg14[%swap3A_461, %swap3A_462] {strides = array<i32>} : memref<16x1024xf32, #tpu.memory_space<vmem>>, vector<1x16xf32>,
        %swap3A_464 = vector.shape_cast %swap3A_463 : vector<1x16xf32> to vector<16xf32>
        %swap3A_465 = vector.shape_cast %add3A_460 : vector<16xf32> to vector<1x16xf32>
        tpu.vector_store %arg14[%swap3A_461, %swap3A_462], %swap3A_465 {strides = array<i32>} : memref<16x1024xf32, #tpu.memory_space<vmem>>, vector<1x16xf32>,
        %get3A_466 = arith.index_cast %scan3A_145 : i32 to index
        %get3A_467 = arith.constant 368 : index
        %get3A_468 = tpu.vector_load %arg10[%get3A_466, %get3A_467] {strides = array<i32>} : memref<16x1024xf32, #tpu.memory_space<vmem>>, vector<1x16xf32>,
        %get3A_469 = vector.shape_cast %get3A_468 : vector<1x16xf32> to vector<16xf32>
        %get3A_470 = arith.index_cast %scan3A_145 : i32 to index
        %get3A_471 = arith.constant 368 : index
        %get3A_472 = tpu.vector_load %arg12[%get3A_470, %get3A_471] {strides = array<i32>} : memref<16x1024xf32, #tpu.memory_space<vmem>>, vector<1x16xf32>,
        %get3A_473 = vector.shape_cast %get3A_472 : vector<1x16xf32> to vector<16xf32>
        %add3A_474 = arith.addf %get3A_469, %get3A_473 : vector<16xf32>
        %swap3A_475 = arith.index_cast %scan3A_145 : i32 to index
        %swap3A_476 = arith.constant 368 : index
        %swap3A_477 = tpu.vector_load %arg14[%swap3A_475, %swap3A_476] {strides = array<i32>} : memref<16x1024xf32, #tpu.memory_space<vmem>>, vector<1x16xf32>,
        %swap3A_478 = vector.shape_cast %swap3A_477 : vector<1x16xf32> to vector<16xf32>
        %swap3A_479 = vector.shape_cast %add3A_474 : vector<16xf32> to vector<1x16xf32>
        tpu.vector_store %arg14[%swap3A_475, %swap3A_476], %swap3A_479 {strides = array<i32>} : memref<16x1024xf32, #tpu.memory_space<vmem>>, vector<1x16xf32>,
        %get3A_480 = arith.index_cast %scan3A_145 : i32 to index
        %get3A_481 = arith.constant 384 : index
        %get3A_482 = tpu.vector_load %arg10[%get3A_480, %get3A_481] {strides = array<i32>} : memref<16x1024xf32, #tpu.memory_space<vmem>>, vector<1x16xf32>,
        %get3A_483 = vector.shape_cast %get3A_482 : vector<1x16xf32> to vector<16xf32>
        %get3A_484 = arith.index_cast %scan3A_145 : i32 to index
        %get3A_485 = arith.constant 384 : index
        %get3A_486 = tpu.vector_load %arg12[%get3A_484, %get3A_485] {strides = array<i32>} : memref<16x1024xf32, #tpu.memory_space<vmem>>, vector<1x16xf32>,
        %get3A_487 = vector.shape_cast %get3A_486 : vector<1x16xf32> to vector<16xf32>
        %add3A_488 = arith.addf %get3A_483, %get3A_487 : vector<16xf32>
        %swap3A_489 = arith.index_cast %scan3A_145 : i32 to index
        %swap3A_490 = arith.constant 384 : index
        %swap3A_491 = tpu.vector_load %arg14[%swap3A_489, %swap3A_490] {strides = array<i32>} : memref<16x1024xf32, #tpu.memory_space<vmem>>, vector<1x16xf32>,
        %swap3A_492 = vector.shape_cast %swap3A_491 : vector<1x16xf32> to vector<16xf32>
        %swap3A_493 = vector.shape_cast %add3A_488 : vector<16xf32> to vector<1x16xf32>
        tpu.vector_store %arg14[%swap3A_489, %swap3A_490], %swap3A_493 {strides = array<i32>} : memref<16x1024xf32, #tpu.memory_space<vmem>>, vector<1x16xf32>,
        %get3A_494 = arith.index_cast %scan3A_145 : i32 to index
        %get3A_495 = arith.constant 400 : index
        %get3A_496 = tpu.vector_load %arg10[%get3A_494, %get3A_495] {strides = array<i32>} : memref<16x1024xf32, #tpu.memory_space<vmem>>, vector<1x16xf32>,
        %get3A_497 = vector.shape_cast %get3A_496 : vector<1x16xf32> to vector<16xf32>
        %get3A_498 = arith.index_cast %scan3A_145 : i32 to index
        %get3A_499 = arith.constant 400 : index
        %get3A_500 = tpu.vector_load %arg12[%get3A_498, %get3A_499] {strides = array<i32>} : memref<16x1024xf32, #tpu.memory_space<vmem>>, vector<1x16xf32>,
        %get3A_501 = vector.shape_cast %get3A_500 : vector<1x16xf32> to vector<16xf32>
        %add3A_502 = arith.addf %get3A_497, %get3A_501 : vector<16xf32>
        %swap3A_503 = arith.index_cast %scan3A_145 : i32 to index
        %swap3A_504 = arith.constant 400 : index
        %swap3A_505 = tpu.vector_load %arg14[%swap3A_503, %swap3A_504] {strides = array<i32>} : memref<16x1024xf32, #tpu.memory_space<vmem>>, vector<1x16xf32>,
        %swap3A_506 = vector.shape_cast %swap3A_505 : vector<1x16xf32> to vector<16xf32>
        %swap3A_507 = vector.shape_cast %add3A_502 : vector<16xf32> to vector<1x16xf32>
        tpu.vector_store %arg14[%swap3A_503, %swap3A_504], %swap3A_507 {strides = array<i32>} : memref<16x1024xf32, #tpu.memory_space<vmem>>, vector<1x16xf32>,
        %get3A_508 = arith.index_cast %scan3A_145 : i32 to index
        %get3A_509 = arith.constant 416 : index
        %get3A_510 = tpu.vector_load %arg10[%get3A_508, %get3A_509] {strides = array<i32>} : memref<16x1024xf32, #tpu.memory_space<vmem>>, vector<1x16xf32>,
        %get3A_511 = vector.shape_cast %get3A_510 : vector<1x16xf32> to vector<16xf32>
        %get3A_512 = arith.index_cast %scan3A_145 : i32 to index
        %get3A_513 = arith.constant 416 : index
        %get3A_514 = tpu.vector_load %arg12[%get3A_512, %get3A_513] {strides = array<i32>} : memref<16x1024xf32, #tpu.memory_space<vmem>>, vector<1x16xf32>,
        %get3A_515 = vector.shape_cast %get3A_514 : vector<1x16xf32> to vector<16xf32>
        %add3A_516 = arith.addf %get3A_511, %get3A_515 : vector<16xf32>
        %swap3A_517 = arith.index_cast %scan3A_145 : i32 to index
        %swap3A_518 = arith.constant 416 : index
        %swap3A_519 = tpu.vector_load %arg14[%swap3A_517, %swap3A_518] {strides = array<i32>} : memref<16x1024xf32, #tpu.memory_space<vmem>>, vector<1x16xf32>,
        %swap3A_520 = vector.shape_cast %swap3A_519 : vector<1x16xf32> to vector<16xf32>
        %swap3A_521 = vector.shape_cast %add3A_516 : vector<16xf32> to vector<1x16xf32>
        tpu.vector_store %arg14[%swap3A_517, %swap3A_518], %swap3A_521 {strides = array<i32>} : memref<16x1024xf32, #tpu.memory_space<vmem>>, vector<1x16xf32>,
        %get3A_522 = arith.index_cast %scan3A_145 : i32 to index
        %get3A_523 = arith.constant 432 : index
        %get3A_524 = tpu.vector_load %arg10[%get3A_522, %get3A_523] {strides = array<i32>} : memref<16x1024xf32, #tpu.memory_space<vmem>>, vector<1x16xf32>,
        %get3A_525 = vector.shape_cast %get3A_524 : vector<1x16xf32> to vector<16xf32>
        %get3A_526 = arith.index_cast %scan3A_145 : i32 to index
        %get3A_527 = arith.constant 432 : index
        %get3A_528 = tpu.vector_load %arg12[%get3A_526, %get3A_527] {strides = array<i32>} : memref<16x1024xf32, #tpu.memory_space<vmem>>, vector<1x16xf32>,
        %get3A_529 = vector.shape_cast %get3A_528 : vector<1x16xf32> to vector<16xf32>
        %add3A_530 = arith.addf %get3A_525, %get3A_529 : vector<16xf32>
        %swap3A_531 = arith.index_cast %scan3A_145 : i32 to index
        %swap3A_532 = arith.constant 432 : index
        %swap3A_533 = tpu.vector_load %arg14[%swap3A_531, %swap3A_532] {strides = array<i32>} : memref<16x1024xf32, #tpu.memory_space<vmem>>, vector<1x16xf32>,
        %swap3A_534 = vector.shape_cast %swap3A_533 : vector<1x16xf32> to vector<16xf32>
        %swap3A_535 = vector.shape_cast %add3A_530 : vector<16xf32> to vector<1x16xf32>
        tpu.vector_store %arg14[%swap3A_531, %swap3A_532], %swap3A_535 {strides = array<i32>} : memref<16x1024xf32, #tpu.memory_space<vmem>>, vector<1x16xf32>,
        %get3A_536 = arith.index_cast %scan3A_145 : i32 to index
        %get3A_537 = arith.constant 448 : index
        %get3A_538 = tpu.vector_load %arg10[%get3A_536, %get3A_537] {strides = array<i32>} : memref<16x1024xf32, #tpu.memory_space<vmem>>, vector<1x16xf32>,
        %get3A_539 = vector.shape_cast %get3A_538 : vector<1x16xf32> to vector<16xf32>
        %get3A_540 = arith.index_cast %scan3A_145 : i32 to index
        %get3A_541 = arith.constant 448 : index
        %get3A_542 = tpu.vector_load %arg12[%get3A_540, %get3A_541] {strides = array<i32>} : memref<16x1024xf32, #tpu.memory_space<vmem>>, vector<1x16xf32>,
        %get3A_543 = vector.shape_cast %get3A_542 : vector<1x16xf32> to vector<16xf32>
        %add3A_544 = arith.addf %get3A_539, %get3A_543 : vector<16xf32>
        %swap3A_545 = arith.index_cast %scan3A_145 : i32 to index
        %swap3A_546 = arith.constant 448 : index
        %swap3A_547 = tpu.vector_load %arg14[%swap3A_545, %swap3A_546] {strides = array<i32>} : memref<16x1024xf32, #tpu.memory_space<vmem>>, vector<1x16xf32>,
        %swap3A_548 = vector.shape_cast %swap3A_547 : vector<1x16xf32> to vector<16xf32>
        %swap3A_549 = vector.shape_cast %add3A_544 : vector<16xf32> to vector<1x16xf32>
        tpu.vector_store %arg14[%swap3A_545, %swap3A_546], %swap3A_549 {strides = array<i32>} : memref<16x1024xf32, #tpu.memory_space<vmem>>, vector<1x16xf32>,
        %get3A_550 = arith.index_cast %scan3A_145 : i32 to index
        %get3A_551 = arith.constant 464 : index
        %get3A_552 = tpu.vector_load %arg10[%get3A_550, %get3A_551] {strides = array<i32>} : memref<16x1024xf32, #tpu.memory_space<vmem>>, vector<1x16xf32>,
        %get3A_553 = vector.shape_cast %get3A_552 : vector<1x16xf32> to vector<16xf32>
        %get3A_554 = arith.index_cast %scan3A_145 : i32 to index
        %get3A_555 = arith.constant 464 : index
        %get3A_556 = tpu.vector_load %arg12[%get3A_554, %get3A_555] {strides = array<i32>} : memref<16x1024xf32, #tpu.memory_space<vmem>>, vector<1x16xf32>,
        %get3A_557 = vector.shape_cast %get3A_556 : vector<1x16xf32> to vector<16xf32>
        %add3A_558 = arith.addf %get3A_553, %get3A_557 : vector<16xf32>
        %swap3A_559 = arith.index_cast %scan3A_145 : i32 to index
        %swap3A_560 = arith.constant 464 : index
        %swap3A_561 = tpu.vector_load %arg14[%swap3A_559, %swap3A_560] {strides = array<i32>} : memref<16x1024xf32, #tpu.memory_space<vmem>>, vector<1x16xf32>,
        %swap3A_562 = vector.shape_cast %swap3A_561 : vector<1x16xf32> to vector<16xf32>
        %swap3A_563 = vector.shape_cast %add3A_558 : vector<16xf32> to vector<1x16xf32>
        tpu.vector_store %arg14[%swap3A_559, %swap3A_560], %swap3A_563 {strides = array<i32>} : memref<16x1024xf32, #tpu.memory_space<vmem>>, vector<1x16xf32>,
        %get3A_564 = arith.index_cast %scan3A_145 : i32 to index
        %get3A_565 = arith.constant 480 : index
        %get3A_566 = tpu.vector_load %arg10[%get3A_564, %get3A_565] {strides = array<i32>} : memref<16x1024xf32, #tpu.memory_space<vmem>>, vector<1x16xf32>,
        %get3A_567 = vector.shape_cast %get3A_566 : vector<1x16xf32> to vector<16xf32>
        %get3A_568 = arith.index_cast %scan3A_145 : i32 to index
        %get3A_569 = arith.constant 480 : index
        %get3A_570 = tpu.vector_load %arg12[%get3A_568, %get3A_569] {strides = array<i32>} : memref<16x1024xf32, #tpu.memory_space<vmem>>, vector<1x16xf32>,
        %get3A_571 = vector.shape_cast %get3A_570 : vector<1x16xf32> to vector<16xf32>
        %add3A_572 = arith.addf %get3A_567, %get3A_571 : vector<16xf32>
        %swap3A_573 = arith.index_cast %scan3A_145 : i32 to index
        %swap3A_574 = arith.constant 480 : index
        %swap3A_575 = tpu.vector_load %arg14[%swap3A_573, %swap3A_574] {strides = array<i32>} : memref<16x1024xf32, #tpu.memory_space<vmem>>, vector<1x16xf32>,
        %swap3A_576 = vector.shape_cast %swap3A_575 : vector<1x16xf32> to vector<16xf32>
        %swap3A_577 = vector.shape_cast %add3A_572 : vector<16xf32> to vector<1x16xf32>
        tpu.vector_store %arg14[%swap3A_573, %swap3A_574], %swap3A_577 {strides = array<i32>} : memref<16x1024xf32, #tpu.memory_space<vmem>>, vector<1x16xf32>,
        %get3A_578 = arith.index_cast %scan3A_145 : i32 to index
        %get3A_579 = arith.constant 496 : index
        %get3A_580 = tpu.vector_load %arg10[%get3A_578, %get3A_579] {strides = array<i32>} : memref<16x1024xf32, #tpu.memory_space<vmem>>, vector<1x16xf32>,
        %get3A_581 = vector.shape_cast %get3A_580 : vector<1x16xf32> to vector<16xf32>
        %get3A_582 = arith.index_cast %scan3A_145 : i32 to index
        %get3A_583 = arith.constant 496 : index
        %get3A_584 = tpu.vector_load %arg12[%get3A_582, %get3A_583] {strides = array<i32>} : memref<16x1024xf32, #tpu.memory_space<vmem>>, vector<1x16xf32>,
        %get3A_585 = vector.shape_cast %get3A_584 : vector<1x16xf32> to vector<16xf32>
        %add3A_586 = arith.addf %get3A_581, %get3A_585 : vector<16xf32>
        %swap3A_587 = arith.index_cast %scan3A_145 : i32 to index
        %swap3A_588 = arith.constant 496 : index
        %swap3A_589 = tpu.vector_load %arg14[%swap3A_587, %swap3A_588] {strides = array<i32>} : memref<16x1024xf32, #tpu.memory_space<vmem>>, vector<1x16xf32>,
        %swap3A_590 = vector.shape_cast %swap3A_589 : vector<1x16xf32> to vector<16xf32>
        %swap3A_591 = vector.shape_cast %add3A_586 : vector<16xf32> to vector<1x16xf32>
        tpu.vector_store %arg14[%swap3A_587, %swap3A_588], %swap3A_591 {strides = array<i32>} : memref<16x1024xf32, #tpu.memory_space<vmem>>, vector<1x16xf32>,
        %get3A_592 = arith.index_cast %scan3A_145 : i32 to index
        %get3A_593 = arith.constant 512 : index
        %get3A_594 = tpu.vector_load %arg10[%get3A_592, %get3A_593] {strides = array<i32>} : memref<16x1024xf32, #tpu.memory_space<vmem>>, vector<1x16xf32>,
        %get3A_595 = vector.shape_cast %get3A_594 : vector<1x16xf32> to vector<16xf32>
        %get3A_596 = arith.index_cast %scan3A_145 : i32 to index
        %get3A_597 = arith.constant 512 : index
        %get3A_598 = tpu.vector_load %arg12[%get3A_596, %get3A_597] {strides = array<i32>} : memref<16x1024xf32, #tpu.memory_space<vmem>>, vector<1x16xf32>,
        %get3A_599 = vector.shape_cast %get3A_598 : vector<1x16xf32> to vector<16xf32>
        %add3A_600 = arith.addf %get3A_595, %get3A_599 : vector<16xf32>
        %swap3A_601 = arith.index_cast %scan3A_145 : i32 to index
        %swap3A_602 = arith.constant 512 : index
        %swap3A_603 = tpu.vector_load %arg14[%swap3A_601, %swap3A_602] {strides = array<i32>} : memref<16x1024xf32, #tpu.memory_space<vmem>>, vector<1x16xf32>,
        %swap3A_604 = vector.shape_cast %swap3A_603 : vector<1x16xf32> to vector<16xf32>
        %swap3A_605 = vector.shape_cast %add3A_600 : vector<16xf32> to vector<1x16xf32>
        tpu.vector_store %arg14[%swap3A_601, %swap3A_602], %swap3A_605 {strides = array<i32>} : memref<16x1024xf32, #tpu.memory_space<vmem>>, vector<1x16xf32>,
        %get3A_606 = arith.index_cast %scan3A_145 : i32 to index
        %get3A_607 = arith.constant 528 : index
        %get3A_608 = tpu.vector_load %arg10[%get3A_606, %get3A_607] {strides = array<i32>} : memref<16x1024xf32, #tpu.memory_space<vmem>>, vector<1x16xf32>,
        %get3A_609 = vector.shape_cast %get3A_608 : vector<1x16xf32> to vector<16xf32>
        %get3A_610 = arith.index_cast %scan3A_145 : i32 to index
        %get3A_611 = arith.constant 528 : index
        %get3A_612 = tpu.vector_load %arg12[%get3A_610, %get3A_611] {strides = array<i32>} : memref<16x1024xf32, #tpu.memory_space<vmem>>, vector<1x16xf32>,
        %get3A_613 = vector.shape_cast %get3A_612 : vector<1x16xf32> to vector<16xf32>
        %add3A_614 = arith.addf %get3A_609, %get3A_613 : vector<16xf32>
        %swap3A_615 = arith.index_cast %scan3A_145 : i32 to index
        %swap3A_616 = arith.constant 528 : index
        %swap3A_617 = tpu.vector_load %arg14[%swap3A_615, %swap3A_616] {strides = array<i32>} : memref<16x1024xf32, #tpu.memory_space<vmem>>, vector<1x16xf32>,
        %swap3A_618 = vector.shape_cast %swap3A_617 : vector<1x16xf32> to vector<16xf32>
        %swap3A_619 = vector.shape_cast %add3A_614 : vector<16xf32> to vector<1x16xf32>
        tpu.vector_store %arg14[%swap3A_615, %swap3A_616], %swap3A_619 {strides = array<i32>} : memref<16x1024xf32, #tpu.memory_space<vmem>>, vector<1x16xf32>,
        %get3A_620 = arith.index_cast %scan3A_145 : i32 to index
        %get3A_621 = arith.constant 544 : index
        %get3A_622 = tpu.vector_load %arg10[%get3A_620, %get3A_621] {strides = array<i32>} : memref<16x1024xf32, #tpu.memory_space<vmem>>, vector<1x16xf32>,
        %get3A_623 = vector.shape_cast %get3A_622 : vector<1x16xf32> to vector<16xf32>
        %get3A_624 = arith.index_cast %scan3A_145 : i32 to index
        %get3A_625 = arith.constant 544 : index
        %get3A_626 = tpu.vector_load %arg12[%get3A_624, %get3A_625] {strides = array<i32>} : memref<16x1024xf32, #tpu.memory_space<vmem>>, vector<1x16xf32>,
        %get3A_627 = vector.shape_cast %get3A_626 : vector<1x16xf32> to vector<16xf32>
        %add3A_628 = arith.addf %get3A_623, %get3A_627 : vector<16xf32>
        %swap3A_629 = arith.index_cast %scan3A_145 : i32 to index
        %swap3A_630 = arith.constant 544 : index
        %swap3A_631 = tpu.vector_load %arg14[%swap3A_629, %swap3A_630] {strides = array<i32>} : memref<16x1024xf32, #tpu.memory_space<vmem>>, vector<1x16xf32>,
        %swap3A_632 = vector.shape_cast %swap3A_631 : vector<1x16xf32> to vector<16xf32>
        %swap3A_633 = vector.shape_cast %add3A_628 : vector<16xf32> to vector<1x16xf32>
        tpu.vector_store %arg14[%swap3A_629, %swap3A_630], %swap3A_633 {strides = array<i32>} : memref<16x1024xf32, #tpu.memory_space<vmem>>, vector<1x16xf32>,
        %get3A_634 = arith.index_cast %scan3A_145 : i32 to index
        %get3A_635 = arith.constant 560 : index
        %get3A_636 = tpu.vector_load %arg10[%get3A_634, %get3A_635] {strides = array<i32>} : memref<16x1024xf32, #tpu.memory_space<vmem>>, vector<1x16xf32>,
        %get3A_637 = vector.shape_cast %get3A_636 : vector<1x16xf32> to vector<16xf32>
        %get3A_638 = arith.index_cast %scan3A_145 : i32 to index
        %get3A_639 = arith.constant 560 : index
        %get3A_640 = tpu.vector_load %arg12[%get3A_638, %get3A_639] {strides = array<i32>} : memref<16x1024xf32, #tpu.memory_space<vmem>>, vector<1x16xf32>,
        %get3A_641 = vector.shape_cast %get3A_640 : vector<1x16xf32> to vector<16xf32>
        %add3A_642 = arith.addf %get3A_637, %get3A_641 : vector<16xf32>
        %swap3A_643 = arith.index_cast %scan3A_145 : i32 to index
        %swap3A_644 = arith.constant 560 : index
        %swap3A_645 = tpu.vector_load %arg14[%swap3A_643, %swap3A_644] {strides = array<i32>} : memref<16x1024xf32, #tpu.memory_space<vmem>>, vector<1x16xf32>,
        %swap3A_646 = vector.shape_cast %swap3A_645 : vector<1x16xf32> to vector<16xf32>
        %swap3A_647 = vector.shape_cast %add3A_642 : vector<16xf32> to vector<1x16xf32>
        tpu.vector_store %arg14[%swap3A_643, %swap3A_644], %swap3A_647 {strides = array<i32>} : memref<16x1024xf32, #tpu.memory_space<vmem>>, vector<1x16xf32>,
        %get3A_648 = arith.index_cast %scan3A_145 : i32 to index
        %get3A_649 = arith.constant 576 : index
        %get3A_650 = tpu.vector_load %arg10[%get3A_648, %get3A_649] {strides = array<i32>} : memref<16x1024xf32, #tpu.memory_space<vmem>>, vector<1x16xf32>,
        %get3A_651 = vector.shape_cast %get3A_650 : vector<1x16xf32> to vector<16xf32>
        %get3A_652 = arith.index_cast %scan3A_145 : i32 to index
        %get3A_653 = arith.constant 576 : index
        %get3A_654 = tpu.vector_load %arg12[%get3A_652, %get3A_653] {strides = array<i32>} : memref<16x1024xf32, #tpu.memory_space<vmem>>, vector<1x16xf32>,
        %get3A_655 = vector.shape_cast %get3A_654 : vector<1x16xf32> to vector<16xf32>
        %add3A_656 = arith.addf %get3A_651, %get3A_655 : vector<16xf32>
        %swap3A_657 = arith.index_cast %scan3A_145 : i32 to index
        %swap3A_658 = arith.constant 576 : index
        %swap3A_659 = tpu.vector_load %arg14[%swap3A_657, %swap3A_658] {strides = array<i32>} : memref<16x1024xf32, #tpu.memory_space<vmem>>, vector<1x16xf32>,
        %swap3A_660 = vector.shape_cast %swap3A_659 : vector<1x16xf32> to vector<16xf32>
        %swap3A_661 = vector.shape_cast %add3A_656 : vector<16xf32> to vector<1x16xf32>
        tpu.vector_store %arg14[%swap3A_657, %swap3A_658], %swap3A_661 {strides = array<i32>} : memref<16x1024xf32, #tpu.memory_space<vmem>>, vector<1x16xf32>,
        %get3A_662 = arith.index_cast %scan3A_145 : i32 to index
        %get3A_663 = arith.constant 592 : index
        %get3A_664 = tpu.vector_load %arg10[%get3A_662, %get3A_663] {strides = array<i32>} : memref<16x1024xf32, #tpu.memory_space<vmem>>, vector<1x16xf32>,
        %get3A_665 = vector.shape_cast %get3A_664 : vector<1x16xf32> to vector<16xf32>
        %get3A_666 = arith.index_cast %scan3A_145 : i32 to index
        %get3A_667 = arith.constant 592 : index
        %get3A_668 = tpu.vector_load %arg12[%get3A_666, %get3A_667] {strides = array<i32>} : memref<16x1024xf32, #tpu.memory_space<vmem>>, vector<1x16xf32>,
        %get3A_669 = vector.shape_cast %get3A_668 : vector<1x16xf32> to vector<16xf32>
        %add3A_670 = arith.addf %get3A_665, %get3A_669 : vector<16xf32>
        %swap3A_671 = arith.index_cast %scan3A_145 : i32 to index
        %swap3A_672 = arith.constant 592 : index
        %swap3A_673 = tpu.vector_load %arg14[%swap3A_671, %swap3A_672] {strides = array<i32>} : memref<16x1024xf32, #tpu.memory_space<vmem>>, vector<1x16xf32>,
        %swap3A_674 = vector.shape_cast %swap3A_673 : vector<1x16xf32> to vector<16xf32>
        %swap3A_675 = vector.shape_cast %add3A_670 : vector<16xf32> to vector<1x16xf32>
        tpu.vector_store %arg14[%swap3A_671, %swap3A_672], %swap3A_675 {strides = array<i32>} : memref<16x1024xf32, #tpu.memory_space<vmem>>, vector<1x16xf32>,
        %get3A_676 = arith.index_cast %scan3A_145 : i32 to index
        %get3A_677 = arith.constant 608 : index
        %get3A_678 = tpu.vector_load %arg10[%get3A_676, %get3A_677] {strides = array<i32>} : memref<16x1024xf32, #tpu.memory_space<vmem>>, vector<1x16xf32>,
        %get3A_679 = vector.shape_cast %get3A_678 : vector<1x16xf32> to vector<16xf32>
        %get3A_680 = arith.index_cast %scan3A_145 : i32 to index
        %get3A_681 = arith.constant 608 : index
        %get3A_682 = tpu.vector_load %arg12[%get3A_680, %get3A_681] {strides = array<i32>} : memref<16x1024xf32, #tpu.memory_space<vmem>>, vector<1x16xf32>,
        %get3A_683 = vector.shape_cast %get3A_682 : vector<1x16xf32> to vector<16xf32>
        %add3A_684 = arith.addf %get3A_679, %get3A_683 : vector<16xf32>
        %swap3A_685 = arith.index_cast %scan3A_145 : i32 to index
        %swap3A_686 = arith.constant 608 : index
        %swap3A_687 = tpu.vector_load %arg14[%swap3A_685, %swap3A_686] {strides = array<i32>} : memref<16x1024xf32, #tpu.memory_space<vmem>>, vector<1x16xf32>,
        %swap3A_688 = vector.shape_cast %swap3A_687 : vector<1x16xf32> to vector<16xf32>
        %swap3A_689 = vector.shape_cast %add3A_684 : vector<16xf32> to vector<1x16xf32>
        tpu.vector_store %arg14[%swap3A_685, %swap3A_686], %swap3A_689 {strides = array<i32>} : memref<16x1024xf32, #tpu.memory_space<vmem>>, vector<1x16xf32>,
        %get3A_690 = arith.index_cast %scan3A_145 : i32 to index
        %get3A_691 = arith.constant 624 : index
        %get3A_692 = tpu.vector_load %arg10[%get3A_690, %get3A_691] {strides = array<i32>} : memref<16x1024xf32, #tpu.memory_space<vmem>>, vector<1x16xf32>,
        %get3A_693 = vector.shape_cast %get3A_692 : vector<1x16xf32> to vector<16xf32>
        %get3A_694 = arith.index_cast %scan3A_145 : i32 to index
        %get3A_695 = arith.constant 624 : index
        %get3A_696 = tpu.vector_load %arg12[%get3A_694, %get3A_695] {strides = array<i32>} : memref<16x1024xf32, #tpu.memory_space<vmem>>, vector<1x16xf32>,
        %get3A_697 = vector.shape_cast %get3A_696 : vector<1x16xf32> to vector<16xf32>
        %add3A_698 = arith.addf %get3A_693, %get3A_697 : vector<16xf32>
        %swap3A_699 = arith.index_cast %scan3A_145 : i32 to index
        %swap3A_700 = arith.constant 624 : index
        %swap3A_701 = tpu.vector_load %arg14[%swap3A_699, %swap3A_700] {strides = array<i32>} : memref<16x1024xf32, #tpu.memory_space<vmem>>, vector<1x16xf32>,
        %swap3A_702 = vector.shape_cast %swap3A_701 : vector<1x16xf32> to vector<16xf32>
        %swap3A_703 = vector.shape_cast %add3A_698 : vector<16xf32> to vector<1x16xf32>
        tpu.vector_store %arg14[%swap3A_699, %swap3A_700], %swap3A_703 {strides = array<i32>} : memref<16x1024xf32, #tpu.memory_space<vmem>>, vector<1x16xf32>,
        %get3A_704 = arith.index_cast %scan3A_145 : i32 to index
        %get3A_705 = arith.constant 640 : index
        %get3A_706 = tpu.vector_load %arg10[%get3A_704, %get3A_705] {strides = array<i32>} : memref<16x1024xf32, #tpu.memory_space<vmem>>, vector<1x16xf32>,
        %get3A_707 = vector.shape_cast %get3A_706 : vector<1x16xf32> to vector<16xf32>
        %get3A_708 = arith.index_cast %scan3A_145 : i32 to index
        %get3A_709 = arith.constant 640 : index
        %get3A_710 = tpu.vector_load %arg12[%get3A_708, %get3A_709] {strides = array<i32>} : memref<16x1024xf32, #tpu.memory_space<vmem>>, vector<1x16xf32>,
        %get3A_711 = vector.shape_cast %get3A_710 : vector<1x16xf32> to vector<16xf32>
        %add3A_712 = arith.addf %get3A_707, %get3A_711 : vector<16xf32>
        %swap3A_713 = arith.index_cast %scan3A_145 : i32 to index
        %swap3A_714 = arith.constant 640 : index
        %swap3A_715 = tpu.vector_load %arg14[%swap3A_713, %swap3A_714] {strides = array<i32>} : memref<16x1024xf32, #tpu.memory_space<vmem>>, vector<1x16xf32>,
        %swap3A_716 = vector.shape_cast %swap3A_715 : vector<1x16xf32> to vector<16xf32>
        %swap3A_717 = vector.shape_cast %add3A_712 : vector<16xf32> to vector<1x16xf32>
        tpu.vector_store %arg14[%swap3A_713, %swap3A_714], %swap3A_717 {strides = array<i32>} : memref<16x1024xf32, #tpu.memory_space<vmem>>, vector<1x16xf32>,
        %get3A_718 = arith.index_cast %scan3A_145 : i32 to index
        %get3A_719 = arith.constant 656 : index
        %get3A_720 = tpu.vector_load %arg10[%get3A_718, %get3A_719] {strides = array<i32>} : memref<16x1024xf32, #tpu.memory_space<vmem>>, vector<1x16xf32>,
        %get3A_721 = vector.shape_cast %get3A_720 : vector<1x16xf32> to vector<16xf32>
        %get3A_722 = arith.index_cast %scan3A_145 : i32 to index
        %get3A_723 = arith.constant 656 : index
        %get3A_724 = tpu.vector_load %arg12[%get3A_722, %get3A_723] {strides = array<i32>} : memref<16x1024xf32, #tpu.memory_space<vmem>>, vector<1x16xf32>,
        %get3A_725 = vector.shape_cast %get3A_724 : vector<1x16xf32> to vector<16xf32>
        %add3A_726 = arith.addf %get3A_721, %get3A_725 : vector<16xf32>
        %swap3A_727 = arith.index_cast %scan3A_145 : i32 to index
        %swap3A_728 = arith.constant 656 : index
        %swap3A_729 = tpu.vector_load %arg14[%swap3A_727, %swap3A_728] {strides = array<i32>} : memref<16x1024xf32, #tpu.memory_space<vmem>>, vector<1x16xf32>,
        %swap3A_730 = vector.shape_cast %swap3A_729 : vector<1x16xf32> to vector<16xf32>
        %swap3A_731 = vector.shape_cast %add3A_726 : vector<16xf32> to vector<1x16xf32>
        tpu.vector_store %arg14[%swap3A_727, %swap3A_728], %swap3A_731 {strides = array<i32>} : memref<16x1024xf32, #tpu.memory_space<vmem>>, vector<1x16xf32>,
        %get3A_732 = arith.index_cast %scan3A_145 : i32 to index
        %get3A_733 = arith.constant 672 : index
        %get3A_734 = tpu.vector_load %arg10[%get3A_732, %get3A_733] {strides = array<i32>} : memref<16x1024xf32, #tpu.memory_space<vmem>>, vector<1x16xf32>,
        %get3A_735 = vector.shape_cast %get3A_734 : vector<1x16xf32> to vector<16xf32>
        %get3A_736 = arith.index_cast %scan3A_145 : i32 to index
        %get3A_737 = arith.constant 672 : index
        %get3A_738 = tpu.vector_load %arg12[%get3A_736, %get3A_737] {strides = array<i32>} : memref<16x1024xf32, #tpu.memory_space<vmem>>, vector<1x16xf32>,
        %get3A_739 = vector.shape_cast %get3A_738 : vector<1x16xf32> to vector<16xf32>
        %add3A_740 = arith.addf %get3A_735, %get3A_739 : vector<16xf32>
        %swap3A_741 = arith.index_cast %scan3A_145 : i32 to index
        %swap3A_742 = arith.constant 672 : index
        %swap3A_743 = tpu.vector_load %arg14[%swap3A_741, %swap3A_742] {strides = array<i32>} : memref<16x1024xf32, #tpu.memory_space<vmem>>, vector<1x16xf32>,
        %swap3A_744 = vector.shape_cast %swap3A_743 : vector<1x16xf32> to vector<16xf32>
        %swap3A_745 = vector.shape_cast %add3A_740 : vector<16xf32> to vector<1x16xf32>
        tpu.vector_store %arg14[%swap3A_741, %swap3A_742], %swap3A_745 {strides = array<i32>} : memref<16x1024xf32, #tpu.memory_space<vmem>>, vector<1x16xf32>,
        %get3A_746 = arith.index_cast %scan3A_145 : i32 to index
        %get3A_747 = arith.constant 688 : index
        %get3A_748 = tpu.vector_load %arg10[%get3A_746, %get3A_747] {strides = array<i32>} : memref<16x1024xf32, #tpu.memory_space<vmem>>, vector<1x16xf32>,
        %get3A_749 = vector.shape_cast %get3A_748 : vector<1x16xf32> to vector<16xf32>
        %get3A_750 = arith.index_cast %scan3A_145 : i32 to index
        %get3A_751 = arith.constant 688 : index
        %get3A_752 = tpu.vector_load %arg12[%get3A_750, %get3A_751] {strides = array<i32>} : memref<16x1024xf32, #tpu.memory_space<vmem>>, vector<1x16xf32>,
        %get3A_753 = vector.shape_cast %get3A_752 : vector<1x16xf32> to vector<16xf32>
        %add3A_754 = arith.addf %get3A_749, %get3A_753 : vector<16xf32>
        %swap3A_755 = arith.index_cast %scan3A_145 : i32 to index
        %swap3A_756 = arith.constant 688 : index
        %swap3A_757 = tpu.vector_load %arg14[%swap3A_755, %swap3A_756] {strides = array<i32>} : memref<16x1024xf32, #tpu.memory_space<vmem>>, vector<1x16xf32>,
        %swap3A_758 = vector.shape_cast %swap3A_757 : vector<1x16xf32> to vector<16xf32>
        %swap3A_759 = vector.shape_cast %add3A_754 : vector<16xf32> to vector<1x16xf32>
        tpu.vector_store %arg14[%swap3A_755, %swap3A_756], %swap3A_759 {strides = array<i32>} : memref<16x1024xf32, #tpu.memory_space<vmem>>, vector<1x16xf32>,
        %get3A_760 = arith.index_cast %scan3A_145 : i32 to index
        %get3A_761 = arith.constant 704 : index
        %get3A_762 = tpu.vector_load %arg10[%get3A_760, %get3A_761] {strides = array<i32>} : memref<16x1024xf32, #tpu.memory_space<vmem>>, vector<1x16xf32>,
        %get3A_763 = vector.shape_cast %get3A_762 : vector<1x16xf32> to vector<16xf32>
        %get3A_764 = arith.index_cast %scan3A_145 : i32 to index
        %get3A_765 = arith.constant 704 : index
        %get3A_766 = tpu.vector_load %arg12[%get3A_764, %get3A_765] {strides = array<i32>} : memref<16x1024xf32, #tpu.memory_space<vmem>>, vector<1x16xf32>,
        %get3A_767 = vector.shape_cast %get3A_766 : vector<1x16xf32> to vector<16xf32>
        %add3A_768 = arith.addf %get3A_763, %get3A_767 : vector<16xf32>
        %swap3A_769 = arith.index_cast %scan3A_145 : i32 to index
        %swap3A_770 = arith.constant 704 : index
        %swap3A_771 = tpu.vector_load %arg14[%swap3A_769, %swap3A_770] {strides = array<i32>} : memref<16x1024xf32, #tpu.memory_space<vmem>>, vector<1x16xf32>,
        %swap3A_772 = vector.shape_cast %swap3A_771 : vector<1x16xf32> to vector<16xf32>
        %swap3A_773 = vector.shape_cast %add3A_768 : vector<16xf32> to vector<1x16xf32>
        tpu.vector_store %arg14[%swap3A_769, %swap3A_770], %swap3A_773 {strides = array<i32>} : memref<16x1024xf32, #tpu.memory_space<vmem>>, vector<1x16xf32>,
        %get3A_774 = arith.index_cast %scan3A_145 : i32 to index
        %get3A_775 = arith.constant 720 : index
        %get3A_776 = tpu.vector_load %arg10[%get3A_774, %get3A_775] {strides = array<i32>} : memref<16x1024xf32, #tpu.memory_space<vmem>>, vector<1x16xf32>,
        %get3A_777 = vector.shape_cast %get3A_776 : vector<1x16xf32> to vector<16xf32>
        %get3A_778 = arith.index_cast %scan3A_145 : i32 to index
        %get3A_779 = arith.constant 720 : index
        %get3A_780 = tpu.vector_load %arg12[%get3A_778, %get3A_779] {strides = array<i32>} : memref<16x1024xf32, #tpu.memory_space<vmem>>, vector<1x16xf32>,
        %get3A_781 = vector.shape_cast %get3A_780 : vector<1x16xf32> to vector<16xf32>
        %add3A_782 = arith.addf %get3A_777, %get3A_781 : vector<16xf32>
        %swap3A_783 = arith.index_cast %scan3A_145 : i32 to index
        %swap3A_784 = arith.constant 720 : index
        %swap3A_785 = tpu.vector_load %arg14[%swap3A_783, %swap3A_784] {strides = array<i32>} : memref<16x1024xf32, #tpu.memory_space<vmem>>, vector<1x16xf32>,
        %swap3A_786 = vector.shape_cast %swap3A_785 : vector<1x16xf32> to vector<16xf32>
        %swap3A_787 = vector.shape_cast %add3A_782 : vector<16xf32> to vector<1x16xf32>
        tpu.vector_store %arg14[%swap3A_783, %swap3A_784], %swap3A_787 {strides = array<i32>} : memref<16x1024xf32, #tpu.memory_space<vmem>>, vector<1x16xf32>,
        %get3A_788 = arith.index_cast %scan3A_145 : i32 to index
        %get3A_789 = arith.constant 736 : index
        %get3A_790 = tpu.vector_load %arg10[%get3A_788, %get3A_789] {strides = array<i32>} : memref<16x1024xf32, #tpu.memory_space<vmem>>, vector<1x16xf32>,
        %get3A_791 = vector.shape_cast %get3A_790 : vector<1x16xf32> to vector<16xf32>
        %get3A_792 = arith.index_cast %scan3A_145 : i32 to index
        %get3A_793 = arith.constant 736 : index
        %get3A_794 = tpu.vector_load %arg12[%get3A_792, %get3A_793] {strides = array<i32>} : memref<16x1024xf32, #tpu.memory_space<vmem>>, vector<1x16xf32>,
        %get3A_795 = vector.shape_cast %get3A_794 : vector<1x16xf32> to vector<16xf32>
        %add3A_796 = arith.addf %get3A_791, %get3A_795 : vector<16xf32>
        %swap3A_797 = arith.index_cast %scan3A_145 : i32 to index
        %swap3A_798 = arith.constant 736 : index
        %swap3A_799 = tpu.vector_load %arg14[%swap3A_797, %swap3A_798] {strides = array<i32>} : memref<16x1024xf32, #tpu.memory_space<vmem>>, vector<1x16xf32>,
        %swap3A_800 = vector.shape_cast %swap3A_799 : vector<1x16xf32> to vector<16xf32>
        %swap3A_801 = vector.shape_cast %add3A_796 : vector<16xf32> to vector<1x16xf32>
        tpu.vector_store %arg14[%swap3A_797, %swap3A_798], %swap3A_801 {strides = array<i32>} : memref<16x1024xf32, #tpu.memory_space<vmem>>, vector<1x16xf32>,
        %get3A_802 = arith.index_cast %scan3A_145 : i32 to index
        %get3A_803 = arith.constant 752 : index
        %get3A_804 = tpu.vector_load %arg10[%get3A_802, %get3A_803] {strides = array<i32>} : memref<16x1024xf32, #tpu.memory_space<vmem>>, vector<1x16xf32>,
        %get3A_805 = vector.shape_cast %get3A_804 : vector<1x16xf32> to vector<16xf32>
        %get3A_806 = arith.index_cast %scan3A_145 : i32 to index
        %get3A_807 = arith.constant 752 : index
        %get3A_808 = tpu.vector_load %arg12[%get3A_806, %get3A_807] {strides = array<i32>} : memref<16x1024xf32, #tpu.memory_space<vmem>>, vector<1x16xf32>,
        %get3A_809 = vector.shape_cast %get3A_808 : vector<1x16xf32> to vector<16xf32>
        %add3A_810 = arith.addf %get3A_805, %get3A_809 : vector<16xf32>
        %swap3A_811 = arith.index_cast %scan3A_145 : i32 to index
        %swap3A_812 = arith.constant 752 : index
        %swap3A_813 = tpu.vector_load %arg14[%swap3A_811, %swap3A_812] {strides = array<i32>} : memref<16x1024xf32, #tpu.memory_space<vmem>>, vector<1x16xf32>,
        %swap3A_814 = vector.shape_cast %swap3A_813 : vector<1x16xf32> to vector<16xf32>
        %swap3A_815 = vector.shape_cast %add3A_810 : vector<16xf32> to vector<1x16xf32>
        tpu.vector_store %arg14[%swap3A_811, %swap3A_812], %swap3A_815 {strides = array<i32>} : memref<16x1024xf32, #tpu.memory_space<vmem>>, vector<1x16xf32>,
        %get3A_816 = arith.index_cast %scan3A_145 : i32 to index
        %get3A_817 = arith.constant 768 : index
        %get3A_818 = tpu.vector_load %arg10[%get3A_816, %get3A_817] {strides = array<i32>} : memref<16x1024xf32, #tpu.memory_space<vmem>>, vector<1x16xf32>,
        %get3A_819 = vector.shape_cast %get3A_818 : vector<1x16xf32> to vector<16xf32>
        %get3A_820 = arith.index_cast %scan3A_145 : i32 to index
        %get3A_821 = arith.constant 768 : index
        %get3A_822 = tpu.vector_load %arg12[%get3A_820, %get3A_821] {strides = array<i32>} : memref<16x1024xf32, #tpu.memory_space<vmem>>, vector<1x16xf32>,
        %get3A_823 = vector.shape_cast %get3A_822 : vector<1x16xf32> to vector<16xf32>
        %add3A_824 = arith.addf %get3A_819, %get3A_823 : vector<16xf32>
        %swap3A_825 = arith.index_cast %scan3A_145 : i32 to index
        %swap3A_826 = arith.constant 768 : index
        %swap3A_827 = tpu.vector_load %arg14[%swap3A_825, %swap3A_826] {strides = array<i32>} : memref<16x1024xf32, #tpu.memory_space<vmem>>, vector<1x16xf32>,
        %swap3A_828 = vector.shape_cast %swap3A_827 : vector<1x16xf32> to vector<16xf32>
        %swap3A_829 = vector.shape_cast %add3A_824 : vector<16xf32> to vector<1x16xf32>
        tpu.vector_store %arg14[%swap3A_825, %swap3A_826], %swap3A_829 {strides = array<i32>} : memref<16x1024xf32, #tpu.memory_space<vmem>>, vector<1x16xf32>,
        %get3A_830 = arith.index_cast %scan3A_145 : i32 to index
        %get3A_831 = arith.constant 784 : index
        %get3A_832 = tpu.vector_load %arg10[%get3A_830, %get3A_831] {strides = array<i32>} : memref<16x1024xf32, #tpu.memory_space<vmem>>, vector<1x16xf32>,
        %get3A_833 = vector.shape_cast %get3A_832 : vector<1x16xf32> to vector<16xf32>
        %get3A_834 = arith.index_cast %scan3A_145 : i32 to index
        %get3A_835 = arith.constant 784 : index
        %get3A_836 = tpu.vector_load %arg12[%get3A_834, %get3A_835] {strides = array<i32>} : memref<16x1024xf32, #tpu.memory_space<vmem>>, vector<1x16xf32>,
        %get3A_837 = vector.shape_cast %get3A_836 : vector<1x16xf32> to vector<16xf32>
        %add3A_838 = arith.addf %get3A_833, %get3A_837 : vector<16xf32>
        %swap3A_839 = arith.index_cast %scan3A_145 : i32 to index
        %swap3A_840 = arith.constant 784 : index
        %swap3A_841 = tpu.vector_load %arg14[%swap3A_839, %swap3A_840] {strides = array<i32>} : memref<16x1024xf32, #tpu.memory_space<vmem>>, vector<1x16xf32>,
        %swap3A_842 = vector.shape_cast %swap3A_841 : vector<1x16xf32> to vector<16xf32>
        %swap3A_843 = vector.shape_cast %add3A_838 : vector<16xf32> to vector<1x16xf32>
        tpu.vector_store %arg14[%swap3A_839, %swap3A_840], %swap3A_843 {strides = array<i32>} : memref<16x1024xf32, #tpu.memory_space<vmem>>, vector<1x16xf32>,
        %get3A_844 = arith.index_cast %scan3A_145 : i32 to index
        %get3A_845 = arith.constant 800 : index
        %get3A_846 = tpu.vector_load %arg10[%get3A_844, %get3A_845] {strides = array<i32>} : memref<16x1024xf32, #tpu.memory_space<vmem>>, vector<1x16xf32>,
        %get3A_847 = vector.shape_cast %get3A_846 : vector<1x16xf32> to vector<16xf32>
        %get3A_848 = arith.index_cast %scan3A_145 : i32 to index
        %get3A_849 = arith.constant 800 : index
        %get3A_850 = tpu.vector_load %arg12[%get3A_848, %get3A_849] {strides = array<i32>} : memref<16x1024xf32, #tpu.memory_space<vmem>>, vector<1x16xf32>,
        %get3A_851 = vector.shape_cast %get3A_850 : vector<1x16xf32> to vector<16xf32>
        %add3A_852 = arith.addf %get3A_847, %get3A_851 : vector<16xf32>
        %swap3A_853 = arith.index_cast %scan3A_145 : i32 to index
        %swap3A_854 = arith.constant 800 : index
        %swap3A_855 = tpu.vector_load %arg14[%swap3A_853, %swap3A_854] {strides = array<i32>} : memref<16x1024xf32, #tpu.memory_space<vmem>>, vector<1x16xf32>,
        %swap3A_856 = vector.shape_cast %swap3A_855 : vector<1x16xf32> to vector<16xf32>
        %swap3A_857 = vector.shape_cast %add3A_852 : vector<16xf32> to vector<1x16xf32>
        tpu.vector_store %arg14[%swap3A_853, %swap3A_854], %swap3A_857 {strides = array<i32>} : memref<16x1024xf32, #tpu.memory_space<vmem>>, vector<1x16xf32>,
        %get3A_858 = arith.index_cast %scan3A_145 : i32 to index
        %get3A_859 = arith.constant 816 : index
        %get3A_860 = tpu.vector_load %arg10[%get3A_858, %get3A_859] {strides = array<i32>} : memref<16x1024xf32, #tpu.memory_space<vmem>>, vector<1x16xf32>,
        %get3A_861 = vector.shape_cast %get3A_860 : vector<1x16xf32> to vector<16xf32>
        %get3A_862 = arith.index_cast %scan3A_145 : i32 to index
        %get3A_863 = arith.constant 816 : index
        %get3A_864 = tpu.vector_load %arg12[%get3A_862, %get3A_863] {strides = array<i32>} : memref<16x1024xf32, #tpu.memory_space<vmem>>, vector<1x16xf32>,
        %get3A_865 = vector.shape_cast %get3A_864 : vector<1x16xf32> to vector<16xf32>
        %add3A_866 = arith.addf %get3A_861, %get3A_865 : vector<16xf32>
        %swap3A_867 = arith.index_cast %scan3A_145 : i32 to index
        %swap3A_868 = arith.constant 816 : index
        %swap3A_869 = tpu.vector_load %arg14[%swap3A_867, %swap3A_868] {strides = array<i32>} : memref<16x1024xf32, #tpu.memory_space<vmem>>, vector<1x16xf32>,
        %swap3A_870 = vector.shape_cast %swap3A_869 : vector<1x16xf32> to vector<16xf32>
        %swap3A_871 = vector.shape_cast %add3A_866 : vector<16xf32> to vector<1x16xf32>
        tpu.vector_store %arg14[%swap3A_867, %swap3A_868], %swap3A_871 {strides = array<i32>} : memref<16x1024xf32, #tpu.memory_space<vmem>>, vector<1x16xf32>,
        %get3A_872 = arith.index_cast %scan3A_145 : i32 to index
        %get3A_873 = arith.constant 832 : index
        %get3A_874 = tpu.vector_load %arg10[%get3A_872, %get3A_873] {strides = array<i32>} : memref<16x1024xf32, #tpu.memory_space<vmem>>, vector<1x16xf32>,
        %get3A_875 = vector.shape_cast %get3A_874 : vector<1x16xf32> to vector<16xf32>
        %get3A_876 = arith.index_cast %scan3A_145 : i32 to index
        %get3A_877 = arith.constant 832 : index
        %get3A_878 = tpu.vector_load %arg12[%get3A_876, %get3A_877] {strides = array<i32>} : memref<16x1024xf32, #tpu.memory_space<vmem>>, vector<1x16xf32>,
        %get3A_879 = vector.shape_cast %get3A_878 : vector<1x16xf32> to vector<16xf32>
        %add3A_880 = arith.addf %get3A_875, %get3A_879 : vector<16xf32>
        %swap3A_881 = arith.index_cast %scan3A_145 : i32 to index
        %swap3A_882 = arith.constant 832 : index
        %swap3A_883 = tpu.vector_load %arg14[%swap3A_881, %swap3A_882] {strides = array<i32>} : memref<16x1024xf32, #tpu.memory_space<vmem>>, vector<1x16xf32>,
        %swap3A_884 = vector.shape_cast %swap3A_883 : vector<1x16xf32> to vector<16xf32>
        %swap3A_885 = vector.shape_cast %add3A_880 : vector<16xf32> to vector<1x16xf32>
        tpu.vector_store %arg14[%swap3A_881, %swap3A_882], %swap3A_885 {strides = array<i32>} : memref<16x1024xf32, #tpu.memory_space<vmem>>, vector<1x16xf32>,
        %get3A_886 = arith.index_cast %scan3A_145 : i32 to index
        %get3A_887 = arith.constant 848 : index
        %get3A_888 = tpu.vector_load %arg10[%get3A_886, %get3A_887] {strides = array<i32>} : memref<16x1024xf32, #tpu.memory_space<vmem>>, vector<1x16xf32>,
        %get3A_889 = vector.shape_cast %get3A_888 : vector<1x16xf32> to vector<16xf32>
        %get3A_890 = arith.index_cast %scan3A_145 : i32 to index
        %get3A_891 = arith.constant 848 : index
        %get3A_892 = tpu.vector_load %arg12[%get3A_890, %get3A_891] {strides = array<i32>} : memref<16x1024xf32, #tpu.memory_space<vmem>>, vector<1x16xf32>,
        %get3A_893 = vector.shape_cast %get3A_892 : vector<1x16xf32> to vector<16xf32>
        %add3A_894 = arith.addf %get3A_889, %get3A_893 : vector<16xf32>
        %swap3A_895 = arith.index_cast %scan3A_145 : i32 to index
        %swap3A_896 = arith.constant 848 : index
        %swap3A_897 = tpu.vector_load %arg14[%swap3A_895, %swap3A_896] {strides = array<i32>} : memref<16x1024xf32, #tpu.memory_space<vmem>>, vector<1x16xf32>,
        %swap3A_898 = vector.shape_cast %swap3A_897 : vector<1x16xf32> to vector<16xf32>
        %swap3A_899 = vector.shape_cast %add3A_894 : vector<16xf32> to vector<1x16xf32>
        tpu.vector_store %arg14[%swap3A_895, %swap3A_896], %swap3A_899 {strides = array<i32>} : memref<16x1024xf32, #tpu.memory_space<vmem>>, vector<1x16xf32>,
        %get3A_900 = arith.index_cast %scan3A_145 : i32 to index
        %get3A_901 = arith.constant 864 : index
        %get3A_902 = tpu.vector_load %arg10[%get3A_900, %get3A_901] {strides = array<i32>} : memref<16x1024xf32, #tpu.memory_space<vmem>>, vector<1x16xf32>,
        %get3A_903 = vector.shape_cast %get3A_902 : vector<1x16xf32> to vector<16xf32>
        %get3A_904 = arith.index_cast %scan3A_145 : i32 to index
        %get3A_905 = arith.constant 864 : index
        %get3A_906 = tpu.vector_load %arg12[%get3A_904, %get3A_905] {strides = array<i32>} : memref<16x1024xf32, #tpu.memory_space<vmem>>, vector<1x16xf32>,
        %get3A_907 = vector.shape_cast %get3A_906 : vector<1x16xf32> to vector<16xf32>
        %add3A_908 = arith.addf %get3A_903, %get3A_907 : vector<16xf32>
        %swap3A_909 = arith.index_cast %scan3A_145 : i32 to index
        %swap3A_910 = arith.constant 864 : index
        %swap3A_911 = tpu.vector_load %arg14[%swap3A_909, %swap3A_910] {strides = array<i32>} : memref<16x1024xf32, #tpu.memory_space<vmem>>, vector<1x16xf32>,
        %swap3A_912 = vector.shape_cast %swap3A_911 : vector<1x16xf32> to vector<16xf32>
        %swap3A_913 = vector.shape_cast %add3A_908 : vector<16xf32> to vector<1x16xf32>
        tpu.vector_store %arg14[%swap3A_909, %swap3A_910], %swap3A_913 {strides = array<i32>} : memref<16x1024xf32, #tpu.memory_space<vmem>>, vector<1x16xf32>,
        %get3A_914 = arith.index_cast %scan3A_145 : i32 to index
        %get3A_915 = arith.constant 880 : index
        %get3A_916 = tpu.vector_load %arg10[%get3A_914, %get3A_915] {strides = array<i32>} : memref<16x1024xf32, #tpu.memory_space<vmem>>, vector<1x16xf32>,
        %get3A_917 = vector.shape_cast %get3A_916 : vector<1x16xf32> to vector<16xf32>
        %get3A_918 = arith.index_cast %scan3A_145 : i32 to index
        %get3A_919 = arith.constant 880 : index
        %get3A_920 = tpu.vector_load %arg12[%get3A_918, %get3A_919] {strides = array<i32>} : memref<16x1024xf32, #tpu.memory_space<vmem>>, vector<1x16xf32>,
        %get3A_921 = vector.shape_cast %get3A_920 : vector<1x16xf32> to vector<16xf32>
        %add3A_922 = arith.addf %get3A_917, %get3A_921 : vector<16xf32>
        %swap3A_923 = arith.index_cast %scan3A_145 : i32 to index
        %swap3A_924 = arith.constant 880 : index
        %swap3A_925 = tpu.vector_load %arg14[%swap3A_923, %swap3A_924] {strides = array<i32>} : memref<16x1024xf32, #tpu.memory_space<vmem>>, vector<1x16xf32>,
        %swap3A_926 = vector.shape_cast %swap3A_925 : vector<1x16xf32> to vector<16xf32>
        %swap3A_927 = vector.shape_cast %add3A_922 : vector<16xf32> to vector<1x16xf32>
        tpu.vector_store %arg14[%swap3A_923, %swap3A_924], %swap3A_927 {strides = array<i32>} : memref<16x1024xf32, #tpu.memory_space<vmem>>, vector<1x16xf32>,
        %get3A_928 = arith.index_cast %scan3A_145 : i32 to index
        %get3A_929 = arith.constant 896 : index
        %get3A_930 = tpu.vector_load %arg10[%get3A_928, %get3A_929] {strides = array<i32>} : memref<16x1024xf32, #tpu.memory_space<vmem>>, vector<1x16xf32>,
        %get3A_931 = vector.shape_cast %get3A_930 : vector<1x16xf32> to vector<16xf32>
        %get3A_932 = arith.index_cast %scan3A_145 : i32 to index
        %get3A_933 = arith.constant 896 : index
        %get3A_934 = tpu.vector_load %arg12[%get3A_932, %get3A_933] {strides = array<i32>} : memref<16x1024xf32, #tpu.memory_space<vmem>>, vector<1x16xf32>,
        %get3A_935 = vector.shape_cast %get3A_934 : vector<1x16xf32> to vector<16xf32>
        %add3A_936 = arith.addf %get3A_931, %get3A_935 : vector<16xf32>
        %swap3A_937 = arith.index_cast %scan3A_145 : i32 to index
        %swap3A_938 = arith.constant 896 : index
        %swap3A_939 = tpu.vector_load %arg14[%swap3A_937, %swap3A_938] {strides = array<i32>} : memref<16x1024xf32, #tpu.memory_space<vmem>>, vector<1x16xf32>,
        %swap3A_940 = vector.shape_cast %swap3A_939 : vector<1x16xf32> to vector<16xf32>
        %swap3A_941 = vector.shape_cast %add3A_936 : vector<16xf32> to vector<1x16xf32>
        tpu.vector_store %arg14[%swap3A_937, %swap3A_938], %swap3A_941 {strides = array<i32>} : memref<16x1024xf32, #tpu.memory_space<vmem>>, vector<1x16xf32>,
        %get3A_942 = arith.index_cast %scan3A_145 : i32 to index
        %get3A_943 = arith.constant 912 : index
        %get3A_944 = tpu.vector_load %arg10[%get3A_942, %get3A_943] {strides = array<i32>} : memref<16x1024xf32, #tpu.memory_space<vmem>>, vector<1x16xf32>,
        %get3A_945 = vector.shape_cast %get3A_944 : vector<1x16xf32> to vector<16xf32>
        %get3A_946 = arith.index_cast %scan3A_145 : i32 to index
        %get3A_947 = arith.constant 912 : index
        %get3A_948 = tpu.vector_load %arg12[%get3A_946, %get3A_947] {strides = array<i32>} : memref<16x1024xf32, #tpu.memory_space<vmem>>, vector<1x16xf32>,
        %get3A_949 = vector.shape_cast %get3A_948 : vector<1x16xf32> to vector<16xf32>
        %add3A_950 = arith.addf %get3A_945, %get3A_949 : vector<16xf32>
        %swap3A_951 = arith.index_cast %scan3A_145 : i32 to index
        %swap3A_952 = arith.constant 912 : index
        %swap3A_953 = tpu.vector_load %arg14[%swap3A_951, %swap3A_952] {strides = array<i32>} : memref<16x1024xf32, #tpu.memory_space<vmem>>, vector<1x16xf32>,
        %swap3A_954 = vector.shape_cast %swap3A_953 : vector<1x16xf32> to vector<16xf32>
        %swap3A_955 = vector.shape_cast %add3A_950 : vector<16xf32> to vector<1x16xf32>
        tpu.vector_store %arg14[%swap3A_951, %swap3A_952], %swap3A_955 {strides = array<i32>} : memref<16x1024xf32, #tpu.memory_space<vmem>>, vector<1x16xf32>,
        %get3A_956 = arith.index_cast %scan3A_145 : i32 to index
        %get3A_957 = arith.constant 928 : index
        %get3A_958 = tpu.vector_load %arg10[%get3A_956, %get3A_957] {strides = array<i32>} : memref<16x1024xf32, #tpu.memory_space<vmem>>, vector<1x16xf32>,
        %get3A_959 = vector.shape_cast %get3A_958 : vector<1x16xf32> to vector<16xf32>
        %get3A_960 = arith.index_cast %scan3A_145 : i32 to index
        %get3A_961 = arith.constant 928 : index
        %get3A_962 = tpu.vector_load %arg12[%get3A_960, %get3A_961] {strides = array<i32>} : memref<16x1024xf32, #tpu.memory_space<vmem>>, vector<1x16xf32>,
        %get3A_963 = vector.shape_cast %get3A_962 : vector<1x16xf32> to vector<16xf32>
        %add3A_964 = arith.addf %get3A_959, %get3A_963 : vector<16xf32>
        %swap3A_965 = arith.index_cast %scan3A_145 : i32 to index
        %swap3A_966 = arith.constant 928 : index
        %swap3A_967 = tpu.vector_load %arg14[%swap3A_965, %swap3A_966] {strides = array<i32>} : memref<16x1024xf32, #tpu.memory_space<vmem>>, vector<1x16xf32>,
        %swap3A_968 = vector.shape_cast %swap3A_967 : vector<1x16xf32> to vector<16xf32>
        %swap3A_969 = vector.shape_cast %add3A_964 : vector<16xf32> to vector<1x16xf32>
        tpu.vector_store %arg14[%swap3A_965, %swap3A_966], %swap3A_969 {strides = array<i32>} : memref<16x1024xf32, #tpu.memory_space<vmem>>, vector<1x16xf32>,
        %get3A_970 = arith.index_cast %scan3A_145 : i32 to index
        %get3A_971 = arith.constant 944 : index
        %get3A_972 = tpu.vector_load %arg10[%get3A_970, %get3A_971] {strides = array<i32>} : memref<16x1024xf32, #tpu.memory_space<vmem>>, vector<1x16xf32>,
        %get3A_973 = vector.shape_cast %get3A_972 : vector<1x16xf32> to vector<16xf32>
        %get3A_974 = arith.index_cast %scan3A_145 : i32 to index
        %get3A_975 = arith.constant 944 : index
        %get3A_976 = tpu.vector_load %arg12[%get3A_974, %get3A_975] {strides = array<i32>} : memref<16x1024xf32, #tpu.memory_space<vmem>>, vector<1x16xf32>,
        %get3A_977 = vector.shape_cast %get3A_976 : vector<1x16xf32> to vector<16xf32>
        %add3A_978 = arith.addf %get3A_973, %get3A_977 : vector<16xf32>
        %swap3A_979 = arith.index_cast %scan3A_145 : i32 to index
        %swap3A_980 = arith.constant 944 : index
        %swap3A_981 = tpu.vector_load %arg14[%swap3A_979, %swap3A_980] {strides = array<i32>} : memref<16x1024xf32, #tpu.memory_space<vmem>>, vector<1x16xf32>,
        %swap3A_982 = vector.shape_cast %swap3A_981 : vector<1x16xf32> to vector<16xf32>
        %swap3A_983 = vector.shape_cast %add3A_978 : vector<16xf32> to vector<1x16xf32>
        tpu.vector_store %arg14[%swap3A_979, %swap3A_980], %swap3A_983 {strides = array<i32>} : memref<16x1024xf32, #tpu.memory_space<vmem>>, vector<1x16xf32>,
        %get3A_984 = arith.index_cast %scan3A_145 : i32 to index
        %get3A_985 = arith.constant 960 : index
        %get3A_986 = tpu.vector_load %arg10[%get3A_984, %get3A_985] {strides = array<i32>} : memref<16x1024xf32, #tpu.memory_space<vmem>>, vector<1x16xf32>,
        %get3A_987 = vector.shape_cast %get3A_986 : vector<1x16xf32> to vector<16xf32>
        %get3A_988 = arith.index_cast %scan3A_145 : i32 to index
        %get3A_989 = arith.constant 960 : index
        %get3A_990 = tpu.vector_load %arg12[%get3A_988, %get3A_989] {strides = array<i32>} : memref<16x1024xf32, #tpu.memory_space<vmem>>, vector<1x16xf32>,
        %get3A_991 = vector.shape_cast %get3A_990 : vector<1x16xf32> to vector<16xf32>
        %add3A_992 = arith.addf %get3A_987, %get3A_991 : vector<16xf32>
        %swap3A_993 = arith.index_cast %scan3A_145 : i32 to index
        %swap3A_994 = arith.constant 960 : index
        %swap3A_995 = tpu.vector_load %arg14[%swap3A_993, %swap3A_994] {strides = array<i32>} : memref<16x1024xf32, #tpu.memory_space<vmem>>, vector<1x16xf32>,
        %swap3A_996 = vector.shape_cast %swap3A_995 : vector<1x16xf32> to vector<16xf32>
        %swap3A_997 = vector.shape_cast %add3A_992 : vector<16xf32> to vector<1x16xf32>
        tpu.vector_store %arg14[%swap3A_993, %swap3A_994], %swap3A_997 {strides = array<i32>} : memref<16x1024xf32, #tpu.memory_space<vmem>>, vector<1x16xf32>,
        %get3A_998 = arith.index_cast %scan3A_145 : i32 to index
        %get3A_999 = arith.constant 976 : index
        %get3A_1000 = tpu.vector_load %arg10[%get3A_998, %get3A_999] {strides = array<i32>} : memref<16x1024xf32, #tpu.memory_space<vmem>>, vector<1x16xf32>,
        %get3A_1001 = vector.shape_cast %get3A_1000 : vector<1x16xf32> to vector<16xf32>
        %get3A_1002 = arith.index_cast %scan3A_145 : i32 to index
        %get3A_1003 = arith.constant 976 : index
        %get3A_1004 = tpu.vector_load %arg12[%get3A_1002, %get3A_1003] {strides = array<i32>} : memref<16x1024xf32, #tpu.memory_space<vmem>>, vector<1x16xf32>,
        %get3A_1005 = vector.shape_cast %get3A_1004 : vector<1x16xf32> to vector<16xf32>
        %add3A_1006 = arith.addf %get3A_1001, %get3A_1005 : vector<16xf32>
        %swap3A_1007 = arith.index_cast %scan3A_145 : i32 to index
        %swap3A_1008 = arith.constant 976 : index
        %swap3A_1009 = tpu.vector_load %arg14[%swap3A_1007, %swap3A_1008] {strides = array<i32>} : memref<16x1024xf32, #tpu.memory_space<vmem>>, vector<1x16xf32>,
        %swap3A_1010 = vector.shape_cast %swap3A_1009 : vector<1x16xf32> to vector<16xf32>
        %swap3A_1011 = vector.shape_cast %add3A_1006 : vector<16xf32> to vector<1x16xf32>
        tpu.vector_store %arg14[%swap3A_1007, %swap3A_1008], %swap3A_1011 {strides = array<i32>} : memref<16x1024xf32, #tpu.memory_space<vmem>>, vector<1x16xf32>,
        %get3A_1012 = arith.index_cast %scan3A_145 : i32 to index
        %get3A_1013 = arith.constant 992 : index
        %get3A_1014 = tpu.vector_load %arg10[%get3A_1012, %get3A_1013] {strides = array<i32>} : memref<16x1024xf32, #tpu.memory_space<vmem>>, vector<1x16xf32>,
        %get3A_1015 = vector.shape_cast %get3A_1014 : vector<1x16xf32> to vector<16xf32>
        %get3A_1016 = arith.index_cast %scan3A_145 : i32 to index
        %get3A_1017 = arith.constant 992 : index
        %get3A_1018 = tpu.vector_load %arg12[%get3A_1016, %get3A_1017] {strides = array<i32>} : memref<16x1024xf32, #tpu.memory_space<vmem>>, vector<1x16xf32>,
        %get3A_1019 = vector.shape_cast %get3A_1018 : vector<1x16xf32> to vector<16xf32>
        %add3A_1020 = arith.addf %get3A_1015, %get3A_1019 : vector<16xf32>
        %swap3A_1021 = arith.index_cast %scan3A_145 : i32 to index
        %swap3A_1022 = arith.constant 992 : index
        %swap3A_1023 = tpu.vector_load %arg14[%swap3A_1021, %swap3A_1022] {strides = array<i32>} : memref<16x1024xf32, #tpu.memory_space<vmem>>, vector<1x16xf32>,
        %swap3A_1024 = vector.shape_cast %swap3A_1023 : vector<1x16xf32> to vector<16xf32>
        %swap3A_1025 = vector.shape_cast %add3A_1020 : vector<16xf32> to vector<1x16xf32>
        tpu.vector_store %arg14[%swap3A_1021, %swap3A_1022], %swap3A_1025 {strides = array<i32>} : memref<16x1024xf32, #tpu.memory_space<vmem>>, vector<1x16xf32>,
        %get3A_1026 = arith.index_cast %scan3A_145 : i32 to index
        %get3A_1027 = arith.constant 1008 : index
        %get3A_1028 = tpu.vector_load %arg10[%get3A_1026, %get3A_1027] {strides = array<i32>} : memref<16x1024xf32, #tpu.memory_space<vmem>>, vector<1x16xf32>,
        %get3A_1029 = vector.shape_cast %get3A_1028 : vector<1x16xf32> to vector<16xf32>
        %get3A_1030 = arith.index_cast %scan3A_145 : i32 to index
        %get3A_1031 = arith.constant 1008 : index
        %get3A_1032 = tpu.vector_load %arg12[%get3A_1030, %get3A_1031] {strides = array<i32>} : memref<16x1024xf32, #tpu.memory_space<vmem>>, vector<1x16xf32>,
        %get3A_1033 = vector.shape_cast %get3A_1032 : vector<1x16xf32> to vector<16xf32>
        %add3A_1034 = arith.addf %get3A_1029, %get3A_1033 : vector<16xf32>
        %swap3A_1035 = arith.index_cast %scan3A_145 : i32 to index
        %swap3A_1036 = arith.constant 1008 : index
        %swap3A_1037 = tpu.vector_load %arg14[%swap3A_1035, %swap3A_1036] {strides = array<i32>} : memref<16x1024xf32, #tpu.memory_space<vmem>>, vector<1x16xf32>,
        %swap3A_1038 = vector.shape_cast %swap3A_1037 : vector<1x16xf32> to vector<16xf32>
        %swap3A_1039 = vector.shape_cast %add3A_1034 : vector<16xf32> to vector<1x16xf32>
        tpu.vector_store %arg14[%swap3A_1035, %swap3A_1036], %swap3A_1039 {strides = array<i32>} : memref<16x1024xf32, #tpu.memory_space<vmem>>, vector<1x16xf32>,
      }
      %scan3A_135 = arith.constant 16 : i32
      %mul3A_136 = arith.constant 16 : i32
      %mul3A_137 = arith.muli %add3A_109, %mul3A_136 : i32
      %add3A_138 = arith.addi %mul3A_32, %mul3A_137 : i32
      %dma_start3A_139 = arith.constant 0 : i32
      %dma_start3A_140 = tpu.memref_slice %arg6[%select_n3A, %add3A_138, %dma_start3A_139] : memref<4x2048x1024xf32, #tpu.memory_space<hbm>> -> memref<1x16x1024xf32, #tpu.memory_space<hbm>>
      %dma_start3A_141 = tpu.memref_squeeze %dma_start3A_140 : memref<1x16x1024xf32, #tpu.memory_space<hbm>> -> memref<16x1024xf32, #tpu.memory_space<hbm>>
      %dma_start3A_142 = arith.constant 0 : i32
      %dma_start3A_143 = tpu.memref_slice %arg6[%select_n3A, %add3A_138, %dma_start3A_142] : memref<4x2048x1024xf32, #tpu.memory_space<hbm>> -> memref<1x16x1024xf32, #tpu.memory_space<hbm>>
      %dma_start3A_144 = tpu.memref_squeeze %dma_start3A_143 : memref<1x16x1024xf32, #tpu.memory_space<hbm>> -> memref<16x1024xf32, #tpu.memory_space<hbm>>
      tpu.enqueue_dma source(%arg14 : memref<16x1024xf32, #tpu.memory_space<vmem>>) target(%dma_start3A_144 : memref<16x1024xf32, #tpu.memory_space<hbm>>) target_semaphore(%arg20 : memref<!tpu.dma_semaphore, #tpu.memory_space<semaphore_mem>>)
    }
    %scan3A_46 = arith.constant 8 : i32
    %add3A_47 = arith.constant 224 : i32
    %add3A_48 = arith.addi %mul3A_32, %add3A_47 : i32
    %dma_wait3A = arith.constant 0 : i32
    %dma_wait3A_49 = tpu.memref_slice %arg6[%select_n3A, %add3A_48, %dma_wait3A] : memref<4x2048x1024xf32, #tpu.memory_space<hbm>> -> memref<1x16x1024xf32, #tpu.memory_space<hbm>>
    %dma_wait3A_50 = tpu.memref_squeeze %dma_wait3A_49 : memref<1x16x1024xf32, #tpu.memory_space<hbm>> -> memref<16x1024xf32, #tpu.memory_space<hbm>>
    %dma_wait3A_51 = arith.constant 0 : i32
    %dma_wait3A_52 = tpu.memref_slice %arg6[%select_n3A, %add3A_48, %dma_wait3A_51] : memref<4x2048x1024xf32, #tpu.memory_space<hbm>> -> memref<1x16x1024xf32, #tpu.memory_space<hbm>>
    %dma_wait3A_53 = tpu.memref_squeeze %dma_wait3A_52 : memref<1x16x1024xf32, #tpu.memory_space<hbm>> -> memref<16x1024xf32, #tpu.memory_space<hbm>>
    tpu.wait_dma2 semaphore(%arg19 : memref<!tpu.dma_semaphore, #tpu.memory_space<semaphore_mem>>) src(%arg13 : memref<16x1024xf32, #tpu.memory_space<vmem>>) dst(%dma_wait3A_53 : memref<16x1024xf32, #tpu.memory_space<hbm>>)
    %add3A_54 = arith.constant 240 : i32
    %add3A_55 = arith.addi %mul3A_32, %add3A_54 : i32
    %dma_wait3A_56 = arith.constant 0 : i32
    %dma_wait3A_57 = tpu.memref_slice %arg6[%select_n3A, %add3A_55, %dma_wait3A_56] : memref<4x2048x1024xf32, #tpu.memory_space<hbm>> -> memref<1x16x1024xf32, #tpu.memory_space<hbm>>
    %dma_wait3A_58 = tpu.memref_squeeze %dma_wait3A_57 : memref<1x16x1024xf32, #tpu.memory_space<hbm>> -> memref<16x1024xf32, #tpu.memory_space<hbm>>
    %dma_wait3A_59 = arith.constant 0 : i32
    %dma_wait3A_60 = tpu.memref_slice %arg6[%select_n3A, %add3A_55, %dma_wait3A_59] : memref<4x2048x1024xf32, #tpu.memory_space<hbm>> -> memref<1x16x1024xf32, #tpu.memory_space<hbm>>
    %dma_wait3A_61 = tpu.memref_squeeze %dma_wait3A_60 : memref<1x16x1024xf32, #tpu.memory_space<hbm>> -> memref<16x1024xf32, #tpu.memory_space<hbm>>
    tpu.wait_dma2 semaphore(%arg20 : memref<!tpu.dma_semaphore, #tpu.memory_space<semaphore_mem>>) src(%arg14 : memref<16x1024xf32, #tpu.memory_space<vmem>>) dst(%dma_wait3A_61 : memref<16x1024xf32, #tpu.memory_space<hbm>>)
    return
  }
}

</mosaic_0001>

<sc_bundles>
// kernel: kernel.3.cloned.1.call-start
scs
__scs_entry_jumppad:
0x0: {  	(pc) =	sbr.rel $0x88, $3  }
0x1: {  	(tag) =	ssettag $0x0;
	lr =	simm.s32 $0x1  }
0x2: {  	[smem:$0x3F9D] =	sst lr;
	_ =	strace $0xD0000000  }
0x3: {  	_ = 	snop  }
0x4: {  	_ = 	snop  }
0x5: {  	_ = 	snop  }
0x6: {  	_ = 	snop  }
0x7: {  	_ = 	snop  }
__scs_overlays_trampoline_lowered:
0x8: {  	[smem:$0x3FAC] =	sst s0  }
0x9: {  	[smem:$0x3FAD] =	sst s1  }
0xa: {  	[smem:$0x3FAE] =	sst s2  }
0xb: {  	[smem:$0x3FAF] =	sst s3  }
0xc: {  	[smem:$0x3FB0] =	sst s4  }
0xd: {  	[smem:$0x3FB1] =	sst s5  }
0xe: {  	[smem:$0x3FB2] =	sst s6  }
0xf: {  	[smem:$0x3FB3] =	sst s7  }
0x10: {  	[smem:$0x3FB4] =	sst s8  }
0x11: {  	[smem:$0x3FB5] =	sst s9;
	s0 =	simm.s32 @!p0 $0x0  }
0x12: {  	s1 =	sld [smem:$0x3F9B];
	s0 =	simm.s32 @p0 $0x1  }
0x13: {  	[smem:$0x3FB6] =	sst s0;
	s0 =	simm.s32 @!p1 $0x0  }
0x14: {  	s2 =	sld [smem:$0x3F9A];
	s0 =	simm.s32 @p1 $0x1  }
0x15: {  	[smem:$0x3FB7] =	sst s0;
	s0 =	simm.s32 @!p2 $0x0  }
0x16: {  	s3 =	sld [smem:$0x3FDB];
	s0 =	simm.s32 @p2 $0x1  }
0x17: {  	s4 =	simm.s32 $0x1BF5;
	[smem:$0x3FB9] =	sst s0  }
0x18: {  	s0 =	sld [smem:$0x3F9C];
	_ =	swait.ge [sflag:s4], $0x0  }
0x19: {  	s7 =	sld [smem:$0x3F9D]  }
0x1a: {  	s8 =	sadd.s32 $0xFFFFE003, lr  }
0x1b: {  	s9 =	sadd.s32 $0xFFFFFEF7, lr;
	s5 =	simm.s32 $0xFFFFFFFF;
	p2 =	slt.u32 s8, $0xFFFFF086  }
0x1c: {  	p1 =	slt.u32 s9, $0xF7A;
	s5 =	simm.s32 @!p2 $0x0  }
0x1d: {  	s5 =	simm.s32 @p1 $0x1;
	p0 =	seq.s32 s7, s2  }
0x1e: {  	s7 =	smul.u32 @!p0 $0xF7A, s2;
	p2 =	seq.s32 @!p0 s5, $0x0  }
0x1f: {  	s9 =	smul.u32 $0xF7A, s1;
	s8 =	simm.s32 @!p0 $0x1BF5;
	p2 =	por !p2, p0  }
0x20: {  	[sflag:s8] =	ssyncset.s32 @!p0 $0xFFFFF086;
	s6 =	sadd.s32 @!p0 s3, s7;
	s7 =	simm.s32 @!p0 $0x108  }
0x21: {  	s3 =	sadd.s32 s3, s9;
	s6 =	sadd.s32 @!p0 $0x88, s6;
	s7 =	simm.s32 @p2 $0x1082  }
0x22: {  	[simem:s7], [sflag:s8] =	dma.local @!p0 [hbm:s6], $0xF7A  }
0x23: {  	s9 =	sor.u32 $0xD0000000, s2;
	s6 =	simm.s32 $0x108;
	_ =	swait.ge @!p0 [sflag:s8], $0x0  }
0x24: {  	s3 =	sadd.s32 $0x88, s3;
	s6 =	simm.s32 @!p1 $0x1082;
	[sflag:s4] =	ssyncset.s32 $0xFFFFF086  }
0x25: {  	[simem:s6], [sflag:s4] =	dma.local [hbm:s3], $0xF7A  }
0x26: {  	[smem:$0x3F9D] =	sst s1;
	(tag) =	ssettag s2;
	_ =	strace s9  }
0x27: {  	s1 =	sld [smem:$0x3FAD]  }
0x28: {  	s2 =	sld [smem:$0x3FAE]  }
0x29: {  	s4 =	sld [smem:$0x3FB0]  }
0x2a: {  	p0 =	seq.s32 s5, $0x0;
	s5 =	sld [smem:$0x3FB1]  }
0x2b: {  	s6 =	sld [smem:$0x3FB2]  }
0x2c: {  	s7 =	sld [smem:$0x3FB3]  }
0x2d: {  	s3 =	simm.s32 $0x108;
	s8 =	sld [smem:$0x3FB4]  }
0x2e: {  	s3 =	simm.s32 @!p0 $0x1082;
	s9 =	sld [smem:$0x3FB5]  }
0x2f: {  	lr =	sadd.s32 s0, s3;
	s0 =	sld [smem:$0x3FAC]  }
0x30: {  	s3 =	sld [smem:$0x3FAF]  }
0x31: {  	[smem:$0x3FB8] =	sst s10  }
0x32: {  	s10 =	sld [smem:$0x3FB6];
	_ =	sdelay $0x3  }
0x33: {  	p0 =	seq.s32 s10, $0x1;
	s10 =	sld [smem:$0x3FB8];
	_ =	sdelay $0x3  }
0x34: {  	[smem:$0x3FB8] =	sst s10  }
0x35: {  	s10 =	sld [smem:$0x3FB7];
	_ =	sdelay $0x3  }
0x36: {  	p1 =	seq.s32 s10, $0x1;
	s10 =	sld [smem:$0x3FB8];
	_ =	sdelay $0x3  }
0x37: {  	[smem:$0x3FB8] =	sst s10  }
0x38: {  	s10 =	sld [smem:$0x3FB9]  }
0x39: {  	_ = 	snop;
	(pc) =	sbr.ind lr, $3  }
0x3a: {  	_ = 	snop  }
0x3b: {  	_ = 	snop  }
0x3c: {  	p2 =	seq.s32 s10, $0x1;
	s10 =	sld [smem:$0x3FB8]  }
0x3d: {  	_ =	shalt  }
0x3e: {  	_ =	shalt  }
0x3f: {  	_ =	shalt  }
0x40: {  	_ =	shalt  }
0x41: {  	_ =	shalt  }
0x42: {  	_ =	shalt  }
0x43: {  	_ =	shalt  }
0x44: {  	_ =	shalt  }
0x45: {  	_ =	shalt  }
0x46: {  	_ =	shalt  }
0x47: {  	_ =	shalt  }
0x48: {  	_ =	shalt  }
0x49: {  	_ =	shalt  }
0x4a: {  	_ =	shalt  }
0x4b: {  	_ =	shalt  }
0x4c: {  	_ =	shalt  }
0x4d: {  	_ =	shalt  }
0x4e: {  	_ =	shalt  }
0x4f: {  	_ =	shalt  }
0x50: {  	_ =	shalt  }
0x51: {  	_ =	shalt  }
0x52: {  	_ =	shalt  }
0x53: {  	_ =	shalt  }
0x54: {  	_ =	shalt  }
0x55: {  	_ =	shalt  }
0x56: {  	_ =	shalt  }
0x57: {  	_ =	shalt  }
0x58: {  	_ =	shalt  }
0x59: {  	_ =	shalt  }
0x5a: {  	_ =	shalt  }
0x5b: {  	_ =	shalt  }
0x5c: {  	_ =	shalt  }
0x5d: {  	_ =	shalt  }
0x5e: {  	_ =	shalt  }
0x5f: {  	_ =	shalt  }
0x60: {  	_ =	shalt  }
0x61: {  	_ =	shalt  }
0x62: {  	_ =	shalt  }
0x63: {  	_ =	shalt  }
0x64: {  	_ =	shalt  }
0x65: {  	_ =	shalt  }
0x66: {  	_ =	shalt  }
0x67: {  	_ =	shalt  }
0x68: {  	_ =	shalt  }
0x69: {  	_ =	shalt  }
0x6a: {  	_ =	shalt  }
0x6b: {  	_ =	shalt  }
0x6c: {  	_ =	shalt  }
0x6d: {  	_ =	shalt  }
0x6e: {  	_ =	shalt  }
0x6f: {  	_ =	shalt  }
0x70: {  	_ =	shalt  }
0x71: {  	_ =	shalt  }
0x72: {  	_ =	shalt  }
0x73: {  	_ =	shalt  }
0x74: {  	_ =	shalt  }
0x75: {  	_ =	shalt  }
0x76: {  	_ =	shalt  }
0x77: {  	_ =	shalt  }
0x78: {  	_ =	shalt  }
0x79: {  	_ =	shalt  }
0x7a: {  	_ =	shalt  }
0x7b: {  	_ =	shalt  }
0x7c: {  	_ =	shalt  }
0x7d: {  	_ =	shalt  }
0x7e: {  	_ =	shalt  }
0x7f: {  	_ =	shalt  }
0x80: {  	_ =	shalt  }
0x81: {  	_ =	shalt  }
0x82: {  	_ =	shalt  }
0x83: {  	_ =	shalt  }
0x84: {  	_ =	shalt  }
0x85: {  	_ =	shalt  }
0x86: {  	_ =	shalt  }
0x87: {  	_ =	shalt  }
.Lfunc_end0:
.L_simem_size_0:
called_computation_lowered:
.L_overlay_start_0:
0x88: {  	s2 =	sld [smem:$0x3FD9]  }
0x89: {  	s3 =	sld [smem:$0x3FFE];
	_ =	sdelay $0x1  }
0x8a: {  	s1 =	srdreg.scid  }
0x8b: {  	s0 =	sand.u32 $0x1, s1  }
0x8c: {  	s18 =	sshll.u32 s0, $0xA;
	s2 =	sadd.s32 s3, s2  }
0x8d: {  	s2 =	sadd.s32 s2, s18  }
0x8e: {  	[smem:$0x3FC4] =	sst s2  }
0x8f: {  	_ = 	snop  }
0x90: {  	s2 =	sld [smem:$0x3FC9]  }
0x91: {  	s19 =	sld [smem:$0x3FC8]  }
0x92: {  	s4 =	sld [smem:$0x3FC7]  }
0x93: {  	s5 =	sld [smem:$0x3FC6]  }
0x94: {  	s6 =	sld [smem:$0x3FD0];
	(tm) =	ssettm $0x1  }
0x95: {  	s7 =	sld [smem:$0x3FFB];
	_ =	sdelay $0x3  }
0x96: {  	_ =	strace s7  }
0x97: {  	s7 =	sld [smem:$0x3FFC];
	_ =	sdelay $0x3  }
0x98: {  	_ =	strace s7  }
0x99: {  	s7 =	sld [smem:$0x3FFD];
	_ =	sdelay $0x3  }
0x9a: {  	_ =	strace s7  }
0x9b: {  	_ =	strace $0x8FFFFFFF  }
0x9c: {  	s20 =	sld [smem:$0x3FDB];
	_ =	sdelay $0x1  }
0x9d: {  	s8 =	simm.s32 $_scs_section_size  }
0x9e: {  	s9 =	simm.s32 $_size__tile_overlayer_lowered;
	s10 =	simm.s32 $_tile_overlayer_lowered  }
0x9f: {  	s23 =	simm.s32 $0x1BFF;
	s22 =	sshll.u32 s10, $0x1;
	s7 =	sadd.s32 s8, s20  }
0xa0: {  	s11 =	simm.s32 $0x0;
	s21 =	sshll.u32 s9, $0x1;
	s9 =	sadd.s32 s22, s7  }
0xa1: {  	[timem:s11], [sflag:s23] =	dma.local [hbm:s9], s21  }
0xa2: {  	_ =	swait.ge [sflag:s23], s21  }
0xa3: {  	s8 =	ssub.s32 $0x0, s21;
	[sflag:s23] =	ssyncset.done $0x0  }
0xa4: {  	[sflag:s23] =	ssyncadd.s32 s8;
	_ =	sdelay $0x1  }
0xa5: {  	s24 =	simm.s32 $0x1B8B  }
0xa6: {  	_ =	swait.ge [sflag:s24], $0x1  }
0xa7: {  	[sflag:s24] =	ssyncset.done $0x0  }
0xa8: {  	s25 =	simm.s32 $0x1B8E;
	[sflag:s24] =	ssyncadd.s32 $0xFFFFFFFF  }
0xa9: {  	s26 =	simm.s32 $execute0_lowered;
	[smem:$0x3FD2] =	sst s25  }
0xaa: {  	s8 =	sshll.u32 s26, $0x1;
	_ =	strace $0x80000046;
	[dreg:$0x1] =	wrdreg $0xFFFFFFFF  }
0xab: {  	s28 =	simm.s32 $_size_execute0_lowered;
	s7 =	sadd.s32 s7, s8;
	[dreg:$0x0] =	wrdreg $0x0  }
0xac: {  	s8 =	sshll.u32 s28, $0x1;
	[dreg:$0x2] =	wrdreg s7  }
0xad: {  	[dreg:$0x3] =	wrdreg s8  }
0xae: {  	[dreg:$0x4] =	wrdreg $0xC0  }
0xaf: {  	_ =	task [dreg:s11], $0x5FFFF  }
0xb0: {  	[dreg:$0x1] =	wrdreg $0xFFFFFFFF  }
0xb1: {  	[dreg:$0x0] =	wrdreg $0x60  }
0xb2: {  	[dreg:$0x2] =	wrdreg s2  }
0xb3: {  	[dreg:$0x3] =	wrdreg s19  }
0xb4: {  	[dreg:$0x4] =	wrdreg s4  }
0xb5: {  	[dreg:$0x5] =	wrdreg s5  }
0xb6: {  	[dreg:$0x6] =	wrdreg s6  }
0xb7: {  	[dreg:$0x7] =	wrdreg $0x9  }
0xb8: {  	_ =	task.clear_ibuf [dreg:s11], $0x8FFFF;
	_ =	strace $0x90000046  }
0xb9: {  	s29 =	simm.s32 $0x9;
	_ =	strace $0x80000048  }
0xba: {  	_ =	swait.ge [sflag:s29], $0x1  }
0xbb: {  	[sflag:s29] =	ssyncadd.s32 $0xFFFFFFFF  }
0xbc: {  	_ =	strace $0x90000048  }
0xbd: {  	_ =	sfence  }
0xbe: {  	s30 =	sld [smem:$0x0];
	_ =	sdelay $0x2  }
0xbf: {  	s31 =	sshll.u32 s1, $0xD;
	s1 =	sshrl.u32 s1, $0x2  }
0xc0: {  	s3 =	sand.u32 $0x4000, s31;
	s1 =	sadd.s32 s1, s30  }
0xc1: {  	s0 =	sor.u32 s3, s0;
	s1 =	sshll.u32 s1, $0x11  }
0xc2: {  	s0 =	sor.u32 s1, s0  }
0xc3: {  	s0 =	sadd.s32 $0x8F2B, s0  }
0xc4: {  	[sflag:s0] =	ssyncadd.remote.s32 $0x1  }
0xc5: {  	_ =	sfence.sel $0xFFFF  }
0xc6: {  	[dreg:$0x0] =	wrdreg $0xFFFFFFFF;
	(pc) =	sbr.abs _section_cstart, $3  }
0xc7: {  	[dreg:$0x1] =	wrdreg $0xFFFFFFFF  }
0xc8: {  	_ =	task.clear_ibuf [dreg:s11], $0x2FFFF;
	_ =	strace $0x9FFFFFFF  }
0xc9: {  	(tm) =	ssettm $0x7FFFFFFF  }
tec
execute0_lowered:
.L_overlay_start_1:
0x0: {  	(tag) =	ssettag $0x1  }
0x1: {  	s0 =	rddreg [dreg:$0x0]  }
0x2: {  	s1 =	rddreg [dreg:$0x1]  }
0x3: {  	s2 =	rddreg [dreg:$0x2]  }
0x4: {  	s3 =	rddreg [dreg:$0x3]  }
0x5: {  	s4 =	rddreg [dreg:$0x4];
	s8 =	stileid.u32  }
0x6: {  	s6 =	srdreg.scid;
	s5 =	simm.s32 $0x0;
	s19 =	simm.s32 $0xE200  }
0x7: {  	s20 =	simm.s32 $0xEA00;
	s16 =	simm.s32 $0xF200;
	s15 =	simm.s32 $0x3  }
0x8: {  	s17 =	simm.s32 $0x10200;
	s18 =	simm.s32 $0x2;
	s21 =	simm.s32 $0x4  }
0x9: {  	s22 =	simm.s32 $0x14200;
	s24 =	simm.s32 $0x0;
	s7 =	sshll.u32 s8, $0x1  }
0xa: {  	s6 =	sand.u32 $0x1, s6;
	[smem:$0x7FF] =	sst s5;
	s12 =	sshrl.u32 s8, $0x2  }
0xb: {  	s11 =	sadd.s32 $0x100, s3;
	s13 =	sadd.s32 $0x300, s3;
	s7 =	sand.u32 $0x6, s7  }
0xc: {  	s9 =	sshll.u32 s12, $0x4;
	_ =	strace $0x80000047;
	s29 =	sshll.u32 s12, $0x15  }
0xd: {  	s12 =	sadd.s32 $0x200, s3;
	s7 =	sor.u32 s6, s7;
	s6 =	ssub.s32 $0x2, s6  }
0xe: {  	s26 =	sshll.u32 s7, $0x7;
	s10 =	sshrl.u32 s6, $0x1;
	s30 =	sshll.u32 s7, $0x12  }
0xf: {  	s7 =	simm.s32 $0x1;
	s8 =	sor.u32 s9, s26;
	s6 =	ssub.s32 s6, s10  }
0x10: {  	s9 =	sadd.s32 $0x200, s2;
	s10 =	sadd.s32 $0x300, s2;
	s0 =	sadd.s32 s0, s8  }
0x11: {  	v2 =	vlaneseq.u32;
	s14 =	sor.u32 s29, s30;
	s28 =	sadd.s32 s1, s8;
	[dreg:$0x6] =	wrdreg s0  }
0x12: {  	vm0 =	vmmov $0xffff;
	v1 =	vshrl.u32 v2, $0x3;
	s8 =	sadd.s32 $0x100, s2;
	s31 =	smax.u32 s6, $0x1;
	[dreg:$0x7] =	wrdreg s28  }
0x13: {  	v0 =	vand.u32 $0x7, v2;
	v2 =	vor.u32 $0x8, v2;
	v1 =	vmul.u32 $0x8, v1;
	s1 =	simm.s32 $0xDA00;
	s6 =	simm.s32 $0xFA00;
	[dreg:$0x8] =	wrdreg s31  }
.LBB2_1:
0x14: {  	[dreg:$0x9] =	wrdreg s24  }
0x15: {  	s0 =	rddreg [dreg:$0x6]  }
0x16: {  	s23 =	simm.s32 $0x80;
	s30 =	simm.s32 $0x200;
	s25 =	simm.s32 $0x7  }
0x17: {  	[tilespmem:s5], [sflag:$0x7] =	stream.strided.gather [hbm4b:s0+s23], $0x100, s30, s23, $0x38;
	[tilespmem:$0x18200] =	vst v63  }
0x18: {  	_ =	swait.ge [sflag:s25], $0x100  }
0x19: {  	[sflag:s25] =	ssyncset.done $0x0  }
0x1a: {  	s26 =	simm.s32 $0x100;
	s31 =	rddreg [dreg:$0x7];
	[sflag:s25] =	ssyncadd.s32 $0xFFFFFF00  }
0x1b: {  	[tilespmem:s26], [sflag:$0x7] =	stream.strided.gather [hbm4b:s31+s23], $0x100, s30, s23, $0x38;
	[tilespmem:$0x18200] =	vst v63  }
0x1c: {  	_ =	swait.ge [sflag:s25], $0x100  }
0x1d: {  	[sflag:s25] =	ssyncset.done $0x0  }
0x1e: {  	[sflag:s25] =	ssyncadd.s32 $0xFFFFFF00  }
0x1f: {  	v3 =	vld [tilespmem:$0x0];
	_ =	sdelay $0x4  }
0x20: {  	v4 =	vshll.u32 v3, $0x3  }
0x21: {  	v3 =	vand.u32 $0x7, v3;
	v4 =	vand.u32 $0xFFFFFFC0, v4  }
0x22: {  	v3 =	vor.u32 v3, v4  }
0x23: {  	v4 =	vperm.xlane v3, v0;
	_ =	sdelay $0x1  }
0x24: {  	v4 =	vadd.s32 v1, v4;
	_ =	sdelay $0x4  }
0x25: {  	[tilespmem:s30], [sflag:$0x1] =	stream.indirect_vreg.gather [hbm4b:s2+s5], $0x80, v4, vm0, $0xb8;
	[tilespmem:$0x18200] =	vst v63  }
0x26: {  	s24 =	simm.s32 $0xA00;
	v3 =	vperm.xlane v3, v2  }
0x27: {  	[tilespmem:s24], [sflag:$0x1] =	stream.indirect_vreg.gather [hbm4b:s8+s5], $0x80, v4, vm0, $0xb8;
	[tilespmem:$0x18200] =	vst v63  }
0x28: {  	s25 =	simm.s32 $0x1200;
	v3 =	vadd.s32 v1, v3  }
0x29: {  	[tilespmem:s25], [sflag:$0x1] =	stream.indirect_vreg.gather [hbm4b:s9+s5], $0x80, v4, vm0, $0xb8;
	[tilespmem:$0x18200] =	vst v63  }
0x2a: {  	s26 =	simm.s32 $0x1A00  }
0x2b: {  	[tilespmem:s26], [sflag:$0x1] =	stream.indirect_vreg.gather [hbm4b:s10+s5], $0x80, v4, vm0, $0xb8;
	[tilespmem:$0x18200] =	vst v63  }
0x2c: {  	s28 =	simm.s32 $0x2200  }
0x2d: {  	[tilespmem:s28], [sflag:$0x1] =	stream.indirect_vreg.gather [hbm4b:s2+s5], $0x80, v3, vm0, $0xb8;
	[tilespmem:$0x18200] =	vst v63  }
0x2e: {  	s29 =	simm.s32 $0x2A00  }
0x2f: {  	[tilespmem:s29], [sflag:$0x1] =	stream.indirect_vreg.gather [hbm4b:s8+s5], $0x80, v3, vm0, $0xb8;
	[tilespmem:$0x18200] =	vst v63  }
0x30: {  	s30 =	simm.s32 $0x3200  }
0x31: {  	[tilespmem:s30], [sflag:$0x1] =	stream.indirect_vreg.gather [hbm4b:s9+s5], $0x80, v3, vm0, $0xb8;
	[tilespmem:$0x18200] =	vst v63  }
0x32: {  	s31 =	simm.s32 $0x3A00  }
0x33: {  	[tilespmem:s31], [sflag:$0x1] =	stream.indirect_vreg.gather [hbm4b:s10+s5], $0x80, v3, vm0, $0xb8;
	[tilespmem:$0x18200] =	vst v63  }
0x34: {  	v3 =	vld [tilespmem:$0x100];
	_ =	sdelay $0x4  }
0x35: {  	v63 =	vshll.u32 v3, $0x3  }
0x36: {  	v3 =	vand.u32 $0x7, v3;
	v4 =	vand.u32 $0xFFFFFFC0, v63  }
0x37: {  	v3 =	vor.u32 v3, v4  }
0x38: {  	v4 =	vperm.xlane v3, v0;
	_ =	sdelay $0x1  }
0x39: {  	v4 =	vadd.s32 v1, v4;
	_ =	sdelay $0x3  }
0x3a: {  	s23 =	simm.s32 $0x8200  }
0x3b: {  	[tilespmem:s23], [sflag:$0x3] =	stream.indirect_vreg.gather [hbm4b:s3+s5], $0x80, v4, vm0, $0xb8;
	[tilespmem:$0x18200] =	vst v63  }
0x3c: {  	s24 =	simm.s32 $0x8A00;
	v3 =	vperm.xlane v3, v2  }
0x3d: {  	[tilespmem:s24], [sflag:$0x3] =	stream.indirect_vreg.gather [hbm4b:s11+s5], $0x80, v4, vm0, $0xb8;
	[tilespmem:$0x18200] =	vst v63  }
0x3e: {  	s25 =	simm.s32 $0x9200;
	v3 =	vadd.s32 v1, v3  }
0x3f: {  	[tilespmem:s25], [sflag:$0x3] =	stream.indirect_vreg.gather [hbm4b:s12+s5], $0x80, v4, vm0, $0xb8;
	[tilespmem:$0x18200] =	vst v63  }
0x40: {  	s26 =	simm.s32 $0x9A00  }
0x41: {  	[tilespmem:s26], [sflag:$0x3] =	stream.indirect_vreg.gather [hbm4b:s13+s5], $0x80, v4, vm0, $0xb8;
	[tilespmem:$0x18200] =	vst v63  }
0x42: {  	s28 =	simm.s32 $0xA200  }
0x43: {  	[tilespmem:s28], [sflag:$0x3] =	stream.indirect_vreg.gather [hbm4b:s3+s5], $0x80, v3, vm0, $0xb8;
	[tilespmem:$0x18200] =	vst v63  }
0x44: {  	s29 =	simm.s32 $0xAA00  }
0x45: {  	[tilespmem:s29], [sflag:$0x3] =	stream.indirect_vreg.gather [hbm4b:s11+s5], $0x80, v3, vm0, $0xb8;
	[tilespmem:$0x18200] =	vst v63  }
0x46: {  	s30 =	simm.s32 $0xB200  }
0x47: {  	[tilespmem:s30], [sflag:$0x3] =	stream.indirect_vreg.gather [hbm4b:s12+s5], $0x80, v3, vm0, $0xb8;
	[tilespmem:$0x18200] =	vst v63  }
0x48: {  	s31 =	simm.s32 $0xBA00;
	s23 =	simm.s32 $0x0  }
0x49: {  	[tilespmem:s31], [sflag:$0x3] =	stream.indirect_vreg.gather [hbm4b:s13+s5], $0x80, v3, vm0, $0xb8;
	[tilespmem:$0x18200] =	vst v63  }
.LBB2_2:
0x4a: {  	s25 =	sshll.u32 s23, $0x5  }
0x4b: {  	v3 =	vld [tilespmem:s25+$0x10];
	_ =	sdelay $0x4  }
0x4c: {  	v4 =	vshll.u32 v3, $0x3  }
0x4d: {  	v3 =	vand.u32 $0x7, v3;
	v4 =	vand.u32 $0xFFFFFFC0, v4  }
0x4e: {  	v3 =	vor.u32 v3, v4  }
0x4f: {  	v4 =	vperm.xlane v3, v0;
	_ =	sdelay $0x1  }
0x50: {  	v4 =	vadd.s32 v1, v4;
	_ =	sdelay $0x3  }
0x51: {  	s0 =	simm.s32 $0x4200  }
0x52: {  	[tilespmem:s0], [sflag:$0x2] =	stream.indirect_vreg.gather [hbm4b:s2+s5], $0x80, v4, vm0, $0xb8;
	[tilespmem:$0x18200] =	vst v63  }
0x53: {  	s31 =	simm.s32 $0x4A00;
	v3 =	vperm.xlane v3, v2  }
0x54: {  	[tilespmem:s31], [sflag:$0x2] =	stream.indirect_vreg.gather [hbm4b:s8+s5], $0x80, v4, vm0, $0xb8;
	[tilespmem:$0x18200] =	vst v63  }
0x55: {  	s24 =	simm.s32 $0x5200;
	v3 =	vadd.s32 v1, v3  }
0x56: {  	[tilespmem:s24], [sflag:$0x2] =	stream.indirect_vreg.gather [hbm4b:s9+s5], $0x80, v4, vm0, $0xb8;
	[tilespmem:$0x18200] =	vst v63  }
0x57: {  	s26 =	simm.s32 $0x5A00  }
0x58: {  	[tilespmem:s26], [sflag:$0x2] =	stream.indirect_vreg.gather [hbm4b:s10+s5], $0x80, v4, vm0, $0xb8;
	[tilespmem:$0x18200] =	vst v63  }
0x59: {  	s31 =	simm.s32 $0x6200  }
0x5a: {  	[tilespmem:s31], [sflag:$0x2] =	stream.indirect_vreg.gather [hbm4b:s2+s5], $0x80, v3, vm0, $0xb8;
	[tilespmem:$0x18200] =	vst v63  }
0x5b: {  	s24 =	simm.s32 $0x6A00  }
0x5c: {  	[tilespmem:s24], [sflag:$0x2] =	stream.indirect_vreg.gather [hbm4b:s8+s5], $0x80, v3, vm0, $0xb8;
	[tilespmem:$0x18200] =	vst v63  }
0x5d: {  	s26 =	simm.s32 $0x7200  }
0x5e: {  	[tilespmem:s26], [sflag:$0x2] =	stream.indirect_vreg.gather [hbm4b:s9+s5], $0x80, v3, vm0, $0xb8;
	[tilespmem:$0x18200] =	vst v63  }
0x5f: {  	s31 =	simm.s32 $0x7A00  }
0x60: {  	[tilespmem:s31], [sflag:$0x2] =	stream.indirect_vreg.gather [hbm4b:s10+s5], $0x80, v3, vm0, $0xb8;
	[tilespmem:$0x18200] =	vst v63  }
0x61: {  	v3 =	vld [tilespmem:s25+$0x110];
	_ =	sdelay $0x4  }
0x62: {  	v63 =	vshll.u32 v3, $0x3  }
0x63: {  	v3 =	vand.u32 $0x7, v3;
	v4 =	vand.u32 $0xFFFFFFC0, v63  }
0x64: {  	v3 =	vor.u32 v3, v4  }
0x65: {  	v4 =	vperm.xlane v3, v0;
	_ =	sdelay $0x1  }
0x66: {  	v4 =	vadd.s32 v1, v4;
	_ =	sdelay $0x3  }
0x67: {  	s24 =	simm.s32 $0xC200  }
0x68: {  	[tilespmem:s24], [sflag:$0x4] =	stream.indirect_vreg.gather [hbm4b:s3+s5], $0x80, v4, vm0, $0xb8;
	[tilespmem:$0x18200] =	vst v63  }
0x69: {  	s26 =	simm.s32 $0xCA00;
	v3 =	vperm.xlane v3, v2  }
0x6a: {  	[tilespmem:s26], [sflag:$0x4] =	stream.indirect_vreg.gather [hbm4b:s11+s5], $0x80, v4, vm0, $0xb8;
	[tilespmem:$0x18200] =	vst v63  }
0x6b: {  	s31 =	simm.s32 $0xD200;
	v3 =	vadd.s32 v1, v3  }
0x6c: {  	[tilespmem:s31], [sflag:$0x4] =	stream.indirect_vreg.gather [hbm4b:s12+s5], $0x80, v4, vm0, $0xb8;
	[tilespmem:$0x18200] =	vst v63  }
0x6d: {  	_ = 	snop  }
0x6e: {  	[tilespmem:s1], [sflag:$0x4] =	stream.indirect_vreg.gather [hbm4b:s13+s5], $0x80, v4, vm0, $0xb8;
	[tilespmem:$0x18200] =	vst v63  }
0x6f: {  	_ = 	snop  }
0x70: {  	[tilespmem:s19], [sflag:$0x4] =	stream.indirect_vreg.gather [hbm4b:s3+s5], $0x80, v3, vm0, $0xb8;
	[tilespmem:$0x18200] =	vst v63  }
0x71: {  	_ = 	snop  }
0x72: {  	[tilespmem:s20], [sflag:$0x4] =	stream.indirect_vreg.gather [hbm4b:s11+s5], $0x80, v3, vm0, $0xb8;
	[tilespmem:$0x18200] =	vst v63  }
0x73: {  	_ = 	snop  }
0x74: {  	[tilespmem:s16], [sflag:$0x4] =	stream.indirect_vreg.gather [hbm4b:s12+s5], $0x80, v3, vm0, $0xb8;
	[tilespmem:$0x18200] =	vst v63  }
0x75: {  	_ = 	snop  }
0x76: {  	[tilespmem:s6], [sflag:$0x4] =	stream.indirect_vreg.gather [hbm4b:s13+s5], $0x80, v3, vm0, $0xb8;
	[tilespmem:$0x18200] =	vst v63  }
0x77: {  	_ =	swait.ge [sflag:s7], $0x4000  }
0x78: {  	[sflag:s7] =	ssyncset.done $0x0  }
0x79: {  	[sflag:s7] =	ssyncadd.s32 $0xFFFFC000  }
0x7a: {  	_ =	swait.ge [sflag:s15], $0x4000  }
0x7b: {  	p0 =	seq.s32 s23, $0x0;
	[sflag:s15] =	ssyncset.done $0x0  }
0x7c: {  	s26 =	simm.s32 @!p0 $0x5;
	[sflag:s15] =	ssyncadd.s32 $0xFFFFC000  }
0x7d: {  	s28 =	simm.s32 $0xFFFFC000;
	_ =	swait.ge @!p0 [sflag:s26], $0x4000  }
0x7e: {  	s29 =	simm.s32 $0x0;
	s30 =	simm.s32 $0x0;
	[sflag:s26] =	ssyncset.done @!p0 $0x0  }
0x7f: {  	s24 =	sor.u32 $0x10, s25;
	[sflag:s26] =	ssyncadd.s32 @!p0 $0xFFFFC000;
	s26 =	simm.s32 $0x0  }
.LBB2_3:
0x80: {  	s31 =	sadd.s32 $0x4000, s28  }
0x81: {  	s0 =	sand.u32 $0x380, s30;
	s31 =	sand.u32 $0x2000, s31  }
0x82: {  	s31 =	sor.u32 s0, s31  }
0x83: {  	v3 =	vld [tilespmem:s31+$0x200]  }
0x84: {  	v4 =	vld [tilespmem:s31+$0x8200]  }
0x85: {  	v5 =	vld [tilespmem:s31+$0x210]  }
0x86: {  	v6 =	vld [tilespmem:s31+$0x8210]  }
0x87: {  	v7 =	vld [tilespmem:s31+$0x220]  }
0x88: {  	v8 =	vld [tilespmem:s31+$0x8220]  }
0x89: {  	v9 =	vld [tilespmem:s31+$0x230]  }
0x8a: {  	v10 =	vld [tilespmem:s31+$0x8230]  }
0x8b: {  	v11 =	vld [tilespmem:s31+$0x240]  }
0x8c: {  	v12 =	vld [tilespmem:s31+$0x8240]  }
0x8d: {  	v13 =	vld [tilespmem:s31+$0x250]  }
0x8e: {  	v14 =	vld [tilespmem:s31+$0x8250]  }
0x8f: {  	v15 =	vld [tilespmem:s31+$0x260]  }
0x90: {  	v16 =	vld [tilespmem:s31+$0x8260]  }
0x91: {  	v17 =	vld [tilespmem:s31+$0x270]  }
0x92: {  	v18 =	vld [tilespmem:s31+$0x8270]  }
0x93: {  	v19 =	vld [tilespmem:s31+$0x600]  }
0x94: {  	v20 =	vld [tilespmem:s31+$0x8600]  }
0x95: {  	v21 =	vld [tilespmem:s31+$0x610]  }
0x96: {  	v22 =	vld [tilespmem:s31+$0x8610]  }
0x97: {  	v23 =	vld [tilespmem:s31+$0x620]  }
0x98: {  	v24 =	vld [tilespmem:s31+$0x8620]  }
0x99: {  	v25 =	vld [tilespmem:s31+$0x630]  }
0x9a: {  	v26 =	vld [tilespmem:s31+$0x8630]  }
0x9b: {  	v27 =	vld [tilespmem:s31+$0x640]  }
0x9c: {  	v28 =	vld [tilespmem:s31+$0x8640]  }
0x9d: {  	v29 =	vld [tilespmem:s31+$0x650]  }
0x9e: {  	v30 =	vld [tilespmem:s31+$0x8650]  }
0x9f: {  	v31 =	vld [tilespmem:s31+$0x660]  }
0xa0: {  	v32 =	vld [tilespmem:s31+$0x8660]  }
0xa1: {  	v33 =	vld [tilespmem:s31+$0x670]  }
0xa2: {  	v34 =	vld [tilespmem:s31+$0x8670]  }
0xa3: {  	v35 =	vld [tilespmem:s31+$0xA00]  }
0xa4: {  	v36 =	vld [tilespmem:s31+$0x8A00]  }
0xa5: {  	v37 =	vld [tilespmem:s31+$0xA10]  }
0xa6: {  	v38 =	vld [tilespmem:s31+$0x8A10]  }
0xa7: {  	v39 =	vld [tilespmem:s31+$0xA20]  }
0xa8: {  	v40 =	vld [tilespmem:s31+$0x8A20]  }
0xa9: {  	v41 =	vld [tilespmem:s31+$0xA30]  }
0xaa: {  	v42 =	vld [tilespmem:s31+$0x8A30]  }
0xab: {  	v43 =	vld [tilespmem:s31+$0xA40]  }
0xac: {  	v44 =	vld [tilespmem:s31+$0x8A40]  }
0xad: {  	v45 =	vld [tilespmem:s31+$0xA50]  }
0xae: {  	v46 =	vld [tilespmem:s31+$0x8A50]  }
0xaf: {  	v47 =	vld [tilespmem:s31+$0xA60]  }
0xb0: {  	v48 =	vld [tilespmem:s31+$0x8A60]  }
0xb1: {  	v49 =	vld [tilespmem:s31+$0xA70]  }
0xb2: {  	v50 =	vld [tilespmem:s31+$0x8A70]  }
0xb3: {  	v51 =	vld [tilespmem:s31+$0xE00]  }
0xb4: {  	v52 =	vld [tilespmem:s31+$0x8E00]  }
0xb5: {  	v53 =	vld [tilespmem:s31+$0xE10]  }
0xb6: {  	v54 =	vld [tilespmem:s31+$0x8E10]  }
0xb7: {  	v55 =	vld [tilespmem:s31+$0xE20]  }
0xb8: {  	v56 =	vld [tilespmem:s31+$0x8E20]  }
0xb9: {  	v57 =	vld [tilespmem:s31+$0xE30]  }
0xba: {  	v58 =	vld [tilespmem:s31+$0x8E30]  }
0xbb: {  	v59 =	vld [tilespmem:s31+$0xE40]  }
0xbc: {  	v60 =	vld [tilespmem:s31+$0x8E40]  }
0xbd: {  	v61 =	vld [tilespmem:s31+$0xE50]  }
0xbe: {  	v62 =	vld [tilespmem:s31+$0x8E50]  }
0xbf: {  	v63 =	vld [tilespmem:s31+$0xE60]  }
0xc0: {  	v3 =	vadd.f32 v4, v3;
	v4 =	vld [tilespmem:s31+$0x8E60]  }
0xc1: {  	v5 =	vadd.f32 v6, v5;
	v6 =	vld [tilespmem:s31+$0xE70]  }
0xc2: {  	v14 =	vadd.f32 v14, v13;
	v13 =	vld [tilespmem:s31+$0x9220];
	[tilespmem:s31+$0x10200] =	vst v3  }
0xc3: {  	v18 =	vadd.f32 v18, v17;
	v17 =	vld [tilespmem:s31+$0x9240];
	v3 =	vadd.f32 v8, v7;
	[tilespmem:s31+$0x10210] =	vst v5  }
0xc4: {  	v22 =	vadd.f32 v22, v21;
	v21 =	vld [tilespmem:s31+$0x9260];
	[tilespmem:s31+$0x10250] =	vst v14  }
0xc5: {  	v7 =	vld [tilespmem:s31+$0x8E70];
	[tilespmem:s31+$0x10220] =	vst v3;
	v3 =	vadd.f32 v12, v11  }
0xc6: {  	v8 =	vld [tilespmem:s31+$0x1200];
	[tilespmem:s31+$0x10270] =	vst v18  }
0xc7: {  	v5 =	vadd.f32 v10, v9;
	v9 =	vld [tilespmem:s31+$0x9200];
	[tilespmem:s31+$0x10240] =	vst v3;
	v3 =	vadd.f32 v16, v15  }
0xc8: {  	v26 =	vadd.f32 v26, v25;
	v10 =	vld [tilespmem:s31+$0x1210];
	[tilespmem:s31+$0x10610] =	vst v22  }
0xc9: {  	v14 =	vld [tilespmem:s31+$0x1230];
	[tilespmem:s31+$0x10260] =	vst v3;
	v3 =	vadd.f32 v20, v19  }
0xca: {  	v30 =	vadd.f32 v30, v29;
	[tilespmem:s31+$0x10630] =	vst v26;
	v18 =	vld [tilespmem:s31+$0x1250]  }
0xcb: {  	v19 =	vld [tilespmem:s31+$0x9250];
	[tilespmem:s31+$0x10600] =	vst v3;
	v3 =	vadd.f32 v24, v23  }
0xcc: {  	v34 =	vadd.f32 v34, v33;
	[tilespmem:s31+$0x10650] =	vst v30;
	v22 =	vld [tilespmem:s31+$0x1270]  }
0xcd: {  	v11 =	vld [tilespmem:s31+$0x9210];
	[tilespmem:s31+$0x10620] =	vst v3;
	v3 =	vadd.f32 v28, v27  }
0xce: {  	[tilespmem:s31+$0x10670] =	vst v34;
	v12 =	vld [tilespmem:s31+$0x1220]  }
0xcf: {  	v15 =	vld [tilespmem:s31+$0x9230];
	[tilespmem:s31+$0x10640] =	vst v3;
	v3 =	vadd.f32 v32, v31  }
0xd0: {  	[tilespmem:s31+$0x10230] =	vst v5;
	v16 =	vld [tilespmem:s31+$0x1240];
	v19 =	vadd.f32 v19, v18  }
0xd1: {  	v20 =	vld [tilespmem:s31+$0x1260];
	[tilespmem:s31+$0x10660] =	vst v3;
	v3 =	vadd.f32 v36, v35  }
0xd2: {  	v24 =	vld [tilespmem:s31+$0x1600];
	[tilespmem:s31+$0x11250] =	vst v19;
	v36 =	vadd.f32 v38, v37  }
0xd3: {  	v37 =	vld [tilespmem:s31+$0x9270];
	[tilespmem:s31+$0x10A00] =	vst v3;
	v3 =	vadd.f32 v40, v39  }
0xd4: {  	v38 =	vadd.f32 v42, v41;
	v41 =	vld [tilespmem:s31+$0x1610];
	[tilespmem:s31+$0x10A10] =	vst v36  }
0xd5: {  	v42 =	vld [tilespmem:s31+$0x9610];
	[tilespmem:s31+$0x10A20] =	vst v3;
	v3 =	vadd.f32 v44, v43  }
0xd6: {  	v35 =	vld [tilespmem:s31+$0x1A10];
	[tilespmem:s31+$0x10A30] =	vst v38;
	v40 =	vadd.f32 v46, v45  }
0xd7: {  	v39 =	vld [tilespmem:s31+$0x9600];
	[tilespmem:s31+$0x10A40] =	vst v3;
	v3 =	vadd.f32 v48, v47  }
0xd8: {  	v45 =	vld [tilespmem:s31+$0x9620];
	v46 =	vadd.f32 v54, v53;
	[tilespmem:s31+$0x10A50] =	vst v40  }
0xd9: {  	v53 =	vld [tilespmem:s31+$0x1650];
	[tilespmem:s31+$0x10A60] =	vst v3;
	v3 =	vadd.f32 v52, v51  }
0xda: {  	v54 =	vld [tilespmem:s31+$0x9650];
	v43 =	vadd.f32 v50, v49;
	[tilespmem:s31+$0x10E10] =	vst v46  }
0xdb: {  	v36 =	vld [tilespmem:s31+$0x9A10];
	[tilespmem:s31+$0x10E00] =	vst v3;
	v3 =	vadd.f32 v56, v55  }
0xdc: {  	v38 =	vld [tilespmem:s31+$0x1A20];
	v49 =	vadd.f32 v58, v57;
	[tilespmem:s31+$0x10A70] =	vst v43  }
0xdd: {  	v44 =	vld [tilespmem:s31+$0x1620];
	[tilespmem:s31+$0x10E20] =	vst v3;
	v3 =	vadd.f32 v60, v59  }
0xde: {  	v50 =	vld [tilespmem:s31+$0x1640];
	v58 =	vadd.f32 v11, v10;
	[tilespmem:s31+$0x10E30] =	vst v49  }
0xdf: {  	v57 =	vld [tilespmem:s31+$0x9660];
	[tilespmem:s31+$0x10E40] =	vst v3;
	v3 =	vadd.f32 v4, v63  }
0xe0: {  	v46 =	vld [tilespmem:s31+$0x1A50];
	v37 =	vadd.f32 v37, v22;
	[tilespmem:s31+$0x11210] =	vst v58  }
0xe1: {  	v40 =	vadd.f32 v42, v41;
	v41 =	vld [tilespmem:s31+$0x1A30];
	[tilespmem:s31+$0x10E60] =	vst v3;
	v3 =	vadd.f32 v9, v8  }
0xe2: {  	v42 =	vld [tilespmem:s31+$0x9A30];
	[tilespmem:s31+$0x11270] =	vst v37  }
0xe3: {  	v47 =	vld [tilespmem:s31+$0x1630];
	[tilespmem:s31+$0x11200] =	vst v3;
	v3 =	vadd.f32 v13, v12  }
0xe4: {  	v48 =	vld [tilespmem:s31+$0x9630];
	[tilespmem:s31+$0x11610] =	vst v40;
	v52 =	vadd.f32 v62, v61  }
0xe5: {  	v49 =	vld [tilespmem:s31+$0x1A60];
	[tilespmem:s31+$0x11220] =	vst v3;
	v3 =	vadd.f32 v17, v16  }
0xe6: {  	v51 =	vld [tilespmem:s31+$0x9640];
	v61 =	vadd.f32 v15, v14;
	[tilespmem:s31+$0x10E50] =	vst v52  }
0xe7: {  	v62 =	vld [tilespmem:s31+$0x1A00];
	[tilespmem:s31+$0x11240] =	vst v3;
	v3 =	vadd.f32 v21, v20  }
0xe8: {  	v55 =	vadd.f32 v7, v6;
	v56 =	vld [tilespmem:s31+$0x1660];
	[tilespmem:s31+$0x11230] =	vst v61  }
0xe9: {  	v52 =	vld [tilespmem:s31+$0x1A70];
	[tilespmem:s31+$0x11260] =	vst v3;
	v3 =	vadd.f32 v39, v24  }
0xea: {  	v43 =	vadd.f32 v48, v47;
	v47 =	vld [tilespmem:s31+$0x9A50];
	[tilespmem:s31+$0x10E70] =	vst v55  }
0xeb: {  	v59 =	vld [tilespmem:s31+$0x1670];
	[tilespmem:s31+$0x11600] =	vst v3;
	v3 =	vadd.f32 v45, v44  }
0xec: {  	[tilespmem:s31+$0x11630] =	vst v43;
	v63 =	vld [tilespmem:s31+$0x9A00];
	v4 =	vadd.f32 v54, v53  }
0xed: {  	v60 =	vld [tilespmem:s31+$0x9670];
	[tilespmem:s31+$0x11620] =	vst v3;
	v3 =	vadd.f32 v51, v50  }
0xee: {  	v54 =	vadd.f32 v42, v41;
	[tilespmem:s31+$0x11650] =	vst v4;
	v39 =	vld [tilespmem:s31+$0x9A20]  }
0xef: {  	v44 =	vld [tilespmem:s31+$0x1A40];
	[tilespmem:s31+$0x11640] =	vst v3;
	v3 =	vadd.f32 v57, v56  }
0xf0: {  	[tilespmem:s31+$0x11A30] =	vst v54;
	v55 =	vadd.f32 v47, v46;
	v45 =	vld [tilespmem:s31+$0x9A40]  }
0xf1: {  	v53 =	vld [tilespmem:s31+$0x9A70];
	[tilespmem:s31+$0x11660] =	vst v3;
	v3 =	vadd.f32 v63, v62  }
0xf2: {  	v48 =	vadd.f32 v60, v59;
	[tilespmem:s31+$0x11A50] =	vst v55;
	v50 =	vld [tilespmem:s31+$0x9A60]  }
0xf3: {  	[tilespmem:s31+$0x11A00] =	vst v3;
	v3 =	vadd.f32 v39, v38  }
0xf4: {  	[tilespmem:s31+$0x11670] =	vst v48;
	v51 =	vadd.f32 v36, v35  }
0xf5: {  	[tilespmem:s31+$0x11A20] =	vst v3;
	v3 =	vadd.f32 v45, v44  }
0xf6: {  	s0 =	sand.u32 $0x7, s26;
	[tilespmem:s31+$0x11A10] =	vst v51;
	v56 =	vadd.f32 v53, v52  }
0xf7: {  	s0 =	sshll.u32 s0, $0x7;
	[tilespmem:s31+$0x11A40] =	vst v3;
	v3 =	vadd.f32 v50, v49  }
0xf8: {  	s0 =	sadd.s32 s0, s29;
	[tilespmem:s31+$0x11A70] =	vst v56  }
0xf9: {  	[tilespmem:s31+$0x11A60] =	vst v3;
	s31 =	sor.u32 $0x1C00, s0  }
0xfa: {  	v3 =	vld [tilespmem:s31+$0x200]  }
0xfb: {  	v4 =	vld [tilespmem:s31+$0x8200];
	_ =	sdelay $0x4  }
0xfc: {  	v3 =	vadd.f32 v4, v3;
	_ =	sdelay $0x1  }
0xfd: {  	[tilespmem:s31+$0x10200] =	vst v3;
	s31 =	sor.u32 $0x1C10, s0  }
0xfe: {  	v3 =	vld [tilespmem:s31+$0x200]  }
0xff: {  	v57 =	vld [tilespmem:s31+$0x8200];
	_ =	sdelay $0x4  }
0x100: {  	v3 =	vadd.f32 v57, v3;
	_ =	sdelay $0x1  }
0x101: {  	[tilespmem:s31+$0x10200] =	vst v3;
	s31 =	sor.u32 $0x1C20, s0  }
0x102: {  	v3 =	vld [tilespmem:s31+$0x200]  }
0x103: {  	v58 =	vld [tilespmem:s31+$0x8200];
	_ =	sdelay $0x4  }
0x104: {  	v3 =	vadd.f32 v58, v3;
	_ =	sdelay $0x1  }
0x105: {  	[tilespmem:s31+$0x10200] =	vst v3;
	s31 =	sor.u32 $0x1C30, s0  }
0x106: {  	v3 =	vld [tilespmem:s31+$0x200]  }
0x107: {  	v59 =	vld [tilespmem:s31+$0x8200];
	_ =	sdelay $0x4  }
0x108: {  	v3 =	vadd.f32 v59, v3;
	_ =	sdelay $0x1  }
0x109: {  	[tilespmem:s31+$0x10200] =	vst v3;
	s31 =	sor.u32 $0x1C40, s0  }
0x10a: {  	v3 =	vld [tilespmem:s31+$0x200]  }
0x10b: {  	v60 =	vld [tilespmem:s31+$0x8200];
	_ =	sdelay $0x4  }
0x10c: {  	v3 =	vadd.f32 v60, v3;
	_ =	sdelay $0x1  }
0x10d: {  	[tilespmem:s31+$0x10200] =	vst v3;
	s31 =	sor.u32 $0x1C50, s0  }
0x10e: {  	v3 =	vld [tilespmem:s31+$0x200]  }
0x10f: {  	v61 =	vld [tilespmem:s31+$0x8200];
	_ =	sdelay $0x4  }
0x110: {  	v3 =	vadd.f32 v61, v3;
	_ =	sdelay $0x1  }
0x111: {  	[tilespmem:s31+$0x10200] =	vst v3;
	s31 =	sor.u32 $0x1C60, s0  }
0x112: {  	v3 =	vld [tilespmem:s31+$0x200]  }
0x113: {  	v62 =	vld [tilespmem:s31+$0x8200];
	_ =	sdelay $0x4  }
0x114: {  	v3 =	vadd.f32 v62, v3;
	_ =	sdelay $0x1  }
0x115: {  	s0 =	sor.u32 $0x1C70, s0;
	[tilespmem:s31+$0x10200] =	vst v3  }
0x116: {  	v3 =	vld [tilespmem:s0+$0x200]  }
0x117: {  	v63 =	vld [tilespmem:s0+$0x8200];
	_ =	sdelay $0x1  }
0x118: {  	p1 =	sne.s32 s30, $0x780  }
.Ltmp0:
0x119: {  	_ = 	snop;
	(pc) =	sbr.rel @p1 .LBB2_3-.Ltmp0, $4  }
0x11a: {  	_ = 	snop  }
0x11b: {  	v3 =	vadd.f32 v63, v3  }
0x11c: {  	s28 =	sadd.s32 $0x400, s28  }
0x11d: {  	s30 =	sadd.s32 $0x80, s30;
	s26 =	sadd.s32 $0x1, s26;
	s29 =	sadd.s32 $0x400, s29;
	[tilespmem:s0+$0x10200] =	vst v3  }
0x11e: {  	s0 =	sshll.u32 s23, $0xF  }
0x11f: {  	s0 =	sadd.s32 s14, s0  }
0x120: {  	s0 =	sshrl.u32 s0, $0x3  }
0x121: {  	p1 =	seq.s32 s23, $0x7;
	s0 =	sadd.s32 s4, s0  }
0x122: {  	[hbm4b:s0+s5] =	stream.linear.scatter [tilespmem:s17], [sflag:$0x5], $0x4000, $0x38;
	[tilespmem:$0x18200] =	vst v63  }
0x123: {  	v3 =	vld @!p1 [tilespmem:s25+$0x20];
	_ =	sdelay $0x4  }
0x124: {  	v4 =	vshll.u32 @!p1 v3, $0x3  }
0x125: {  	v5 =	vlaneseq.u32 @!p1;
	v3 =	vand.u32 @!p1 $0x7, v3;
	v4 =	vand.u32 @!p1 $0xFFFFFFC0, v4  }
0x126: {  	v6 =	vshrl.u32 @!p1 v5, $0x3;
	v3 =	vor.u32 @!p1 v3, v4;
	v4 =	vand.u32 @!p1 $0x7, v5  }
0x127: {  	v6 =	vmul.u32 @!p1 $0x8, v6;
	v7 =	vperm.xlane @!p1 v3, v4;
	_ =	sdelay $0x1  }
0x128: {  	v7 =	vadd.s32 @!p1 v6, v7;
	_ =	sdelay $0x3  }
0x129: {  	vm1 =	vmmov @!p1 $0xffff;
	s26 =	simm.s32 @!p1 $0x200;
	s0 =	simm.s32 @!p1 $0x0  }
0x12a: {  	v5 =	vor.u32 @!p1 $0x8, v5;
	[tilespmem:s26], [sflag:$0x1] =	stream.indirect_vreg.gather @!p1 [hbm4b:s2+s0], $0x80, v7, vm1, $0xb8;
	[tilespmem:$0x18200] =	vst v63  }
0x12b: {  	v3 =	vperm.xlane @!p1 v3, v5;
	s26 =	simm.s32 @!p1 $0xA00  }
0x12c: {  	[tilespmem:s26], [sflag:$0x1] =	stream.indirect_vreg.gather @!p1 [hbm4b:s8+s0], $0x80, v7, vm1, $0xb8;
	[tilespmem:$0x18200] =	vst v63  }
0x12d: {  	v3 =	vadd.s32 @!p1 v6, v3;
	s26 =	simm.s32 @!p1 $0x1200  }
0x12e: {  	[tilespmem:s26], [sflag:$0x1] =	stream.indirect_vreg.gather @!p1 [hbm4b:s9+s0], $0x80, v7, vm1, $0xb8;
	[tilespmem:$0x18200] =	vst v63  }
0x12f: {  	s26 =	simm.s32 @!p1 $0x1A00  }
0x130: {  	[tilespmem:s26], [sflag:$0x1] =	stream.indirect_vreg.gather @!p1 [hbm4b:s10+s0], $0x80, v7, vm1, $0xb8;
	[tilespmem:$0x18200] =	vst v63  }
0x131: {  	s26 =	simm.s32 @!p1 $0x2200  }
0x132: {  	[tilespmem:s26], [sflag:$0x1] =	stream.indirect_vreg.gather @!p1 [hbm4b:s2+s0], $0x80, v3, vm1, $0xb8;
	[tilespmem:$0x18200] =	vst v63  }
0x133: {  	s26 =	simm.s32 @!p1 $0x2A00  }
0x134: {  	[tilespmem:s26], [sflag:$0x1] =	stream.indirect_vreg.gather @!p1 [hbm4b:s8+s0], $0x80, v3, vm1, $0xb8;
	[tilespmem:$0x18200] =	vst v63  }
0x135: {  	s26 =	simm.s32 @!p1 $0x3200  }
0x136: {  	[tilespmem:s26], [sflag:$0x1] =	stream.indirect_vreg.gather @!p1 [hbm4b:s9+s0], $0x80, v3, vm1, $0xb8;
	[tilespmem:$0x18200] =	vst v63  }
0x137: {  	s26 =	simm.s32 @!p1 $0x3A00  }
0x138: {  	[tilespmem:s26], [sflag:$0x1] =	stream.indirect_vreg.gather @!p1 [hbm4b:s10+s0], $0x80, v3, vm1, $0xb8;
	[tilespmem:$0x18200] =	vst v63  }
0x139: {  	v3 =	vld @!p1 [tilespmem:s25+$0x120];
	_ =	sdelay $0x4  }
0x13a: {  	v7 =	vshll.u32 @!p1 v3, $0x3  }
0x13b: {  	v3 =	vand.u32 @!p1 $0x7, v3;
	v7 =	vand.u32 @!p1 $0xFFFFFFC0, v7  }
0x13c: {  	v3 =	vor.u32 @!p1 v3, v7  }
0x13d: {  	v4 =	vperm.xlane @!p1 v3, v4;
	_ =	sdelay $0x1  }
0x13e: {  	v4 =	vadd.s32 @!p1 v6, v4;
	_ =	sdelay $0x3  }
0x13f: {  	s25 =	simm.s32 @!p1 $0x8200  }
0x140: {  	[tilespmem:s25], [sflag:$0x3] =	stream.indirect_vreg.gather @!p1 [hbm4b:s3+s0], $0x80, v4, vm1, $0xb8;
	[tilespmem:$0x18200] =	vst v63  }
0x141: {  	v3 =	vperm.xlane @!p1 v3, v5;
	s25 =	simm.s32 @!p1 $0x8A00  }
0x142: {  	[tilespmem:s25], [sflag:$0x3] =	stream.indirect_vreg.gather @!p1 [hbm4b:s11+s0], $0x80, v4, vm1, $0xb8;
	[tilespmem:$0x18200] =	vst v63  }
0x143: {  	v3 =	vadd.s32 @!p1 v6, v3;
	s25 =	simm.s32 @!p1 $0x9200  }
0x144: {  	[tilespmem:s25], [sflag:$0x3] =	stream.indirect_vreg.gather @!p1 [hbm4b:s12+s0], $0x80, v4, vm1, $0xb8;
	[tilespmem:$0x18200] =	vst v63  }
0x145: {  	s25 =	simm.s32 @!p1 $0x9A00  }
0x146: {  	[tilespmem:s25], [sflag:$0x3] =	stream.indirect_vreg.gather @!p1 [hbm4b:s13+s0], $0x80, v4, vm1, $0xb8;
	[tilespmem:$0x18200] =	vst v63  }
0x147: {  	s25 =	simm.s32 @!p1 $0xA200  }
0x148: {  	[tilespmem:s25], [sflag:$0x3] =	stream.indirect_vreg.gather @!p1 [hbm4b:s3+s0], $0x80, v3, vm1, $0xb8;
	[tilespmem:$0x18200] =	vst v63  }
0x149: {  	s25 =	simm.s32 @!p1 $0xAA00  }
0x14a: {  	[tilespmem:s25], [sflag:$0x3] =	stream.indirect_vreg.gather @!p1 [hbm4b:s11+s0], $0x80, v3, vm1, $0xb8;
	[tilespmem:$0x18200] =	vst v63  }
0x14b: {  	s25 =	simm.s32 @!p1 $0xB200  }
0x14c: {  	[tilespmem:s25], [sflag:$0x3] =	stream.indirect_vreg.gather @!p1 [hbm4b:s12+s0], $0x80, v3, vm1, $0xb8;
	[tilespmem:$0x18200] =	vst v63  }
0x14d: {  	s25 =	simm.s32 @!p1 $0xBA00  }
0x14e: {  	[tilespmem:s25], [sflag:$0x3] =	stream.indirect_vreg.gather @!p1 [hbm4b:s13+s0], $0x80, v3, vm1, $0xb8;
	[tilespmem:$0x18200] =	vst v63  }
0x14f: {  	_ =	swait.ge [sflag:s18], $0x4000  }
0x150: {  	[sflag:s18] =	ssyncset.done $0x0  }
0x151: {  	[sflag:s18] =	ssyncadd.s32 $0xFFFFC000  }
0x152: {  	_ =	swait.ge [sflag:s21], $0x4000  }
0x153: {  	[sflag:s21] =	ssyncset.done $0x0  }
0x154: {  	s0 =	simm.s32 @!p0 $0x6;
	[sflag:s21] =	ssyncadd.s32 $0xFFFFC000  }
0x155: {  	_ =	swait.ge @!p0 [sflag:s0], $0x4000  }
0x156: {  	s28 =	simm.s32 $0x0;
	s29 =	simm.s32 $0x0;
	[sflag:s0] =	ssyncset.done @!p0 $0x0  }
0x157: {  	s26 =	simm.s32 $0xFFFFC000;
	s25 =	simm.s32 $0x0;
	[sflag:s0] =	ssyncadd.s32 @!p0 $0xFFFFC000  }
.LBB2_5:
0x158: {  	s0 =	sadd.s32 $0x4000, s26  }
0x159: {  	s30 =	sand.u32 $0x380, s29;
	s0 =	sand.u32 $0x2000, s0  }
0x15a: {  	s30 =	sor.u32 s30, s0  }
0x15b: {  	v3 =	vld [tilespmem:s30+$0x4200]  }
0x15c: {  	v4 =	vld [tilespmem:s30+$0xC200]  }
0x15d: {  	v5 =	vld [tilespmem:s30+$0x4210]  }
0x15e: {  	v6 =	vld [tilespmem:s30+$0xC210]  }
0x15f: {  	v7 =	vld [tilespmem:s30+$0x4220]  }
0x160: {  	v8 =	vld [tilespmem:s30+$0xC220]  }
0x161: {  	v9 =	vld [tilespmem:s30+$0x4230]  }
0x162: {  	v10 =	vld [tilespmem:s30+$0xC230]  }
0x163: {  	v11 =	vld [tilespmem:s30+$0x4240]  }
0x164: {  	v12 =	vld [tilespmem:s30+$0xC240]  }
0x165: {  	v13 =	vld [tilespmem:s30+$0x4250]  }
0x166: {  	v14 =	vld [tilespmem:s30+$0xC250]  }
0x167: {  	v15 =	vld [tilespmem:s30+$0x4260]  }
0x168: {  	v16 =	vld [tilespmem:s30+$0xC260]  }
0x169: {  	v17 =	vld [tilespmem:s30+$0x4270]  }
0x16a: {  	v18 =	vld [tilespmem:s30+$0xC270]  }
0x16b: {  	v19 =	vld [tilespmem:s30+$0x4600]  }
0x16c: {  	v20 =	vld [tilespmem:s30+$0xC600]  }
0x16d: {  	v21 =	vld [tilespmem:s30+$0x4610]  }
0x16e: {  	v22 =	vld [tilespmem:s30+$0xC610]  }
0x16f: {  	v23 =	vld [tilespmem:s30+$0x4620]  }
0x170: {  	v24 =	vld [tilespmem:s30+$0xC620]  }
0x171: {  	v25 =	vld [tilespmem:s30+$0x4630]  }
0x172: {  	v26 =	vld [tilespmem:s30+$0xC630]  }
0x173: {  	v27 =	vld [tilespmem:s30+$0x4640]  }
0x174: {  	v28 =	vld [tilespmem:s30+$0xC640]  }
0x175: {  	v29 =	vld [tilespmem:s30+$0x4650]  }
0x176: {  	v30 =	vld [tilespmem:s30+$0xC650]  }
0x177: {  	v31 =	vld [tilespmem:s30+$0x4660]  }
0x178: {  	v32 =	vld [tilespmem:s30+$0xC660]  }
0x179: {  	v33 =	vld [tilespmem:s30+$0x4670]  }
0x17a: {  	v34 =	vld [tilespmem:s30+$0xC670]  }
0x17b: {  	v35 =	vld [tilespmem:s30+$0x4A00]  }
0x17c: {  	v36 =	vld [tilespmem:s30+$0xCA00]  }
0x17d: {  	v37 =	vld [tilespmem:s30+$0x4A10]  }
0x17e: {  	v38 =	vld [tilespmem:s30+$0xCA10]  }
0x17f: {  	v39 =	vld [tilespmem:s30+$0x4A20]  }
0x180: {  	v40 =	vld [tilespmem:s30+$0xCA20]  }
0x181: {  	v41 =	vld [tilespmem:s30+$0x4A30]  }
0x182: {  	v42 =	vld [tilespmem:s30+$0xCA30]  }
0x183: {  	v43 =	vld [tilespmem:s30+$0x4A40]  }
0x184: {  	v44 =	vld [tilespmem:s30+$0xCA40]  }
0x185: {  	v45 =	vld [tilespmem:s30+$0x4A50]  }
0x186: {  	v46 =	vld [tilespmem:s30+$0xCA50]  }
0x187: {  	v47 =	vld [tilespmem:s30+$0x4A60]  }
0x188: {  	v48 =	vld [tilespmem:s30+$0xCA60]  }
0x189: {  	v49 =	vld [tilespmem:s30+$0x4A70]  }
0x18a: {  	v50 =	vld [tilespmem:s30+$0xCA70]  }
0x18b: {  	v51 =	vld [tilespmem:s30+$0x4E00]  }
0x18c: {  	v52 =	vld [tilespmem:s30+$0xCE00]  }
0x18d: {  	v53 =	vld [tilespmem:s30+$0x4E10]  }
0x18e: {  	v54 =	vld [tilespmem:s30+$0xCE10]  }
0x18f: {  	v55 =	vld [tilespmem:s30+$0x4E20]  }
0x190: {  	v56 =	vld [tilespmem:s30+$0xCE20]  }
0x191: {  	v57 =	vld [tilespmem:s30+$0x4E30]  }
0x192: {  	v58 =	vld [tilespmem:s30+$0xCE30]  }
0x193: {  	v59 =	vld [tilespmem:s30+$0x4E40]  }
0x194: {  	v60 =	vld [tilespmem:s30+$0xCE40]  }
0x195: {  	v61 =	vld [tilespmem:s30+$0x4E50]  }
0x196: {  	v62 =	vld [tilespmem:s30+$0xCE50]  }
0x197: {  	v63 =	vld [tilespmem:s30+$0x4E60]  }
0x198: {  	v3 =	vadd.f32 v4, v3;
	v4 =	vld [tilespmem:s30+$0xCE60]  }
0x199: {  	v5 =	vadd.f32 v6, v5;
	v6 =	vld [tilespmem:s30+$0x4E70]  }
0x19a: {  	v14 =	vadd.f32 v14, v13;
	v13 =	vld [tilespmem:s30+$0xD220];
	[tilespmem:s30+$0x14200] =	vst v3  }
0x19b: {  	v18 =	vadd.f32 v18, v17;
	v17 =	vld [tilespmem:s30+$0xD240];
	v3 =	vadd.f32 v8, v7;
	[tilespmem:s30+$0x14210] =	vst v5  }
0x19c: {  	v22 =	vadd.f32 v22, v21;
	v21 =	vld [tilespmem:s30+$0xD260];
	[tilespmem:s30+$0x14250] =	vst v14  }
0x19d: {  	v7 =	vld [tilespmem:s30+$0xCE70];
	[tilespmem:s30+$0x14220] =	vst v3;
	v3 =	vadd.f32 v12, v11  }
0x19e: {  	v8 =	vld [tilespmem:s30+$0x5200];
	[tilespmem:s30+$0x14270] =	vst v18  }
0x19f: {  	v5 =	vadd.f32 v10, v9;
	v9 =	vld [tilespmem:s30+$0xD200];
	[tilespmem:s30+$0x14240] =	vst v3;
	v3 =	vadd.f32 v16, v15  }
0x1a0: {  	v26 =	vadd.f32 v26, v25;
	v10 =	vld [tilespmem:s30+$0x5210];
	[tilespmem:s30+$0x14610] =	vst v22  }
0x1a1: {  	v14 =	vld [tilespmem:s30+$0x5230];
	[tilespmem:s30+$0x14260] =	vst v3;
	v3 =	vadd.f32 v20, v19  }
0x1a2: {  	v30 =	vadd.f32 v30, v29;
	[tilespmem:s30+$0x14630] =	vst v26;
	v18 =	vld [tilespmem:s30+$0x5250]  }
0x1a3: {  	v19 =	vld [tilespmem:s30+$0xD250];
	[tilespmem:s30+$0x14600] =	vst v3;
	v3 =	vadd.f32 v24, v23  }
0x1a4: {  	v34 =	vadd.f32 v34, v33;
	[tilespmem:s30+$0x14650] =	vst v30;
	v22 =	vld [tilespmem:s30+$0x5270]  }
0x1a5: {  	v11 =	vld [tilespmem:s30+$0xD210];
	[tilespmem:s30+$0x14620] =	vst v3;
	v3 =	vadd.f32 v28, v27  }
0x1a6: {  	[tilespmem:s30+$0x14670] =	vst v34;
	v12 =	vld [tilespmem:s30+$0x5220]  }
0x1a7: {  	v15 =	vld [tilespmem:s30+$0xD230];
	[tilespmem:s30+$0x14640] =	vst v3;
	v3 =	vadd.f32 v32, v31  }
0x1a8: {  	[tilespmem:s30+$0x14230] =	vst v5;
	v16 =	vld [tilespmem:s30+$0x5240];
	v19 =	vadd.f32 v19, v18  }
0x1a9: {  	v20 =	vld [tilespmem:s30+$0x5260];
	[tilespmem:s30+$0x14660] =	vst v3;
	v3 =	vadd.f32 v36, v35  }
0x1aa: {  	v24 =	vld [tilespmem:s30+$0x5600];
	[tilespmem:s30+$0x15250] =	vst v19;
	v36 =	vadd.f32 v38, v37  }
0x1ab: {  	v37 =	vld [tilespmem:s30+$0xD270];
	[tilespmem:s30+$0x14A00] =	vst v3;
	v3 =	vadd.f32 v40, v39  }
0x1ac: {  	v38 =	vadd.f32 v42, v41;
	v41 =	vld [tilespmem:s30+$0x5610];
	[tilespmem:s30+$0x14A10] =	vst v36  }
0x1ad: {  	v42 =	vld [tilespmem:s30+$0xD610];
	[tilespmem:s30+$0x14A20] =	vst v3;
	v3 =	vadd.f32 v44, v43  }
0x1ae: {  	v35 =	vld [tilespmem:s30+$0x5A10];
	[tilespmem:s30+$0x14A30] =	vst v38;
	v40 =	vadd.f32 v46, v45  }
0x1af: {  	v39 =	vld [tilespmem:s30+$0xD600];
	[tilespmem:s30+$0x14A40] =	vst v3;
	v3 =	vadd.f32 v48, v47  }
0x1b0: {  	v45 =	vld [tilespmem:s30+$0xD620];
	v46 =	vadd.f32 v54, v53;
	[tilespmem:s30+$0x14A50] =	vst v40  }
0x1b1: {  	v53 =	vld [tilespmem:s30+$0x5650];
	[tilespmem:s30+$0x14A60] =	vst v3;
	v3 =	vadd.f32 v52, v51  }
0x1b2: {  	v54 =	vld [tilespmem:s30+$0xD650];
	v43 =	vadd.f32 v50, v49;
	[tilespmem:s30+$0x14E10] =	vst v46  }
0x1b3: {  	v36 =	vld [tilespmem:s30+$0xDA10];
	[tilespmem:s30+$0x14E00] =	vst v3;
	v3 =	vadd.f32 v56, v55  }
0x1b4: {  	v38 =	vld [tilespmem:s30+$0x5A20];
	v49 =	vadd.f32 v58, v57;
	[tilespmem:s30+$0x14A70] =	vst v43  }
0x1b5: {  	v44 =	vld [tilespmem:s30+$0x5620];
	[tilespmem:s30+$0x14E20] =	vst v3;
	v3 =	vadd.f32 v60, v59  }
0x1b6: {  	v50 =	vld [tilespmem:s30+$0x5640];
	v58 =	vadd.f32 v11, v10;
	[tilespmem:s30+$0x14E30] =	vst v49  }
0x1b7: {  	v57 =	vld [tilespmem:s30+$0xD660];
	[tilespmem:s30+$0x14E40] =	vst v3;
	v3 =	vadd.f32 v4, v63  }
0x1b8: {  	v46 =	vld [tilespmem:s30+$0x5A50];
	v37 =	vadd.f32 v37, v22;
	[tilespmem:s30+$0x15210] =	vst v58  }
0x1b9: {  	v40 =	vadd.f32 v42, v41;
	v41 =	vld [tilespmem:s30+$0x5A30];
	[tilespmem:s30+$0x14E60] =	vst v3;
	v3 =	vadd.f32 v9, v8  }
0x1ba: {  	v42 =	vld [tilespmem:s30+$0xDA30];
	[tilespmem:s30+$0x15270] =	vst v37  }
0x1bb: {  	v47 =	vld [tilespmem:s30+$0x5630];
	[tilespmem:s30+$0x15200] =	vst v3;
	v3 =	vadd.f32 v13, v12  }
0x1bc: {  	v48 =	vld [tilespmem:s30+$0xD630];
	[tilespmem:s30+$0x15610] =	vst v40;
	v52 =	vadd.f32 v62, v61  }
0x1bd: {  	v49 =	vld [tilespmem:s30+$0x5A60];
	[tilespmem:s30+$0x15220] =	vst v3;
	v3 =	vadd.f32 v17, v16  }
0x1be: {  	v51 =	vld [tilespmem:s30+$0xD640];
	v61 =	vadd.f32 v15, v14;
	[tilespmem:s30+$0x14E50] =	vst v52  }
0x1bf: {  	v62 =	vld [tilespmem:s30+$0x5A00];
	[tilespmem:s30+$0x15240] =	vst v3;
	v3 =	vadd.f32 v21, v20  }
0x1c0: {  	v55 =	vadd.f32 v7, v6;
	v56 =	vld [tilespmem:s30+$0x5660];
	[tilespmem:s30+$0x15230] =	vst v61  }
0x1c1: {  	v52 =	vld [tilespmem:s30+$0x5A70];
	[tilespmem:s30+$0x15260] =	vst v3;
	v3 =	vadd.f32 v39, v24  }
0x1c2: {  	v43 =	vadd.f32 v48, v47;
	v47 =	vld [tilespmem:s30+$0xDA50];
	[tilespmem:s30+$0x14E70] =	vst v55  }
0x1c3: {  	v59 =	vld [tilespmem:s30+$0x5670];
	[tilespmem:s30+$0x15600] =	vst v3;
	v3 =	vadd.f32 v45, v44  }
0x1c4: {  	[tilespmem:s30+$0x15630] =	vst v43;
	v63 =	vld [tilespmem:s30+$0xDA00];
	v4 =	vadd.f32 v54, v53  }
0x1c5: {  	v60 =	vld [tilespmem:s30+$0xD670];
	[tilespmem:s30+$0x15620] =	vst v3;
	v3 =	vadd.f32 v51, v50  }
0x1c6: {  	v54 =	vadd.f32 v42, v41;
	[tilespmem:s30+$0x15650] =	vst v4;
	v39 =	vld [tilespmem:s30+$0xDA20]  }
0x1c7: {  	v44 =	vld [tilespmem:s30+$0x5A40];
	[tilespmem:s30+$0x15640] =	vst v3;
	v3 =	vadd.f32 v57, v56  }
0x1c8: {  	[tilespmem:s30+$0x15A30] =	vst v54;
	v55 =	vadd.f32 v47, v46;
	v45 =	vld [tilespmem:s30+$0xDA40]  }
0x1c9: {  	v53 =	vld [tilespmem:s30+$0xDA70];
	[tilespmem:s30+$0x15660] =	vst v3;
	v3 =	vadd.f32 v63, v62  }
0x1ca: {  	v48 =	vadd.f32 v60, v59;
	[tilespmem:s30+$0x15A50] =	vst v55;
	v50 =	vld [tilespmem:s30+$0xDA60]  }
0x1cb: {  	[tilespmem:s30+$0x15A00] =	vst v3;
	v3 =	vadd.f32 v39, v38  }
0x1cc: {  	[tilespmem:s30+$0x15670] =	vst v48;
	v51 =	vadd.f32 v36, v35  }
0x1cd: {  	[tilespmem:s30+$0x15A20] =	vst v3;
	v3 =	vadd.f32 v45, v44  }
0x1ce: {  	s31 =	sand.u32 $0x7, s25;
	[tilespmem:s30+$0x15A10] =	vst v51;
	v56 =	vadd.f32 v53, v52  }
0x1cf: {  	s0 =	sshll.u32 s31, $0x7;
	[tilespmem:s30+$0x15A40] =	vst v3;
	v3 =	vadd.f32 v50, v49  }
0x1d0: {  	s0 =	sadd.s32 s0, s28;
	[tilespmem:s30+$0x15A70] =	vst v56  }
0x1d1: {  	s31 =	sor.u32 $0x1C00, s0;
	[tilespmem:s30+$0x15A60] =	vst v3  }
0x1d2: {  	v3 =	vld [tilespmem:s31+$0x4200]  }
0x1d3: {  	v4 =	vld [tilespmem:s31+$0xC200];
	_ =	sdelay $0x4  }
0x1d4: {  	v3 =	vadd.f32 v4, v3;
	_ =	sdelay $0x1  }
0x1d5: {  	[tilespmem:s31+$0x14200] =	vst v3;
	s31 =	sor.u32 $0x1C10, s0  }
0x1d6: {  	v3 =	vld [tilespmem:s31+$0x4200]  }
0x1d7: {  	v57 =	vld [tilespmem:s31+$0xC200];
	_ =	sdelay $0x4  }
0x1d8: {  	v3 =	vadd.f32 v57, v3;
	_ =	sdelay $0x1  }
0x1d9: {  	[tilespmem:s31+$0x14200] =	vst v3;
	s31 =	sor.u32 $0x1C20, s0  }
0x1da: {  	v3 =	vld [tilespmem:s31+$0x4200]  }
0x1db: {  	v58 =	vld [tilespmem:s31+$0xC200];
	_ =	sdelay $0x4  }
0x1dc: {  	v3 =	vadd.f32 v58, v3;
	_ =	sdelay $0x1  }
0x1dd: {  	[tilespmem:s31+$0x14200] =	vst v3;
	s31 =	sor.u32 $0x1C30, s0  }
0x1de: {  	v3 =	vld [tilespmem:s31+$0x4200]  }
0x1df: {  	v59 =	vld [tilespmem:s31+$0xC200];
	_ =	sdelay $0x4  }
0x1e0: {  	v3 =	vadd.f32 v59, v3;
	_ =	sdelay $0x1  }
0x1e1: {  	[tilespmem:s31+$0x14200] =	vst v3;
	s31 =	sor.u32 $0x1C40, s0  }
0x1e2: {  	v3 =	vld [tilespmem:s31+$0x4200]  }
0x1e3: {  	v60 =	vld [tilespmem:s31+$0xC200];
	_ =	sdelay $0x4  }
0x1e4: {  	v3 =	vadd.f32 v60, v3;
	_ =	sdelay $0x1  }
0x1e5: {  	[tilespmem:s31+$0x14200] =	vst v3;
	s31 =	sor.u32 $0x1C50, s0  }
0x1e6: {  	v3 =	vld [tilespmem:s31+$0x4200]  }
0x1e7: {  	v61 =	vld [tilespmem:s31+$0xC200];
	_ =	sdelay $0x4  }
0x1e8: {  	v3 =	vadd.f32 v61, v3;
	_ =	sdelay $0x1  }
0x1e9: {  	[tilespmem:s31+$0x14200] =	vst v3;
	s31 =	sor.u32 $0x1C60, s0  }
0x1ea: {  	v3 =	vld [tilespmem:s31+$0x4200]  }
0x1eb: {  	v62 =	vld [tilespmem:s31+$0xC200];
	_ =	sdelay $0x4  }
0x1ec: {  	v3 =	vadd.f32 v62, v3;
	_ =	sdelay $0x1  }
0x1ed: {  	s0 =	sor.u32 $0x1C70, s0;
	[tilespmem:s31+$0x14200] =	vst v3  }
0x1ee: {  	v3 =	vld [tilespmem:s0+$0x4200]  }
0x1ef: {  	v63 =	vld [tilespmem:s0+$0xC200];
	_ =	sdelay $0x1  }
0x1f0: {  	p0 =	sne.s32 s29, $0x780  }
.Ltmp1:
0x1f1: {  	_ = 	snop;
	(pc) =	sbr.rel @p0 .LBB2_5-.Ltmp1, $4  }
0x1f2: {  	_ = 	snop  }
0x1f3: {  	v3 =	vadd.f32 v63, v3  }
0x1f4: {  	s25 =	sadd.s32 $0x1, s25  }
0x1f5: {  	s26 =	sadd.s32 $0x400, s26;
	s29 =	sadd.s32 $0x80, s29;
	s28 =	sadd.s32 $0x400, s28;
	[tilespmem:s0+$0x14200] =	vst v3  }
0x1f6: {  	s23 =	sadd.s32 $0x1, s23  }
0x1f7: {  	p0 =	sne.s32 s23, $0x8  }
.Ltmp2:
0x1f8: {  	s0 =	sshll.u32 s24, $0xA;
	(pc) =	sbr.rel @p0 .LBB2_2-.Ltmp2, $4  }
0x1f9: {  	s0 =	sadd.s32 s14, s0  }
0x1fa: {  	s0 =	sshrl.u32 s0, $0x3  }
0x1fb: {  	s0 =	sadd.s32 s4, s0  }
0x1fc: {  	[hbm4b:s0+s5] =	stream.linear.scatter [tilespmem:s22], [sflag:$0x6], $0x4000, $0x38;
	[tilespmem:$0x18200] =	vst v63  }
0x1fd: {  	s0 =	simm.s32 $0x5  }
0x1fe: {  	_ =	swait.ge [sflag:s0], $0x4000  }
0x1ff: {  	[sflag:s0] =	ssyncset.done $0x0  }
0x200: {  	s23 =	simm.s32 $0x6;
	[sflag:s0] =	ssyncadd.s32 $0xFFFFC000  }
0x201: {  	_ =	swait.ge [sflag:s23], $0x4000  }
0x202: {  	s24 =	rddreg [dreg:$0x9]  }
0x203: {  	s31 =	rddreg [dreg:$0x8];
	s24 =	sadd.s32 $0x1, s24  }
0x204: {  	p0 =	sne.s32 s24, s31  }
.Ltmp3:
0x205: {  	_ = 	snop;
	(pc) =	sbr.rel @p0 .LBB2_1-.Ltmp3, $3  }
0x206: {  	_ =	sdelay $0x1  }
0x207: {  	[sflag:s23] =	ssyncset.done $0x0  }
0x208: {  	[sflag:s23] =	ssyncadd.s32 $0xFFFFC000  }
0x209: {  	_ =	sfence.sel $0x180000  }
0x20a: {  	[bflag:$0x0] =	sbarrier.arrive $0xFFFF  }
0x20b: {  	_ =	strace $0x90000047  }
0x20c: {  	s0 =	stileid.u32;
	[bflag:$0x2] =	sbarrier.arrive $0xFFFF  }
0x20d: {  	p0 =	sne.s32 s0, $0x0;
	s0 =	rddreg [dreg:$0x5]  }
0x20e: {  	s0 =	sadd.s32 @!p0 $0x100000, s0  }
0x20f: {  	[sflag:s0] =	ssyncadd.tile.s32 @!p0 $0x1;
	_ =	shalt  }
.Lfunc_end2:
_tile_overlayer_lowered:
.L_overlay_start_2:
0x210: {  	(tag) =	ssettag $0x2  }
0x211: {  	s0 =	rddreg [dreg:$0x0];
	s2 =	stileid.u32  }
0x212: {  	s1 =	rddreg [dreg:$0x1];
	p0 =	sne.s32 s2, $0x0  }
0x213: {  	s3 =	rddreg [dreg:$0x2];
	[bflag:$0x3] =	sbarrier.arrive $0xFFFF;
	s2 =	simm.s32 @!p0 $0x1C07  }
0x214: {  	[timem:s3], [sflag:s2] =	dma.local @!p0 [hbm:s0], s1  }
0x215: {  	s0 =	simm.s32 @!p0 $0x7  }
0x216: {  	_ =	swait.ge @!p0 [sflag:s0], s1  }
0x217: {  	s1 =	ssub.s32 @!p0 $0x0, s1;
	[sflag:s0] =	ssyncset.done @!p0 $0x0  }
0x218: {  	[sflag:s0] =	ssyncadd.s32 @!p0 s1  }
0x219: {  	[bflag:$0x3] =	sbarrier.arrive $0xFFFF  }
0x21a: {  	_ =	shalt  }

</sc_bundles>
